<compile_context>
chip_gen: v7x
topology: tpu7x:2x2x1
jax: 0.10.2.dev20260603
libtpu: 0.0.44.dev20260713+nightly
codegen_flags: <defaults>
</compile_context>

<pallas_src>
import functools

import jax
import jax.numpy as jnp
from jax import lax
from jax.experimental import pallas as pl
from jax.experimental.pallas import tpu as pltpu
from jax.experimental.pallas import tpu_sc as plsc

B = 16384
N_FIELDS = 26
VOCAB = 100000
EMB_DIM = 32
OUT_ROWS = N_FIELDS * EMB_DIM
NUM_WORKERS = 32
LANES = 16
QTR = B // 4
GUNROLL = 32


@functools.partial(
    pl.kernel,
    mesh=plsc.VectorSubcoreMesh(core_axis_name="c", subcore_axis_name="s"),
    out_type=jax.ShapeDtypeStruct((OUT_ROWS, B), jnp.float32),
    compiler_params=pltpu.CompilerParams(needs_layout_passes=False),
    scratch_types=[
        pltpu.VMEM((VOCAB,), jnp.float32),
        pltpu.VMEM((B,), jnp.int32),
        pltpu.VMEM((QTR,), jnp.float32),
        pltpu.VMEM((QTR,), jnp.float32),
        pltpu.SemaphoreType.DMA,
        pltpu.SemaphoreType.DMA,
        pltpu.SemaphoreType.DMA,
        pltpu.SemaphoreType.DMA,
    ],
)
def _gather_all(tab_hbm, cat_hbm, out_hbm, row_v, idx_v, out0, out1,
                rsem, isem, wsem0, wsem1):
    wid = lax.axis_index("s") * 2 + lax.axis_index("c")
    outs = (out0, out1)
    wsems = (wsem0, wsem1)

    def drain_writes():
        for sem, ob in zip(wsems, outs):
            pltpu.make_async_copy(
                tab_hbm.at[0, 0, pl.ds(0, QTR)], ob, sem).wait()

    def per_field(j, carry):
        f = lax.rem(j + wid, N_FIELDS)
        rd = pltpu.async_copy(tab_hbm.at[f, wid], row_v, rsem)
        ix = pltpu.async_copy(cat_hbm.at[f], idx_v, isem)
        q = f * EMB_DIM + wid
        ix.wait()
        rd.wait()

        @pl.when(j > 0)
        def _():
            drain_writes()

        for h in range(4):
            ob = outs[h % 2]

            def gather(g, c2):
                base = h * QTR + g * (LANES * GUNROLL)
                for k in range(GUNROLL):
                    sl = pl.ds(base + k * LANES, LANES)
                    osl = pl.ds(g * (LANES * GUNROLL) + k * LANES, LANES)
                    ob[osl] = plsc.load_gather(row_v, [idx_v[sl]])
                return c2

            if h >= 2:
                pltpu.make_async_copy(
                    tab_hbm.at[0, 0, pl.ds(0, QTR)], ob, wsems[h % 2]).wait()
            lax.fori_loop(0, QTR // (LANES * GUNROLL), gather, 0)
            pltpu.async_copy(
                ob, out_hbm.at[q, pl.ds(h * QTR, QTR)], wsems[h % 2])
        return carry

    lax.fori_loop(0, N_FIELDS, per_field, 0)
    drain_writes()


def kernel(continuous, categorical, emb_tables):
    tab_t = jnp.transpose(emb_tables, (0, 2, 1))
    cat_t = categorical.T
    out_t = _gather_all(tab_t, cat_t)
    return continuous, out_t.T

# --- scband reference (transcript-rebuilt; emitter-appended) ---
"""Pipeline reference for scband-mixed-embedding1d-layer-1726576854793 (READ-ONLY COPY).

The authoritative reference and input builder live on the scoring server;
editing this copy changes nothing except your own understanding.
"""

import jax, jax.numpy as jnp
import numpy as np

B = 16384
N_FIELDS = 26
VOCAB = 100000
EMB_DIM = 32
CONT_DIM = 13


def setup_inputs(seed: int = 0) -> dict:
    key = jax.random.key(seed)
    k1, k2, k3 = jax.random.split(key, 3)
    continuous = jax.random.normal(k1, (B, CONT_DIM), dtype=jnp.float32)
    categorical = jax.random.randint(k2, (B, N_FIELDS), 0, VOCAB, dtype=jnp.int32)
    # 26 embedding tables of shape [VOCAB, EMB_DIM], stacked.
    emb_tables = jax.random.normal(k3, (N_FIELDS, VOCAB, EMB_DIM), dtype=jnp.float32) * 0.01
    return {"continuous": continuous, "categorical": categorical, "emb_tables": emb_tables}


def reference(continuous, categorical, emb_tables):
    # All 26 categorical fields have cardinality 100000 > max_onehot_cardinality=4,
    # so every field goes through its own nn.Embedding lookup; binary/onehot branches are empty.
    # batch_norm_continuous_input=False, so continuous passes through unchanged.
    # embedding_dropout=0.0, so no dropout is applied.
    embeds = [jnp.take(emb_tables[i], categorical[:, i], axis=0) for i in range(N_FIELDS)]
    x_embed = jnp.concatenate(embeds, axis=1)  # [B, N_FIELDS * EMB_DIM]
    # Original returns OrderedDict(binary=None, categorical=None, _categorical_orig=None,
    # continuous=continuous_data, embedding=x_embed). None entries dropped here.
    return (continuous, x_embed)

if __name__ == "__main__":
    import jax
    _d = setup_inputs()
    print(jax.jit(kernel)(*tuple(_d.values())))

</pallas_src>

<mosaic_0001>
#map = affine_map<(d0, d1) -> (0, 0, 0)>
#map1 = affine_map<(d0, d1) -> (0, 0)>
module attributes {stable_mosaic.version = 14 : i64} {
  func.func @_gather_all(%arg0: i32, %arg1: i32, %arg2: memref<26x32x100000xf32, #tpu.memory_space<hbm>>, %arg3: memref<26x16384xi32, #tpu.memory_space<hbm>>, %arg4: memref<832x16384xf32, #tpu.memory_space<hbm>>, %arg5: memref<100000xf32, #tpu.memory_space<vmem>>, %arg6: memref<16384xi32, #tpu.memory_space<vmem>>, %arg7: memref<4096xf32, #tpu.memory_space<vmem>>, %arg8: memref<4096xf32, #tpu.memory_space<vmem>>, %arg9: memref<!tpu.dma_semaphore, #tpu.memory_space<semaphore_mem>>, %arg10: memref<!tpu.dma_semaphore, #tpu.memory_space<semaphore_mem>>, %arg11: memref<!tpu.dma_semaphore, #tpu.memory_space<semaphore_mem>>, %arg12: memref<!tpu.dma_semaphore, #tpu.memory_space<semaphore_mem>>) attributes {dimension_semantics = [#tpu.dimension_semantics<core_parallel>, #tpu.dimension_semantics<subcore_parallel>], iteration_bounds = array<i64: 2, 16>, scalar_prefetch = 0 : i64, scratch_operands = 8 : i64, tpu.core_type = #tpu.core_type<sc_vector_subcore>, window_params = [{transform_indices = #map}, {transform_indices = #map1}, {transform_indices = #map1}]} {
    %mul3A = arith.constant 2 : i32
    %mul3A_0 = arith.muli %arg1, %mul3A : i32
    %add3A = arith.addi %mul3A_0, %arg0 : i32
    %scan3A = arith.constant 0 : i32
    %scan3A_1 = arith.constant 0 : i32
    %scan3A_2 = arith.constant 26 : i32
    %scan3A_3 = arith.addi %scan3A_1, %scan3A_2 : i32
    %scan3A_4 = arith.constant 1 : i32
    scf.for %scan3A_21 = %scan3A_1 to %scan3A_3 step %scan3A_4  : i32 {
      %add3A_22 = arith.addi %scan3A_21, %add3A : i32
      %rem3A = arith.constant 26 : i32
      %rem3A_23 = arith.remsi %add3A_22, %rem3A : i32
      %dma_start3A = arith.constant 0 : i32
      %dma_start3A_24 = tpu.memref_slice %arg2[%rem3A_23, %add3A, %dma_start3A] : memref<26x32x100000xf32, #tpu.memory_space<hbm>> -> memref<1x1x100000xf32, #tpu.memory_space<hbm>>
      %dma_start3A_25 = tpu.memref_squeeze %dma_start3A_24 : memref<1x1x100000xf32, #tpu.memory_space<hbm>> -> memref<100000xf32, #tpu.memory_space<hbm>>
      %dma_start3A_26 = arith.constant 0 : i32
      %dma_start3A_27 = tpu.memref_slice %arg2[%rem3A_23, %add3A, %dma_start3A_26] : memref<26x32x100000xf32, #tpu.memory_space<hbm>> -> memref<1x1x100000xf32, #tpu.memory_space<hbm>>
      %dma_start3A_28 = tpu.memref_squeeze %dma_start3A_27 : memref<1x1x100000xf32, #tpu.memory_space<hbm>> -> memref<100000xf32, #tpu.memory_space<hbm>>
      tpu.enqueue_dma source(%dma_start3A_28 : memref<100000xf32, #tpu.memory_space<hbm>>) target(%arg5 : memref<100000xf32, #tpu.memory_space<vmem>>) target_semaphore(%arg9 : memref<!tpu.dma_semaphore, #tpu.memory_space<semaphore_mem>>)
      %dma_start3A_29 = arith.constant 0 : i32
      %dma_start3A_30 = tpu.memref_slice %arg3[%rem3A_23, %dma_start3A_29] : memref<26x16384xi32, #tpu.memory_space<hbm>> -> memref<1x16384xi32, #tpu.memory_space<hbm>>
      %dma_start3A_31 = tpu.memref_squeeze %dma_start3A_30 : memref<1x16384xi32, #tpu.memory_space<hbm>> -> memref<16384xi32, #tpu.memory_space<hbm>>
      %dma_start3A_32 = arith.constant 0 : i32
      %dma_start3A_33 = tpu.memref_slice %arg3[%rem3A_23, %dma_start3A_32] : memref<26x16384xi32, #tpu.memory_space<hbm>> -> memref<1x16384xi32, #tpu.memory_space<hbm>>
      %dma_start3A_34 = tpu.memref_squeeze %dma_start3A_33 : memref<1x16384xi32, #tpu.memory_space<hbm>> -> memref<16384xi32, #tpu.memory_space<hbm>>
      tpu.enqueue_dma source(%dma_start3A_34 : memref<16384xi32, #tpu.memory_space<hbm>>) target(%arg6 : memref<16384xi32, #tpu.memory_space<vmem>>) target_semaphore(%arg10 : memref<!tpu.dma_semaphore, #tpu.memory_space<semaphore_mem>>)
      %mul3A_35 = arith.constant 32 : i32
      %mul3A_36 = arith.muli %rem3A_23, %mul3A_35 : i32
      %add3A_37 = arith.addi %mul3A_36, %add3A : i32
      %dma_wait3A_38 = arith.constant 0 : i32
      %dma_wait3A_39 = tpu.memref_slice %arg3[%rem3A_23, %dma_wait3A_38] : memref<26x16384xi32, #tpu.memory_space<hbm>> -> memref<1x16384xi32, #tpu.memory_space<hbm>>
      %dma_wait3A_40 = tpu.memref_squeeze %dma_wait3A_39 : memref<1x16384xi32, #tpu.memory_space<hbm>> -> memref<16384xi32, #tpu.memory_space<hbm>>
      %dma_wait3A_41 = arith.constant 0 : i32
      %dma_wait3A_42 = tpu.memref_slice %arg3[%rem3A_23, %dma_wait3A_41] : memref<26x16384xi32, #tpu.memory_space<hbm>> -> memref<1x16384xi32, #tpu.memory_space<hbm>>
      %dma_wait3A_43 = tpu.memref_squeeze %dma_wait3A_42 : memref<1x16384xi32, #tpu.memory_space<hbm>> -> memref<16384xi32, #tpu.memory_space<hbm>>
      tpu.wait_dma2 semaphore(%arg10 : memref<!tpu.dma_semaphore, #tpu.memory_space<semaphore_mem>>) src(%dma_wait3A_43 : memref<16384xi32, #tpu.memory_space<hbm>>) dst(%arg6 : memref<16384xi32, #tpu.memory_space<vmem>>)
      %dma_wait3A_44 = arith.constant 0 : i32
      %dma_wait3A_45 = tpu.memref_slice %arg2[%rem3A_23, %add3A, %dma_wait3A_44] : memref<26x32x100000xf32, #tpu.memory_space<hbm>> -> memref<1x1x100000xf32, #tpu.memory_space<hbm>>
      %dma_wait3A_46 = tpu.memref_squeeze %dma_wait3A_45 : memref<1x1x100000xf32, #tpu.memory_space<hbm>> -> memref<100000xf32, #tpu.memory_space<hbm>>
      %dma_wait3A_47 = arith.constant 0 : i32
      %dma_wait3A_48 = tpu.memref_slice %arg2[%rem3A_23, %add3A, %dma_wait3A_47] : memref<26x32x100000xf32, #tpu.memory_space<hbm>> -> memref<1x1x100000xf32, #tpu.memory_space<hbm>>
      %dma_wait3A_49 = tpu.memref_squeeze %dma_wait3A_48 : memref<1x1x100000xf32, #tpu.memory_space<hbm>> -> memref<100000xf32, #tpu.memory_space<hbm>>
      tpu.wait_dma2 semaphore(%arg9 : memref<!tpu.dma_semaphore, #tpu.memory_space<semaphore_mem>>) src(%dma_wait3A_49 : memref<100000xf32, #tpu.memory_space<hbm>>) dst(%arg5 : memref<100000xf32, #tpu.memory_space<vmem>>)
      %gt3A = arith.constant 0 : i32
      %gt3A_50 = arith.cmpi sgt, %scan3A_21, %gt3A : i32
      %convert_element_type3A = arith.extui %gt3A_50 : i1 to i32
      %cond3A = arith.constant 0 : i32
      %cond3A_51 = arith.cmpi ne, %convert_element_type3A, %cond3A : i32
      scf.if %cond3A_51 {
        %dma_wait3A_116 = arith.constant 0 : i32
        %dma_wait3A_117 = arith.constant 0 : i32
        %dma_wait3A_118 = arith.constant 0 : i32
        %dma_wait3A_119 = tpu.memref_slice %arg2[%dma_wait3A_116, %dma_wait3A_117, %dma_wait3A_118] : memref<26x32x100000xf32, #tpu.memory_space<hbm>> -> memref<1x1x4096xf32, #tpu.memory_space<hbm>>
        %dma_wait3A_120 = tpu.memref_squeeze %dma_wait3A_119 : memref<1x1x4096xf32, #tpu.memory_space<hbm>> -> memref<4096xf32, #tpu.memory_space<hbm>>
        %dma_wait3A_121 = arith.constant 0 : i32
        %dma_wait3A_122 = tpu.memref_slice %arg2[%dma_wait3A_116, %dma_wait3A_117, %dma_wait3A_121] : memref<26x32x100000xf32, #tpu.memory_space<hbm>> -> memref<1x1x4096xf32, #tpu.memory_space<hbm>>
        %dma_wait3A_123 = tpu.memref_squeeze %dma_wait3A_122 : memref<1x1x4096xf32, #tpu.memory_space<hbm>> -> memref<4096xf32, #tpu.memory_space<hbm>>
        tpu.wait_dma2 semaphore(%arg11 : memref<!tpu.dma_semaphore, #tpu.memory_space<semaphore_mem>>) src(%dma_wait3A_123 : memref<4096xf32, #tpu.memory_space<hbm>>) dst(%arg7 : memref<4096xf32, #tpu.memory_space<vmem>>)
        %dma_wait3A_124 = arith.constant 0 : i32
        %dma_wait3A_125 = arith.constant 0 : i32
        %dma_wait3A_126 = arith.constant 0 : i32
        %dma_wait3A_127 = tpu.memref_slice %arg2[%dma_wait3A_124, %dma_wait3A_125, %dma_wait3A_126] : memref<26x32x100000xf32, #tpu.memory_space<hbm>> -> memref<1x1x4096xf32, #tpu.memory_space<hbm>>
        %dma_wait3A_128 = tpu.memref_squeeze %dma_wait3A_127 : memref<1x1x4096xf32, #tpu.memory_space<hbm>> -> memref<4096xf32, #tpu.memory_space<hbm>>
        %dma_wait3A_129 = arith.constant 0 : i32
        %dma_wait3A_130 = tpu.memref_slice %arg2[%dma_wait3A_124, %dma_wait3A_125, %dma_wait3A_129] : memref<26x32x100000xf32, #tpu.memory_space<hbm>> -> memref<1x1x4096xf32, #tpu.memory_space<hbm>>
        %dma_wait3A_131 = tpu.memref_squeeze %dma_wait3A_130 : memref<1x1x4096xf32, #tpu.memory_space<hbm>> -> memref<4096xf32, #tpu.memory_space<hbm>>
        tpu.wait_dma2 semaphore(%arg12 : memref<!tpu.dma_semaphore, #tpu.memory_space<semaphore_mem>>) src(%dma_wait3A_131 : memref<4096xf32, #tpu.memory_space<hbm>>) dst(%arg8 : memref<4096xf32, #tpu.memory_space<vmem>>)
      } else {
      }
      %scan3A_52 = arith.constant 0 : i32
      %scan3A_53 = arith.constant 0 : i32
      %scan3A_54 = arith.constant 8 : i32
      %scan3A_55 = arith.addi %scan3A_53, %scan3A_54 : i32
      %scan3A_56 = arith.constant 1 : i32
      scf.for %scan3A_116 = %scan3A_53 to %scan3A_55 step %scan3A_56  : i32 {
        %mul3A_117 = arith.constant 512 : i32
        %mul3A_118 = arith.muli %scan3A_116, %mul3A_117 : i32
        %add3A_119 = arith.constant 0 : i32
        %add3A_120 = arith.addi %add3A_119, %mul3A_118 : i32
        %add3A_121 = arith.constant 0 : i32
        %add3A_122 = arith.addi %add3A_120, %add3A_121 : i32
        %mul3A_123 = arith.constant 512 : i32
        %mul3A_124 = arith.muli %scan3A_116, %mul3A_123 : i32
        %add3A_125 = arith.constant 0 : i32
        %add3A_126 = arith.addi %mul3A_124, %add3A_125 : i32
        %get3A = arith.index_cast %add3A_122 : i32 to index
        %get3A_127 = tpu.vector_load %arg6[%get3A] {strides = array<i32>} : memref<16384xi32, #tpu.memory_space<vmem>>, vector<16xi32>,
        %gather3A = tpu.vector_load_idx %arg5[%get3A_127] : memref<100000xf32, #tpu.memory_space<vmem>>[vector<16xi32>], vector<16xf32>,
        %swap3A = arith.index_cast %add3A_126 : i32 to index
        %swap3A_128 = tpu.vector_load %arg7[%swap3A] {strides = array<i32>} : memref<4096xf32, #tpu.memory_space<vmem>>, vector<16xf32>,
        tpu.vector_store %arg7[%swap3A], %gather3A {strides = array<i32>} : memref<4096xf32, #tpu.memory_space<vmem>>, vector<16xf32>,
        %add3A_129 = arith.constant 16 : i32
        %add3A_130 = arith.addi %add3A_120, %add3A_129 : i32
        %mul3A_131 = arith.constant 512 : i32
        %mul3A_132 = arith.muli %scan3A_116, %mul3A_131 : i32
        %add3A_133 = arith.constant 16 : i32
        %add3A_134 = arith.addi %mul3A_132, %add3A_133 : i32
        %get3A_135 = arith.index_cast %add3A_130 : i32 to index
        %get3A_136 = tpu.vector_load %arg6[%get3A_135] {strides = array<i32>} : memref<16384xi32, #tpu.memory_space<vmem>>, vector<16xi32>,
        %gather3A_137 = tpu.vector_load_idx %arg5[%get3A_136] : memref<100000xf32, #tpu.memory_space<vmem>>[vector<16xi32>], vector<16xf32>,
        %swap3A_138 = arith.index_cast %add3A_134 : i32 to index
        %swap3A_139 = tpu.vector_load %arg7[%swap3A_138] {strides = array<i32>} : memref<4096xf32, #tpu.memory_space<vmem>>, vector<16xf32>,
        tpu.vector_store %arg7[%swap3A_138], %gather3A_137 {strides = array<i32>} : memref<4096xf32, #tpu.memory_space<vmem>>, vector<16xf32>,
        %add3A_140 = arith.constant 32 : i32
        %add3A_141 = arith.addi %add3A_120, %add3A_140 : i32
        %mul3A_142 = arith.constant 512 : i32
        %mul3A_143 = arith.muli %scan3A_116, %mul3A_142 : i32
        %add3A_144 = arith.constant 32 : i32
        %add3A_145 = arith.addi %mul3A_143, %add3A_144 : i32
        %get3A_146 = arith.index_cast %add3A_141 : i32 to index
        %get3A_147 = tpu.vector_load %arg6[%get3A_146] {strides = array<i32>} : memref<16384xi32, #tpu.memory_space<vmem>>, vector<16xi32>,
        %gather3A_148 = tpu.vector_load_idx %arg5[%get3A_147] : memref<100000xf32, #tpu.memory_space<vmem>>[vector<16xi32>], vector<16xf32>,
        %swap3A_149 = arith.index_cast %add3A_145 : i32 to index
        %swap3A_150 = tpu.vector_load %arg7[%swap3A_149] {strides = array<i32>} : memref<4096xf32, #tpu.memory_space<vmem>>, vector<16xf32>,
        tpu.vector_store %arg7[%swap3A_149], %gather3A_148 {strides = array<i32>} : memref<4096xf32, #tpu.memory_space<vmem>>, vector<16xf32>,
        %add3A_151 = arith.constant 48 : i32
        %add3A_152 = arith.addi %add3A_120, %add3A_151 : i32
        %mul3A_153 = arith.constant 512 : i32
        %mul3A_154 = arith.muli %scan3A_116, %mul3A_153 : i32
        %add3A_155 = arith.constant 48 : i32
        %add3A_156 = arith.addi %mul3A_154, %add3A_155 : i32
        %get3A_157 = arith.index_cast %add3A_152 : i32 to index
        %get3A_158 = tpu.vector_load %arg6[%get3A_157] {strides = array<i32>} : memref<16384xi32, #tpu.memory_space<vmem>>, vector<16xi32>,
        %gather3A_159 = tpu.vector_load_idx %arg5[%get3A_158] : memref<100000xf32, #tpu.memory_space<vmem>>[vector<16xi32>], vector<16xf32>,
        %swap3A_160 = arith.index_cast %add3A_156 : i32 to index
        %swap3A_161 = tpu.vector_load %arg7[%swap3A_160] {strides = array<i32>} : memref<4096xf32, #tpu.memory_space<vmem>>, vector<16xf32>,
        tpu.vector_store %arg7[%swap3A_160], %gather3A_159 {strides = array<i32>} : memref<4096xf32, #tpu.memory_space<vmem>>, vector<16xf32>,
        %add3A_162 = arith.constant 64 : i32
        %add3A_163 = arith.addi %add3A_120, %add3A_162 : i32
        %mul3A_164 = arith.constant 512 : i32
        %mul3A_165 = arith.muli %scan3A_116, %mul3A_164 : i32
        %add3A_166 = arith.constant 64 : i32
        %add3A_167 = arith.addi %mul3A_165, %add3A_166 : i32
        %get3A_168 = arith.index_cast %add3A_163 : i32 to index
        %get3A_169 = tpu.vector_load %arg6[%get3A_168] {strides = array<i32>} : memref<16384xi32, #tpu.memory_space<vmem>>, vector<16xi32>,
        %gather3A_170 = tpu.vector_load_idx %arg5[%get3A_169] : memref<100000xf32, #tpu.memory_space<vmem>>[vector<16xi32>], vector<16xf32>,
        %swap3A_171 = arith.index_cast %add3A_167 : i32 to index
        %swap3A_172 = tpu.vector_load %arg7[%swap3A_171] {strides = array<i32>} : memref<4096xf32, #tpu.memory_space<vmem>>, vector<16xf32>,
        tpu.vector_store %arg7[%swap3A_171], %gather3A_170 {strides = array<i32>} : memref<4096xf32, #tpu.memory_space<vmem>>, vector<16xf32>,
        %add3A_173 = arith.constant 80 : i32
        %add3A_174 = arith.addi %add3A_120, %add3A_173 : i32
        %mul3A_175 = arith.constant 512 : i32
        %mul3A_176 = arith.muli %scan3A_116, %mul3A_175 : i32
        %add3A_177 = arith.constant 80 : i32
        %add3A_178 = arith.addi %mul3A_176, %add3A_177 : i32
        %get3A_179 = arith.index_cast %add3A_174 : i32 to index
        %get3A_180 = tpu.vector_load %arg6[%get3A_179] {strides = array<i32>} : memref<16384xi32, #tpu.memory_space<vmem>>, vector<16xi32>,
        %gather3A_181 = tpu.vector_load_idx %arg5[%get3A_180] : memref<100000xf32, #tpu.memory_space<vmem>>[vector<16xi32>], vector<16xf32>,
        %swap3A_182 = arith.index_cast %add3A_178 : i32 to index
        %swap3A_183 = tpu.vector_load %arg7[%swap3A_182] {strides = array<i32>} : memref<4096xf32, #tpu.memory_space<vmem>>, vector<16xf32>,
        tpu.vector_store %arg7[%swap3A_182], %gather3A_181 {strides = array<i32>} : memref<4096xf32, #tpu.memory_space<vmem>>, vector<16xf32>,
        %add3A_184 = arith.constant 96 : i32
        %add3A_185 = arith.addi %add3A_120, %add3A_184 : i32
        %mul3A_186 = arith.constant 512 : i32
        %mul3A_187 = arith.muli %scan3A_116, %mul3A_186 : i32
        %add3A_188 = arith.constant 96 : i32
        %add3A_189 = arith.addi %mul3A_187, %add3A_188 : i32
        %get3A_190 = arith.index_cast %add3A_185 : i32 to index
        %get3A_191 = tpu.vector_load %arg6[%get3A_190] {strides = array<i32>} : memref<16384xi32, #tpu.memory_space<vmem>>, vector<16xi32>,
        %gather3A_192 = tpu.vector_load_idx %arg5[%get3A_191] : memref<100000xf32, #tpu.memory_space<vmem>>[vector<16xi32>], vector<16xf32>,
        %swap3A_193 = arith.index_cast %add3A_189 : i32 to index
        %swap3A_194 = tpu.vector_load %arg7[%swap3A_193] {strides = array<i32>} : memref<4096xf32, #tpu.memory_space<vmem>>, vector<16xf32>,
        tpu.vector_store %arg7[%swap3A_193], %gather3A_192 {strides = array<i32>} : memref<4096xf32, #tpu.memory_space<vmem>>, vector<16xf32>,
        %add3A_195 = arith.constant 112 : i32
        %add3A_196 = arith.addi %add3A_120, %add3A_195 : i32
        %mul3A_197 = arith.constant 512 : i32
        %mul3A_198 = arith.muli %scan3A_116, %mul3A_197 : i32
        %add3A_199 = arith.constant 112 : i32
        %add3A_200 = arith.addi %mul3A_198, %add3A_199 : i32
        %get3A_201 = arith.index_cast %add3A_196 : i32 to index
        %get3A_202 = tpu.vector_load %arg6[%get3A_201] {strides = array<i32>} : memref<16384xi32, #tpu.memory_space<vmem>>, vector<16xi32>,
        %gather3A_203 = tpu.vector_load_idx %arg5[%get3A_202] : memref<100000xf32, #tpu.memory_space<vmem>>[vector<16xi32>], vector<16xf32>,
        %swap3A_204 = arith.index_cast %add3A_200 : i32 to index
        %swap3A_205 = tpu.vector_load %arg7[%swap3A_204] {strides = array<i32>} : memref<4096xf32, #tpu.memory_space<vmem>>, vector<16xf32>,
        tpu.vector_store %arg7[%swap3A_204], %gather3A_203 {strides = array<i32>} : memref<4096xf32, #tpu.memory_space<vmem>>, vector<16xf32>,
        %add3A_206 = arith.constant 128 : i32
        %add3A_207 = arith.addi %add3A_120, %add3A_206 : i32
        %mul3A_208 = arith.constant 512 : i32
        %mul3A_209 = arith.muli %scan3A_116, %mul3A_208 : i32
        %add3A_210 = arith.constant 128 : i32
        %add3A_211 = arith.addi %mul3A_209, %add3A_210 : i32
        %get3A_212 = arith.index_cast %add3A_207 : i32 to index
        %get3A_213 = tpu.vector_load %arg6[%get3A_212] {strides = array<i32>} : memref<16384xi32, #tpu.memory_space<vmem>>, vector<16xi32>,
        %gather3A_214 = tpu.vector_load_idx %arg5[%get3A_213] : memref<100000xf32, #tpu.memory_space<vmem>>[vector<16xi32>], vector<16xf32>,
        %swap3A_215 = arith.index_cast %add3A_211 : i32 to index
        %swap3A_216 = tpu.vector_load %arg7[%swap3A_215] {strides = array<i32>} : memref<4096xf32, #tpu.memory_space<vmem>>, vector<16xf32>,
        tpu.vector_store %arg7[%swap3A_215], %gather3A_214 {strides = array<i32>} : memref<4096xf32, #tpu.memory_space<vmem>>, vector<16xf32>,
        %add3A_217 = arith.constant 144 : i32
        %add3A_218 = arith.addi %add3A_120, %add3A_217 : i32
        %mul3A_219 = arith.constant 512 : i32
        %mul3A_220 = arith.muli %scan3A_116, %mul3A_219 : i32
        %add3A_221 = arith.constant 144 : i32
        %add3A_222 = arith.addi %mul3A_220, %add3A_221 : i32
        %get3A_223 = arith.index_cast %add3A_218 : i32 to index
        %get3A_224 = tpu.vector_load %arg6[%get3A_223] {strides = array<i32>} : memref<16384xi32, #tpu.memory_space<vmem>>, vector<16xi32>,
        %gather3A_225 = tpu.vector_load_idx %arg5[%get3A_224] : memref<100000xf32, #tpu.memory_space<vmem>>[vector<16xi32>], vector<16xf32>,
        %swap3A_226 = arith.index_cast %add3A_222 : i32 to index
        %swap3A_227 = tpu.vector_load %arg7[%swap3A_226] {strides = array<i32>} : memref<4096xf32, #tpu.memory_space<vmem>>, vector<16xf32>,
        tpu.vector_store %arg7[%swap3A_226], %gather3A_225 {strides = array<i32>} : memref<4096xf32, #tpu.memory_space<vmem>>, vector<16xf32>,
        %add3A_228 = arith.constant 160 : i32
        %add3A_229 = arith.addi %add3A_120, %add3A_228 : i32
        %mul3A_230 = arith.constant 512 : i32
        %mul3A_231 = arith.muli %scan3A_116, %mul3A_230 : i32
        %add3A_232 = arith.constant 160 : i32
        %add3A_233 = arith.addi %mul3A_231, %add3A_232 : i32
        %get3A_234 = arith.index_cast %add3A_229 : i32 to index
        %get3A_235 = tpu.vector_load %arg6[%get3A_234] {strides = array<i32>} : memref<16384xi32, #tpu.memory_space<vmem>>, vector<16xi32>,
        %gather3A_236 = tpu.vector_load_idx %arg5[%get3A_235] : memref<100000xf32, #tpu.memory_space<vmem>>[vector<16xi32>], vector<16xf32>,
        %swap3A_237 = arith.index_cast %add3A_233 : i32 to index
        %swap3A_238 = tpu.vector_load %arg7[%swap3A_237] {strides = array<i32>} : memref<4096xf32, #tpu.memory_space<vmem>>, vector<16xf32>,
        tpu.vector_store %arg7[%swap3A_237], %gather3A_236 {strides = array<i32>} : memref<4096xf32, #tpu.memory_space<vmem>>, vector<16xf32>,
        %add3A_239 = arith.constant 176 : i32
        %add3A_240 = arith.addi %add3A_120, %add3A_239 : i32
        %mul3A_241 = arith.constant 512 : i32
        %mul3A_242 = arith.muli %scan3A_116, %mul3A_241 : i32
        %add3A_243 = arith.constant 176 : i32
        %add3A_244 = arith.addi %mul3A_242, %add3A_243 : i32
        %get3A_245 = arith.index_cast %add3A_240 : i32 to index
        %get3A_246 = tpu.vector_load %arg6[%get3A_245] {strides = array<i32>} : memref<16384xi32, #tpu.memory_space<vmem>>, vector<16xi32>,
        %gather3A_247 = tpu.vector_load_idx %arg5[%get3A_246] : memref<100000xf32, #tpu.memory_space<vmem>>[vector<16xi32>], vector<16xf32>,
        %swap3A_248 = arith.index_cast %add3A_244 : i32 to index
        %swap3A_249 = tpu.vector_load %arg7[%swap3A_248] {strides = array<i32>} : memref<4096xf32, #tpu.memory_space<vmem>>, vector<16xf32>,
        tpu.vector_store %arg7[%swap3A_248], %gather3A_247 {strides = array<i32>} : memref<4096xf32, #tpu.memory_space<vmem>>, vector<16xf32>,
        %add3A_250 = arith.constant 192 : i32
        %add3A_251 = arith.addi %add3A_120, %add3A_250 : i32
        %mul3A_252 = arith.constant 512 : i32
        %mul3A_253 = arith.muli %scan3A_116, %mul3A_252 : i32
        %add3A_254 = arith.constant 192 : i32
        %add3A_255 = arith.addi %mul3A_253, %add3A_254 : i32
        %get3A_256 = arith.index_cast %add3A_251 : i32 to index
        %get3A_257 = tpu.vector_load %arg6[%get3A_256] {strides = array<i32>} : memref<16384xi32, #tpu.memory_space<vmem>>, vector<16xi32>,
        %gather3A_258 = tpu.vector_load_idx %arg5[%get3A_257] : memref<100000xf32, #tpu.memory_space<vmem>>[vector<16xi32>], vector<16xf32>,
        %swap3A_259 = arith.index_cast %add3A_255 : i32 to index
        %swap3A_260 = tpu.vector_load %arg7[%swap3A_259] {strides = array<i32>} : memref<4096xf32, #tpu.memory_space<vmem>>, vector<16xf32>,
        tpu.vector_store %arg7[%swap3A_259], %gather3A_258 {strides = array<i32>} : memref<4096xf32, #tpu.memory_space<vmem>>, vector<16xf32>,
        %add3A_261 = arith.constant 208 : i32
        %add3A_262 = arith.addi %add3A_120, %add3A_261 : i32
        %mul3A_263 = arith.constant 512 : i32
        %mul3A_264 = arith.muli %scan3A_116, %mul3A_263 : i32
        %add3A_265 = arith.constant 208 : i32
        %add3A_266 = arith.addi %mul3A_264, %add3A_265 : i32
        %get3A_267 = arith.index_cast %add3A_262 : i32 to index
        %get3A_268 = tpu.vector_load %arg6[%get3A_267] {strides = array<i32>} : memref<16384xi32, #tpu.memory_space<vmem>>, vector<16xi32>,
        %gather3A_269 = tpu.vector_load_idx %arg5[%get3A_268] : memref<100000xf32, #tpu.memory_space<vmem>>[vector<16xi32>], vector<16xf32>,
        %swap3A_270 = arith.index_cast %add3A_266 : i32 to index
        %swap3A_271 = tpu.vector_load %arg7[%swap3A_270] {strides = array<i32>} : memref<4096xf32, #tpu.memory_space<vmem>>, vector<16xf32>,
        tpu.vector_store %arg7[%swap3A_270], %gather3A_269 {strides = array<i32>} : memref<4096xf32, #tpu.memory_space<vmem>>, vector<16xf32>,
        %add3A_272 = arith.constant 224 : i32
        %add3A_273 = arith.addi %add3A_120, %add3A_272 : i32
        %mul3A_274 = arith.constant 512 : i32
        %mul3A_275 = arith.muli %scan3A_116, %mul3A_274 : i32
        %add3A_276 = arith.constant 224 : i32
        %add3A_277 = arith.addi %mul3A_275, %add3A_276 : i32
        %get3A_278 = arith.index_cast %add3A_273 : i32 to index
        %get3A_279 = tpu.vector_load %arg6[%get3A_278] {strides = array<i32>} : memref<16384xi32, #tpu.memory_space<vmem>>, vector<16xi32>,
        %gather3A_280 = tpu.vector_load_idx %arg5[%get3A_279] : memref<100000xf32, #tpu.memory_space<vmem>>[vector<16xi32>], vector<16xf32>,
        %swap3A_281 = arith.index_cast %add3A_277 : i32 to index
        %swap3A_282 = tpu.vector_load %arg7[%swap3A_281] {strides = array<i32>} : memref<4096xf32, #tpu.memory_space<vmem>>, vector<16xf32>,
        tpu.vector_store %arg7[%swap3A_281], %gather3A_280 {strides = array<i32>} : memref<4096xf32, #tpu.memory_space<vmem>>, vector<16xf32>,
        %add3A_283 = arith.constant 240 : i32
        %add3A_284 = arith.addi %add3A_120, %add3A_283 : i32
        %mul3A_285 = arith.constant 512 : i32
        %mul3A_286 = arith.muli %scan3A_116, %mul3A_285 : i32
        %add3A_287 = arith.constant 240 : i32
        %add3A_288 = arith.addi %mul3A_286, %add3A_287 : i32
        %get3A_289 = arith.index_cast %add3A_284 : i32 to index
        %get3A_290 = tpu.vector_load %arg6[%get3A_289] {strides = array<i32>} : memref<16384xi32, #tpu.memory_space<vmem>>, vector<16xi32>,
        %gather3A_291 = tpu.vector_load_idx %arg5[%get3A_290] : memref<100000xf32, #tpu.memory_space<vmem>>[vector<16xi32>], vector<16xf32>,
        %swap3A_292 = arith.index_cast %add3A_288 : i32 to index
        %swap3A_293 = tpu.vector_load %arg7[%swap3A_292] {strides = array<i32>} : memref<4096xf32, #tpu.memory_space<vmem>>, vector<16xf32>,
        tpu.vector_store %arg7[%swap3A_292], %gather3A_291 {strides = array<i32>} : memref<4096xf32, #tpu.memory_space<vmem>>, vector<16xf32>,
        %add3A_294 = arith.constant 256 : i32
        %add3A_295 = arith.addi %add3A_120, %add3A_294 : i32
        %mul3A_296 = arith.constant 512 : i32
        %mul3A_297 = arith.muli %scan3A_116, %mul3A_296 : i32
        %add3A_298 = arith.constant 256 : i32
        %add3A_299 = arith.addi %mul3A_297, %add3A_298 : i32
        %get3A_300 = arith.index_cast %add3A_295 : i32 to index
        %get3A_301 = tpu.vector_load %arg6[%get3A_300] {strides = array<i32>} : memref<16384xi32, #tpu.memory_space<vmem>>, vector<16xi32>,
        %gather3A_302 = tpu.vector_load_idx %arg5[%get3A_301] : memref<100000xf32, #tpu.memory_space<vmem>>[vector<16xi32>], vector<16xf32>,
        %swap3A_303 = arith.index_cast %add3A_299 : i32 to index
        %swap3A_304 = tpu.vector_load %arg7[%swap3A_303] {strides = array<i32>} : memref<4096xf32, #tpu.memory_space<vmem>>, vector<16xf32>,
        tpu.vector_store %arg7[%swap3A_303], %gather3A_302 {strides = array<i32>} : memref<4096xf32, #tpu.memory_space<vmem>>, vector<16xf32>,
        %add3A_305 = arith.constant 272 : i32
        %add3A_306 = arith.addi %add3A_120, %add3A_305 : i32
        %mul3A_307 = arith.constant 512 : i32
        %mul3A_308 = arith.muli %scan3A_116, %mul3A_307 : i32
        %add3A_309 = arith.constant 272 : i32
        %add3A_310 = arith.addi %mul3A_308, %add3A_309 : i32
        %get3A_311 = arith.index_cast %add3A_306 : i32 to index
        %get3A_312 = tpu.vector_load %arg6[%get3A_311] {strides = array<i32>} : memref<16384xi32, #tpu.memory_space<vmem>>, vector<16xi32>,
        %gather3A_313 = tpu.vector_load_idx %arg5[%get3A_312] : memref<100000xf32, #tpu.memory_space<vmem>>[vector<16xi32>], vector<16xf32>,
        %swap3A_314 = arith.index_cast %add3A_310 : i32 to index
        %swap3A_315 = tpu.vector_load %arg7[%swap3A_314] {strides = array<i32>} : memref<4096xf32, #tpu.memory_space<vmem>>, vector<16xf32>,
        tpu.vector_store %arg7[%swap3A_314], %gather3A_313 {strides = array<i32>} : memref<4096xf32, #tpu.memory_space<vmem>>, vector<16xf32>,
        %add3A_316 = arith.constant 288 : i32
        %add3A_317 = arith.addi %add3A_120, %add3A_316 : i32
        %mul3A_318 = arith.constant 512 : i32
        %mul3A_319 = arith.muli %scan3A_116, %mul3A_318 : i32
        %add3A_320 = arith.constant 288 : i32
        %add3A_321 = arith.addi %mul3A_319, %add3A_320 : i32
        %get3A_322 = arith.index_cast %add3A_317 : i32 to index
        %get3A_323 = tpu.vector_load %arg6[%get3A_322] {strides = array<i32>} : memref<16384xi32, #tpu.memory_space<vmem>>, vector<16xi32>,
        %gather3A_324 = tpu.vector_load_idx %arg5[%get3A_323] : memref<100000xf32, #tpu.memory_space<vmem>>[vector<16xi32>], vector<16xf32>,
        %swap3A_325 = arith.index_cast %add3A_321 : i32 to index
        %swap3A_326 = tpu.vector_load %arg7[%swap3A_325] {strides = array<i32>} : memref<4096xf32, #tpu.memory_space<vmem>>, vector<16xf32>,
        tpu.vector_store %arg7[%swap3A_325], %gather3A_324 {strides = array<i32>} : memref<4096xf32, #tpu.memory_space<vmem>>, vector<16xf32>,
        %add3A_327 = arith.constant 304 : i32
        %add3A_328 = arith.addi %add3A_120, %add3A_327 : i32
        %mul3A_329 = arith.constant 512 : i32
        %mul3A_330 = arith.muli %scan3A_116, %mul3A_329 : i32
        %add3A_331 = arith.constant 304 : i32
        %add3A_332 = arith.addi %mul3A_330, %add3A_331 : i32
        %get3A_333 = arith.index_cast %add3A_328 : i32 to index
        %get3A_334 = tpu.vector_load %arg6[%get3A_333] {strides = array<i32>} : memref<16384xi32, #tpu.memory_space<vmem>>, vector<16xi32>,
        %gather3A_335 = tpu.vector_load_idx %arg5[%get3A_334] : memref<100000xf32, #tpu.memory_space<vmem>>[vector<16xi32>], vector<16xf32>,
        %swap3A_336 = arith.index_cast %add3A_332 : i32 to index
        %swap3A_337 = tpu.vector_load %arg7[%swap3A_336] {strides = array<i32>} : memref<4096xf32, #tpu.memory_space<vmem>>, vector<16xf32>,
        tpu.vector_store %arg7[%swap3A_336], %gather3A_335 {strides = array<i32>} : memref<4096xf32, #tpu.memory_space<vmem>>, vector<16xf32>,
        %add3A_338 = arith.constant 320 : i32
        %add3A_339 = arith.addi %add3A_120, %add3A_338 : i32
        %mul3A_340 = arith.constant 512 : i32
        %mul3A_341 = arith.muli %scan3A_116, %mul3A_340 : i32
        %add3A_342 = arith.constant 320 : i32
        %add3A_343 = arith.addi %mul3A_341, %add3A_342 : i32
        %get3A_344 = arith.index_cast %add3A_339 : i32 to index
        %get3A_345 = tpu.vector_load %arg6[%get3A_344] {strides = array<i32>} : memref<16384xi32, #tpu.memory_space<vmem>>, vector<16xi32>,
        %gather3A_346 = tpu.vector_load_idx %arg5[%get3A_345] : memref<100000xf32, #tpu.memory_space<vmem>>[vector<16xi32>], vector<16xf32>,
        %swap3A_347 = arith.index_cast %add3A_343 : i32 to index
        %swap3A_348 = tpu.vector_load %arg7[%swap3A_347] {strides = array<i32>} : memref<4096xf32, #tpu.memory_space<vmem>>, vector<16xf32>,
        tpu.vector_store %arg7[%swap3A_347], %gather3A_346 {strides = array<i32>} : memref<4096xf32, #tpu.memory_space<vmem>>, vector<16xf32>,
        %add3A_349 = arith.constant 336 : i32
        %add3A_350 = arith.addi %add3A_120, %add3A_349 : i32
        %mul3A_351 = arith.constant 512 : i32
        %mul3A_352 = arith.muli %scan3A_116, %mul3A_351 : i32
        %add3A_353 = arith.constant 336 : i32
        %add3A_354 = arith.addi %mul3A_352, %add3A_353 : i32
        %get3A_355 = arith.index_cast %add3A_350 : i32 to index
        %get3A_356 = tpu.vector_load %arg6[%get3A_355] {strides = array<i32>} : memref<16384xi32, #tpu.memory_space<vmem>>, vector<16xi32>,
        %gather3A_357 = tpu.vector_load_idx %arg5[%get3A_356] : memref<100000xf32, #tpu.memory_space<vmem>>[vector<16xi32>], vector<16xf32>,
        %swap3A_358 = arith.index_cast %add3A_354 : i32 to index
        %swap3A_359 = tpu.vector_load %arg7[%swap3A_358] {strides = array<i32>} : memref<4096xf32, #tpu.memory_space<vmem>>, vector<16xf32>,
        tpu.vector_store %arg7[%swap3A_358], %gather3A_357 {strides = array<i32>} : memref<4096xf32, #tpu.memory_space<vmem>>, vector<16xf32>,
        %add3A_360 = arith.constant 352 : i32
        %add3A_361 = arith.addi %add3A_120, %add3A_360 : i32
        %mul3A_362 = arith.constant 512 : i32
        %mul3A_363 = arith.muli %scan3A_116, %mul3A_362 : i32
        %add3A_364 = arith.constant 352 : i32
        %add3A_365 = arith.addi %mul3A_363, %add3A_364 : i32
        %get3A_366 = arith.index_cast %add3A_361 : i32 to index
        %get3A_367 = tpu.vector_load %arg6[%get3A_366] {strides = array<i32>} : memref<16384xi32, #tpu.memory_space<vmem>>, vector<16xi32>,
        %gather3A_368 = tpu.vector_load_idx %arg5[%get3A_367] : memref<100000xf32, #tpu.memory_space<vmem>>[vector<16xi32>], vector<16xf32>,
        %swap3A_369 = arith.index_cast %add3A_365 : i32 to index
        %swap3A_370 = tpu.vector_load %arg7[%swap3A_369] {strides = array<i32>} : memref<4096xf32, #tpu.memory_space<vmem>>, vector<16xf32>,
        tpu.vector_store %arg7[%swap3A_369], %gather3A_368 {strides = array<i32>} : memref<4096xf32, #tpu.memory_space<vmem>>, vector<16xf32>,
        %add3A_371 = arith.constant 368 : i32
        %add3A_372 = arith.addi %add3A_120, %add3A_371 : i32
        %mul3A_373 = arith.constant 512 : i32
        %mul3A_374 = arith.muli %scan3A_116, %mul3A_373 : i32
        %add3A_375 = arith.constant 368 : i32
        %add3A_376 = arith.addi %mul3A_374, %add3A_375 : i32
        %get3A_377 = arith.index_cast %add3A_372 : i32 to index
        %get3A_378 = tpu.vector_load %arg6[%get3A_377] {strides = array<i32>} : memref<16384xi32, #tpu.memory_space<vmem>>, vector<16xi32>,
        %gather3A_379 = tpu.vector_load_idx %arg5[%get3A_378] : memref<100000xf32, #tpu.memory_space<vmem>>[vector<16xi32>], vector<16xf32>,
        %swap3A_380 = arith.index_cast %add3A_376 : i32 to index
        %swap3A_381 = tpu.vector_load %arg7[%swap3A_380] {strides = array<i32>} : memref<4096xf32, #tpu.memory_space<vmem>>, vector<16xf32>,
        tpu.vector_store %arg7[%swap3A_380], %gather3A_379 {strides = array<i32>} : memref<4096xf32, #tpu.memory_space<vmem>>, vector<16xf32>,
        %add3A_382 = arith.constant 384 : i32
        %add3A_383 = arith.addi %add3A_120, %add3A_382 : i32
        %mul3A_384 = arith.constant 512 : i32
        %mul3A_385 = arith.muli %scan3A_116, %mul3A_384 : i32
        %add3A_386 = arith.constant 384 : i32
        %add3A_387 = arith.addi %mul3A_385, %add3A_386 : i32
        %get3A_388 = arith.index_cast %add3A_383 : i32 to index
        %get3A_389 = tpu.vector_load %arg6[%get3A_388] {strides = array<i32>} : memref<16384xi32, #tpu.memory_space<vmem>>, vector<16xi32>,
        %gather3A_390 = tpu.vector_load_idx %arg5[%get3A_389] : memref<100000xf32, #tpu.memory_space<vmem>>[vector<16xi32>], vector<16xf32>,
        %swap3A_391 = arith.index_cast %add3A_387 : i32 to index
        %swap3A_392 = tpu.vector_load %arg7[%swap3A_391] {strides = array<i32>} : memref<4096xf32, #tpu.memory_space<vmem>>, vector<16xf32>,
        tpu.vector_store %arg7[%swap3A_391], %gather3A_390 {strides = array<i32>} : memref<4096xf32, #tpu.memory_space<vmem>>, vector<16xf32>,
        %add3A_393 = arith.constant 400 : i32
        %add3A_394 = arith.addi %add3A_120, %add3A_393 : i32
        %mul3A_395 = arith.constant 512 : i32
        %mul3A_396 = arith.muli %scan3A_116, %mul3A_395 : i32
        %add3A_397 = arith.constant 400 : i32
        %add3A_398 = arith.addi %mul3A_396, %add3A_397 : i32
        %get3A_399 = arith.index_cast %add3A_394 : i32 to index
        %get3A_400 = tpu.vector_load %arg6[%get3A_399] {strides = array<i32>} : memref<16384xi32, #tpu.memory_space<vmem>>, vector<16xi32>,
        %gather3A_401 = tpu.vector_load_idx %arg5[%get3A_400] : memref<100000xf32, #tpu.memory_space<vmem>>[vector<16xi32>], vector<16xf32>,
        %swap3A_402 = arith.index_cast %add3A_398 : i32 to index
        %swap3A_403 = tpu.vector_load %arg7[%swap3A_402] {strides = array<i32>} : memref<4096xf32, #tpu.memory_space<vmem>>, vector<16xf32>,
        tpu.vector_store %arg7[%swap3A_402], %gather3A_401 {strides = array<i32>} : memref<4096xf32, #tpu.memory_space<vmem>>, vector<16xf32>,
        %add3A_404 = arith.constant 416 : i32
        %add3A_405 = arith.addi %add3A_120, %add3A_404 : i32
        %mul3A_406 = arith.constant 512 : i32
        %mul3A_407 = arith.muli %scan3A_116, %mul3A_406 : i32
        %add3A_408 = arith.constant 416 : i32
        %add3A_409 = arith.addi %mul3A_407, %add3A_408 : i32
        %get3A_410 = arith.index_cast %add3A_405 : i32 to index
        %get3A_411 = tpu.vector_load %arg6[%get3A_410] {strides = array<i32>} : memref<16384xi32, #tpu.memory_space<vmem>>, vector<16xi32>,
        %gather3A_412 = tpu.vector_load_idx %arg5[%get3A_411] : memref<100000xf32, #tpu.memory_space<vmem>>[vector<16xi32>], vector<16xf32>,
        %swap3A_413 = arith.index_cast %add3A_409 : i32 to index
        %swap3A_414 = tpu.vector_load %arg7[%swap3A_413] {strides = array<i32>} : memref<4096xf32, #tpu.memory_space<vmem>>, vector<16xf32>,
        tpu.vector_store %arg7[%swap3A_413], %gather3A_412 {strides = array<i32>} : memref<4096xf32, #tpu.memory_space<vmem>>, vector<16xf32>,
        %add3A_415 = arith.constant 432 : i32
        %add3A_416 = arith.addi %add3A_120, %add3A_415 : i32
        %mul3A_417 = arith.constant 512 : i32
        %mul3A_418 = arith.muli %scan3A_116, %mul3A_417 : i32
        %add3A_419 = arith.constant 432 : i32
        %add3A_420 = arith.addi %mul3A_418, %add3A_419 : i32
        %get3A_421 = arith.index_cast %add3A_416 : i32 to index
        %get3A_422 = tpu.vector_load %arg6[%get3A_421] {strides = array<i32>} : memref<16384xi32, #tpu.memory_space<vmem>>, vector<16xi32>,
        %gather3A_423 = tpu.vector_load_idx %arg5[%get3A_422] : memref<100000xf32, #tpu.memory_space<vmem>>[vector<16xi32>], vector<16xf32>,
        %swap3A_424 = arith.index_cast %add3A_420 : i32 to index
        %swap3A_425 = tpu.vector_load %arg7[%swap3A_424] {strides = array<i32>} : memref<4096xf32, #tpu.memory_space<vmem>>, vector<16xf32>,
        tpu.vector_store %arg7[%swap3A_424], %gather3A_423 {strides = array<i32>} : memref<4096xf32, #tpu.memory_space<vmem>>, vector<16xf32>,
        %add3A_426 = arith.constant 448 : i32
        %add3A_427 = arith.addi %add3A_120, %add3A_426 : i32
        %mul3A_428 = arith.constant 512 : i32
        %mul3A_429 = arith.muli %scan3A_116, %mul3A_428 : i32
        %add3A_430 = arith.constant 448 : i32
        %add3A_431 = arith.addi %mul3A_429, %add3A_430 : i32
        %get3A_432 = arith.index_cast %add3A_427 : i32 to index
        %get3A_433 = tpu.vector_load %arg6[%get3A_432] {strides = array<i32>} : memref<16384xi32, #tpu.memory_space<vmem>>, vector<16xi32>,
        %gather3A_434 = tpu.vector_load_idx %arg5[%get3A_433] : memref<100000xf32, #tpu.memory_space<vmem>>[vector<16xi32>], vector<16xf32>,
        %swap3A_435 = arith.index_cast %add3A_431 : i32 to index
        %swap3A_436 = tpu.vector_load %arg7[%swap3A_435] {strides = array<i32>} : memref<4096xf32, #tpu.memory_space<vmem>>, vector<16xf32>,
        tpu.vector_store %arg7[%swap3A_435], %gather3A_434 {strides = array<i32>} : memref<4096xf32, #tpu.memory_space<vmem>>, vector<16xf32>,
        %add3A_437 = arith.constant 464 : i32
        %add3A_438 = arith.addi %add3A_120, %add3A_437 : i32
        %mul3A_439 = arith.constant 512 : i32
        %mul3A_440 = arith.muli %scan3A_116, %mul3A_439 : i32
        %add3A_441 = arith.constant 464 : i32
        %add3A_442 = arith.addi %mul3A_440, %add3A_441 : i32
        %get3A_443 = arith.index_cast %add3A_438 : i32 to index
        %get3A_444 = tpu.vector_load %arg6[%get3A_443] {strides = array<i32>} : memref<16384xi32, #tpu.memory_space<vmem>>, vector<16xi32>,
        %gather3A_445 = tpu.vector_load_idx %arg5[%get3A_444] : memref<100000xf32, #tpu.memory_space<vmem>>[vector<16xi32>], vector<16xf32>,
        %swap3A_446 = arith.index_cast %add3A_442 : i32 to index
        %swap3A_447 = tpu.vector_load %arg7[%swap3A_446] {strides = array<i32>} : memref<4096xf32, #tpu.memory_space<vmem>>, vector<16xf32>,
        tpu.vector_store %arg7[%swap3A_446], %gather3A_445 {strides = array<i32>} : memref<4096xf32, #tpu.memory_space<vmem>>, vector<16xf32>,
        %add3A_448 = arith.constant 480 : i32
        %add3A_449 = arith.addi %add3A_120, %add3A_448 : i32
        %mul3A_450 = arith.constant 512 : i32
        %mul3A_451 = arith.muli %scan3A_116, %mul3A_450 : i32
        %add3A_452 = arith.constant 480 : i32
        %add3A_453 = arith.addi %mul3A_451, %add3A_452 : i32
        %get3A_454 = arith.index_cast %add3A_449 : i32 to index
        %get3A_455 = tpu.vector_load %arg6[%get3A_454] {strides = array<i32>} : memref<16384xi32, #tpu.memory_space<vmem>>, vector<16xi32>,
        %gather3A_456 = tpu.vector_load_idx %arg5[%get3A_455] : memref<100000xf32, #tpu.memory_space<vmem>>[vector<16xi32>], vector<16xf32>,
        %swap3A_457 = arith.index_cast %add3A_453 : i32 to index
        %swap3A_458 = tpu.vector_load %arg7[%swap3A_457] {strides = array<i32>} : memref<4096xf32, #tpu.memory_space<vmem>>, vector<16xf32>,
        tpu.vector_store %arg7[%swap3A_457], %gather3A_456 {strides = array<i32>} : memref<4096xf32, #tpu.memory_space<vmem>>, vector<16xf32>,
        %add3A_459 = arith.constant 496 : i32
        %add3A_460 = arith.addi %add3A_120, %add3A_459 : i32
        %mul3A_461 = arith.constant 512 : i32
        %mul3A_462 = arith.muli %scan3A_116, %mul3A_461 : i32
        %add3A_463 = arith.constant 496 : i32
        %add3A_464 = arith.addi %mul3A_462, %add3A_463 : i32
        %get3A_465 = arith.index_cast %add3A_460 : i32 to index
        %get3A_466 = tpu.vector_load %arg6[%get3A_465] {strides = array<i32>} : memref<16384xi32, #tpu.memory_space<vmem>>, vector<16xi32>,
        %gather3A_467 = tpu.vector_load_idx %arg5[%get3A_466] : memref<100000xf32, #tpu.memory_space<vmem>>[vector<16xi32>], vector<16xf32>,
        %swap3A_468 = arith.index_cast %add3A_464 : i32 to index
        %swap3A_469 = tpu.vector_load %arg7[%swap3A_468] {strides = array<i32>} : memref<4096xf32, #tpu.memory_space<vmem>>, vector<16xf32>,
        tpu.vector_store %arg7[%swap3A_468], %gather3A_467 {strides = array<i32>} : memref<4096xf32, #tpu.memory_space<vmem>>, vector<16xf32>,
      }
      %scan3A_57 = arith.constant 8 : i32
      %dma_start3A_58 = arith.constant 0 : i32
      %dma_start3A_59 = tpu.memref_slice %arg4[%add3A_37, %dma_start3A_58] : memref<832x16384xf32, #tpu.memory_space<hbm>> -> memref<1x4096xf32, #tpu.memory_space<hbm>>
      %dma_start3A_60 = tpu.memref_squeeze %dma_start3A_59 : memref<1x4096xf32, #tpu.memory_space<hbm>> -> memref<4096xf32, #tpu.memory_space<hbm>>
      %dma_start3A_61 = arith.constant 0 : i32
      %dma_start3A_62 = tpu.memref_slice %arg4[%add3A_37, %dma_start3A_61] : memref<832x16384xf32, #tpu.memory_space<hbm>> -> memref<1x4096xf32, #tpu.memory_space<hbm>>
      %dma_start3A_63 = tpu.memref_squeeze %dma_start3A_62 : memref<1x4096xf32, #tpu.memory_space<hbm>> -> memref<4096xf32, #tpu.memory_space<hbm>>
      tpu.enqueue_dma source(%arg7 : memref<4096xf32, #tpu.memory_space<vmem>>) target(%dma_start3A_63 : memref<4096xf32, #tpu.memory_space<hbm>>) target_semaphore(%arg11 : memref<!tpu.dma_semaphore, #tpu.memory_space<semaphore_mem>>)
      %scan3A_64 = arith.constant 0 : i32
      %scan3A_65 = arith.constant 0 : i32
      %scan3A_66 = arith.constant 8 : i32
      %scan3A_67 = arith.addi %scan3A_65, %scan3A_66 : i32
      %scan3A_68 = arith.constant 1 : i32
      scf.for %scan3A_116 = %scan3A_65 to %scan3A_67 step %scan3A_68  : i32 {
        %mul3A_117 = arith.constant 512 : i32
        %mul3A_118 = arith.muli %scan3A_116, %mul3A_117 : i32
        %add3A_119 = arith.constant 4096 : i32
        %add3A_120 = arith.addi %add3A_119, %mul3A_118 : i32
        %add3A_121 = arith.constant 0 : i32
        %add3A_122 = arith.addi %add3A_120, %add3A_121 : i32
        %mul3A_123 = arith.constant 512 : i32
        %mul3A_124 = arith.muli %scan3A_116, %mul3A_123 : i32
        %add3A_125 = arith.constant 0 : i32
        %add3A_126 = arith.addi %mul3A_124, %add3A_125 : i32
        %get3A = arith.index_cast %add3A_122 : i32 to index
        %get3A_127 = tpu.vector_load %arg6[%get3A] {strides = array<i32>} : memref<16384xi32, #tpu.memory_space<vmem>>, vector<16xi32>,
        %gather3A = tpu.vector_load_idx %arg5[%get3A_127] : memref<100000xf32, #tpu.memory_space<vmem>>[vector<16xi32>], vector<16xf32>,
        %swap3A = arith.index_cast %add3A_126 : i32 to index
        %swap3A_128 = tpu.vector_load %arg8[%swap3A] {strides = array<i32>} : memref<4096xf32, #tpu.memory_space<vmem>>, vector<16xf32>,
        tpu.vector_store %arg8[%swap3A], %gather3A {strides = array<i32>} : memref<4096xf32, #tpu.memory_space<vmem>>, vector<16xf32>,
        %add3A_129 = arith.constant 16 : i32
        %add3A_130 = arith.addi %add3A_120, %add3A_129 : i32
        %mul3A_131 = arith.constant 512 : i32
        %mul3A_132 = arith.muli %scan3A_116, %mul3A_131 : i32
        %add3A_133 = arith.constant 16 : i32
        %add3A_134 = arith.addi %mul3A_132, %add3A_133 : i32
        %get3A_135 = arith.index_cast %add3A_130 : i32 to index
        %get3A_136 = tpu.vector_load %arg6[%get3A_135] {strides = array<i32>} : memref<16384xi32, #tpu.memory_space<vmem>>, vector<16xi32>,
        %gather3A_137 = tpu.vector_load_idx %arg5[%get3A_136] : memref<100000xf32, #tpu.memory_space<vmem>>[vector<16xi32>], vector<16xf32>,
        %swap3A_138 = arith.index_cast %add3A_134 : i32 to index
        %swap3A_139 = tpu.vector_load %arg8[%swap3A_138] {strides = array<i32>} : memref<4096xf32, #tpu.memory_space<vmem>>, vector<16xf32>,
        tpu.vector_store %arg8[%swap3A_138], %gather3A_137 {strides = array<i32>} : memref<4096xf32, #tpu.memory_space<vmem>>, vector<16xf32>,
        %add3A_140 = arith.constant 32 : i32
        %add3A_141 = arith.addi %add3A_120, %add3A_140 : i32
        %mul3A_142 = arith.constant 512 : i32
        %mul3A_143 = arith.muli %scan3A_116, %mul3A_142 : i32
        %add3A_144 = arith.constant 32 : i32
        %add3A_145 = arith.addi %mul3A_143, %add3A_144 : i32
        %get3A_146 = arith.index_cast %add3A_141 : i32 to index
        %get3A_147 = tpu.vector_load %arg6[%get3A_146] {strides = array<i32>} : memref<16384xi32, #tpu.memory_space<vmem>>, vector<16xi32>,
        %gather3A_148 = tpu.vector_load_idx %arg5[%get3A_147] : memref<100000xf32, #tpu.memory_space<vmem>>[vector<16xi32>], vector<16xf32>,
        %swap3A_149 = arith.index_cast %add3A_145 : i32 to index
        %swap3A_150 = tpu.vector_load %arg8[%swap3A_149] {strides = array<i32>} : memref<4096xf32, #tpu.memory_space<vmem>>, vector<16xf32>,
        tpu.vector_store %arg8[%swap3A_149], %gather3A_148 {strides = array<i32>} : memref<4096xf32, #tpu.memory_space<vmem>>, vector<16xf32>,
        %add3A_151 = arith.constant 48 : i32
        %add3A_152 = arith.addi %add3A_120, %add3A_151 : i32
        %mul3A_153 = arith.constant 512 : i32
        %mul3A_154 = arith.muli %scan3A_116, %mul3A_153 : i32
        %add3A_155 = arith.constant 48 : i32
        %add3A_156 = arith.addi %mul3A_154, %add3A_155 : i32
        %get3A_157 = arith.index_cast %add3A_152 : i32 to index
        %get3A_158 = tpu.vector_load %arg6[%get3A_157] {strides = array<i32>} : memref<16384xi32, #tpu.memory_space<vmem>>, vector<16xi32>,
        %gather3A_159 = tpu.vector_load_idx %arg5[%get3A_158] : memref<100000xf32, #tpu.memory_space<vmem>>[vector<16xi32>], vector<16xf32>,
        %swap3A_160 = arith.index_cast %add3A_156 : i32 to index
        %swap3A_161 = tpu.vector_load %arg8[%swap3A_160] {strides = array<i32>} : memref<4096xf32, #tpu.memory_space<vmem>>, vector<16xf32>,
        tpu.vector_store %arg8[%swap3A_160], %gather3A_159 {strides = array<i32>} : memref<4096xf32, #tpu.memory_space<vmem>>, vector<16xf32>,
        %add3A_162 = arith.constant 64 : i32
        %add3A_163 = arith.addi %add3A_120, %add3A_162 : i32
        %mul3A_164 = arith.constant 512 : i32
        %mul3A_165 = arith.muli %scan3A_116, %mul3A_164 : i32
        %add3A_166 = arith.constant 64 : i32
        %add3A_167 = arith.addi %mul3A_165, %add3A_166 : i32
        %get3A_168 = arith.index_cast %add3A_163 : i32 to index
        %get3A_169 = tpu.vector_load %arg6[%get3A_168] {strides = array<i32>} : memref<16384xi32, #tpu.memory_space<vmem>>, vector<16xi32>,
        %gather3A_170 = tpu.vector_load_idx %arg5[%get3A_169] : memref<100000xf32, #tpu.memory_space<vmem>>[vector<16xi32>], vector<16xf32>,
        %swap3A_171 = arith.index_cast %add3A_167 : i32 to index
        %swap3A_172 = tpu.vector_load %arg8[%swap3A_171] {strides = array<i32>} : memref<4096xf32, #tpu.memory_space<vmem>>, vector<16xf32>,
        tpu.vector_store %arg8[%swap3A_171], %gather3A_170 {strides = array<i32>} : memref<4096xf32, #tpu.memory_space<vmem>>, vector<16xf32>,
        %add3A_173 = arith.constant 80 : i32
        %add3A_174 = arith.addi %add3A_120, %add3A_173 : i32
        %mul3A_175 = arith.constant 512 : i32
        %mul3A_176 = arith.muli %scan3A_116, %mul3A_175 : i32
        %add3A_177 = arith.constant 80 : i32
        %add3A_178 = arith.addi %mul3A_176, %add3A_177 : i32
        %get3A_179 = arith.index_cast %add3A_174 : i32 to index
        %get3A_180 = tpu.vector_load %arg6[%get3A_179] {strides = array<i32>} : memref<16384xi32, #tpu.memory_space<vmem>>, vector<16xi32>,
        %gather3A_181 = tpu.vector_load_idx %arg5[%get3A_180] : memref<100000xf32, #tpu.memory_space<vmem>>[vector<16xi32>], vector<16xf32>,
        %swap3A_182 = arith.index_cast %add3A_178 : i32 to index
        %swap3A_183 = tpu.vector_load %arg8[%swap3A_182] {strides = array<i32>} : memref<4096xf32, #tpu.memory_space<vmem>>, vector<16xf32>,
        tpu.vector_store %arg8[%swap3A_182], %gather3A_181 {strides = array<i32>} : memref<4096xf32, #tpu.memory_space<vmem>>, vector<16xf32>,
        %add3A_184 = arith.constant 96 : i32
        %add3A_185 = arith.addi %add3A_120, %add3A_184 : i32
        %mul3A_186 = arith.constant 512 : i32
        %mul3A_187 = arith.muli %scan3A_116, %mul3A_186 : i32
        %add3A_188 = arith.constant 96 : i32
        %add3A_189 = arith.addi %mul3A_187, %add3A_188 : i32
        %get3A_190 = arith.index_cast %add3A_185 : i32 to index
        %get3A_191 = tpu.vector_load %arg6[%get3A_190] {strides = array<i32>} : memref<16384xi32, #tpu.memory_space<vmem>>, vector<16xi32>,
        %gather3A_192 = tpu.vector_load_idx %arg5[%get3A_191] : memref<100000xf32, #tpu.memory_space<vmem>>[vector<16xi32>], vector<16xf32>,
        %swap3A_193 = arith.index_cast %add3A_189 : i32 to index
        %swap3A_194 = tpu.vector_load %arg8[%swap3A_193] {strides = array<i32>} : memref<4096xf32, #tpu.memory_space<vmem>>, vector<16xf32>,
        tpu.vector_store %arg8[%swap3A_193], %gather3A_192 {strides = array<i32>} : memref<4096xf32, #tpu.memory_space<vmem>>, vector<16xf32>,
        %add3A_195 = arith.constant 112 : i32
        %add3A_196 = arith.addi %add3A_120, %add3A_195 : i32
        %mul3A_197 = arith.constant 512 : i32
        %mul3A_198 = arith.muli %scan3A_116, %mul3A_197 : i32
        %add3A_199 = arith.constant 112 : i32
        %add3A_200 = arith.addi %mul3A_198, %add3A_199 : i32
        %get3A_201 = arith.index_cast %add3A_196 : i32 to index
        %get3A_202 = tpu.vector_load %arg6[%get3A_201] {strides = array<i32>} : memref<16384xi32, #tpu.memory_space<vmem>>, vector<16xi32>,
        %gather3A_203 = tpu.vector_load_idx %arg5[%get3A_202] : memref<100000xf32, #tpu.memory_space<vmem>>[vector<16xi32>], vector<16xf32>,
        %swap3A_204 = arith.index_cast %add3A_200 : i32 to index
        %swap3A_205 = tpu.vector_load %arg8[%swap3A_204] {strides = array<i32>} : memref<4096xf32, #tpu.memory_space<vmem>>, vector<16xf32>,
        tpu.vector_store %arg8[%swap3A_204], %gather3A_203 {strides = array<i32>} : memref<4096xf32, #tpu.memory_space<vmem>>, vector<16xf32>,
        %add3A_206 = arith.constant 128 : i32
        %add3A_207 = arith.addi %add3A_120, %add3A_206 : i32
        %mul3A_208 = arith.constant 512 : i32
        %mul3A_209 = arith.muli %scan3A_116, %mul3A_208 : i32
        %add3A_210 = arith.constant 128 : i32
        %add3A_211 = arith.addi %mul3A_209, %add3A_210 : i32
        %get3A_212 = arith.index_cast %add3A_207 : i32 to index
        %get3A_213 = tpu.vector_load %arg6[%get3A_212] {strides = array<i32>} : memref<16384xi32, #tpu.memory_space<vmem>>, vector<16xi32>,
        %gather3A_214 = tpu.vector_load_idx %arg5[%get3A_213] : memref<100000xf32, #tpu.memory_space<vmem>>[vector<16xi32>], vector<16xf32>,
        %swap3A_215 = arith.index_cast %add3A_211 : i32 to index
        %swap3A_216 = tpu.vector_load %arg8[%swap3A_215] {strides = array<i32>} : memref<4096xf32, #tpu.memory_space<vmem>>, vector<16xf32>,
        tpu.vector_store %arg8[%swap3A_215], %gather3A_214 {strides = array<i32>} : memref<4096xf32, #tpu.memory_space<vmem>>, vector<16xf32>,
        %add3A_217 = arith.constant 144 : i32
        %add3A_218 = arith.addi %add3A_120, %add3A_217 : i32
        %mul3A_219 = arith.constant 512 : i32
        %mul3A_220 = arith.muli %scan3A_116, %mul3A_219 : i32
        %add3A_221 = arith.constant 144 : i32
        %add3A_222 = arith.addi %mul3A_220, %add3A_221 : i32
        %get3A_223 = arith.index_cast %add3A_218 : i32 to index
        %get3A_224 = tpu.vector_load %arg6[%get3A_223] {strides = array<i32>} : memref<16384xi32, #tpu.memory_space<vmem>>, vector<16xi32>,
        %gather3A_225 = tpu.vector_load_idx %arg5[%get3A_224] : memref<100000xf32, #tpu.memory_space<vmem>>[vector<16xi32>], vector<16xf32>,
        %swap3A_226 = arith.index_cast %add3A_222 : i32 to index
        %swap3A_227 = tpu.vector_load %arg8[%swap3A_226] {strides = array<i32>} : memref<4096xf32, #tpu.memory_space<vmem>>, vector<16xf32>,
        tpu.vector_store %arg8[%swap3A_226], %gather3A_225 {strides = array<i32>} : memref<4096xf32, #tpu.memory_space<vmem>>, vector<16xf32>,
        %add3A_228 = arith.constant 160 : i32
        %add3A_229 = arith.addi %add3A_120, %add3A_228 : i32
        %mul3A_230 = arith.constant 512 : i32
        %mul3A_231 = arith.muli %scan3A_116, %mul3A_230 : i32
        %add3A_232 = arith.constant 160 : i32
        %add3A_233 = arith.addi %mul3A_231, %add3A_232 : i32
        %get3A_234 = arith.index_cast %add3A_229 : i32 to index
        %get3A_235 = tpu.vector_load %arg6[%get3A_234] {strides = array<i32>} : memref<16384xi32, #tpu.memory_space<vmem>>, vector<16xi32>,
        %gather3A_236 = tpu.vector_load_idx %arg5[%get3A_235] : memref<100000xf32, #tpu.memory_space<vmem>>[vector<16xi32>], vector<16xf32>,
        %swap3A_237 = arith.index_cast %add3A_233 : i32 to index
        %swap3A_238 = tpu.vector_load %arg8[%swap3A_237] {strides = array<i32>} : memref<4096xf32, #tpu.memory_space<vmem>>, vector<16xf32>,
        tpu.vector_store %arg8[%swap3A_237], %gather3A_236 {strides = array<i32>} : memref<4096xf32, #tpu.memory_space<vmem>>, vector<16xf32>,
        %add3A_239 = arith.constant 176 : i32
        %add3A_240 = arith.addi %add3A_120, %add3A_239 : i32
        %mul3A_241 = arith.constant 512 : i32
        %mul3A_242 = arith.muli %scan3A_116, %mul3A_241 : i32
        %add3A_243 = arith.constant 176 : i32
        %add3A_244 = arith.addi %mul3A_242, %add3A_243 : i32
        %get3A_245 = arith.index_cast %add3A_240 : i32 to index
        %get3A_246 = tpu.vector_load %arg6[%get3A_245] {strides = array<i32>} : memref<16384xi32, #tpu.memory_space<vmem>>, vector<16xi32>,
        %gather3A_247 = tpu.vector_load_idx %arg5[%get3A_246] : memref<100000xf32, #tpu.memory_space<vmem>>[vector<16xi32>], vector<16xf32>,
        %swap3A_248 = arith.index_cast %add3A_244 : i32 to index
        %swap3A_249 = tpu.vector_load %arg8[%swap3A_248] {strides = array<i32>} : memref<4096xf32, #tpu.memory_space<vmem>>, vector<16xf32>,
        tpu.vector_store %arg8[%swap3A_248], %gather3A_247 {strides = array<i32>} : memref<4096xf32, #tpu.memory_space<vmem>>, vector<16xf32>,
        %add3A_250 = arith.constant 192 : i32
        %add3A_251 = arith.addi %add3A_120, %add3A_250 : i32
        %mul3A_252 = arith.constant 512 : i32
        %mul3A_253 = arith.muli %scan3A_116, %mul3A_252 : i32
        %add3A_254 = arith.constant 192 : i32
        %add3A_255 = arith.addi %mul3A_253, %add3A_254 : i32
        %get3A_256 = arith.index_cast %add3A_251 : i32 to index
        %get3A_257 = tpu.vector_load %arg6[%get3A_256] {strides = array<i32>} : memref<16384xi32, #tpu.memory_space<vmem>>, vector<16xi32>,
        %gather3A_258 = tpu.vector_load_idx %arg5[%get3A_257] : memref<100000xf32, #tpu.memory_space<vmem>>[vector<16xi32>], vector<16xf32>,
        %swap3A_259 = arith.index_cast %add3A_255 : i32 to index
        %swap3A_260 = tpu.vector_load %arg8[%swap3A_259] {strides = array<i32>} : memref<4096xf32, #tpu.memory_space<vmem>>, vector<16xf32>,
        tpu.vector_store %arg8[%swap3A_259], %gather3A_258 {strides = array<i32>} : memref<4096xf32, #tpu.memory_space<vmem>>, vector<16xf32>,
        %add3A_261 = arith.constant 208 : i32
        %add3A_262 = arith.addi %add3A_120, %add3A_261 : i32
        %mul3A_263 = arith.constant 512 : i32
        %mul3A_264 = arith.muli %scan3A_116, %mul3A_263 : i32
        %add3A_265 = arith.constant 208 : i32
        %add3A_266 = arith.addi %mul3A_264, %add3A_265 : i32
        %get3A_267 = arith.index_cast %add3A_262 : i32 to index
        %get3A_268 = tpu.vector_load %arg6[%get3A_267] {strides = array<i32>} : memref<16384xi32, #tpu.memory_space<vmem>>, vector<16xi32>,
        %gather3A_269 = tpu.vector_load_idx %arg5[%get3A_268] : memref<100000xf32, #tpu.memory_space<vmem>>[vector<16xi32>], vector<16xf32>,
        %swap3A_270 = arith.index_cast %add3A_266 : i32 to index
        %swap3A_271 = tpu.vector_load %arg8[%swap3A_270] {strides = array<i32>} : memref<4096xf32, #tpu.memory_space<vmem>>, vector<16xf32>,
        tpu.vector_store %arg8[%swap3A_270], %gather3A_269 {strides = array<i32>} : memref<4096xf32, #tpu.memory_space<vmem>>, vector<16xf32>,
        %add3A_272 = arith.constant 224 : i32
        %add3A_273 = arith.addi %add3A_120, %add3A_272 : i32
        %mul3A_274 = arith.constant 512 : i32
        %mul3A_275 = arith.muli %scan3A_116, %mul3A_274 : i32
        %add3A_276 = arith.constant 224 : i32
        %add3A_277 = arith.addi %mul3A_275, %add3A_276 : i32
        %get3A_278 = arith.index_cast %add3A_273 : i32 to index
        %get3A_279 = tpu.vector_load %arg6[%get3A_278] {strides = array<i32>} : memref<16384xi32, #tpu.memory_space<vmem>>, vector<16xi32>,
        %gather3A_280 = tpu.vector_load_idx %arg5[%get3A_279] : memref<100000xf32, #tpu.memory_space<vmem>>[vector<16xi32>], vector<16xf32>,
        %swap3A_281 = arith.index_cast %add3A_277 : i32 to index
        %swap3A_282 = tpu.vector_load %arg8[%swap3A_281] {strides = array<i32>} : memref<4096xf32, #tpu.memory_space<vmem>>, vector<16xf32>,
        tpu.vector_store %arg8[%swap3A_281], %gather3A_280 {strides = array<i32>} : memref<4096xf32, #tpu.memory_space<vmem>>, vector<16xf32>,
        %add3A_283 = arith.constant 240 : i32
        %add3A_284 = arith.addi %add3A_120, %add3A_283 : i32
        %mul3A_285 = arith.constant 512 : i32
        %mul3A_286 = arith.muli %scan3A_116, %mul3A_285 : i32
        %add3A_287 = arith.constant 240 : i32
        %add3A_288 = arith.addi %mul3A_286, %add3A_287 : i32
        %get3A_289 = arith.index_cast %add3A_284 : i32 to index
        %get3A_290 = tpu.vector_load %arg6[%get3A_289] {strides = array<i32>} : memref<16384xi32, #tpu.memory_space<vmem>>, vector<16xi32>,
        %gather3A_291 = tpu.vector_load_idx %arg5[%get3A_290] : memref<100000xf32, #tpu.memory_space<vmem>>[vector<16xi32>], vector<16xf32>,
        %swap3A_292 = arith.index_cast %add3A_288 : i32 to index
        %swap3A_293 = tpu.vector_load %arg8[%swap3A_292] {strides = array<i32>} : memref<4096xf32, #tpu.memory_space<vmem>>, vector<16xf32>,
        tpu.vector_store %arg8[%swap3A_292], %gather3A_291 {strides = array<i32>} : memref<4096xf32, #tpu.memory_space<vmem>>, vector<16xf32>,
        %add3A_294 = arith.constant 256 : i32
        %add3A_295 = arith.addi %add3A_120, %add3A_294 : i32
        %mul3A_296 = arith.constant 512 : i32
        %mul3A_297 = arith.muli %scan3A_116, %mul3A_296 : i32
        %add3A_298 = arith.constant 256 : i32
        %add3A_299 = arith.addi %mul3A_297, %add3A_298 : i32
        %get3A_300 = arith.index_cast %add3A_295 : i32 to index
        %get3A_301 = tpu.vector_load %arg6[%get3A_300] {strides = array<i32>} : memref<16384xi32, #tpu.memory_space<vmem>>, vector<16xi32>,
        %gather3A_302 = tpu.vector_load_idx %arg5[%get3A_301] : memref<100000xf32, #tpu.memory_space<vmem>>[vector<16xi32>], vector<16xf32>,
        %swap3A_303 = arith.index_cast %add3A_299 : i32 to index
        %swap3A_304 = tpu.vector_load %arg8[%swap3A_303] {strides = array<i32>} : memref<4096xf32, #tpu.memory_space<vmem>>, vector<16xf32>,
        tpu.vector_store %arg8[%swap3A_303], %gather3A_302 {strides = array<i32>} : memref<4096xf32, #tpu.memory_space<vmem>>, vector<16xf32>,
        %add3A_305 = arith.constant 272 : i32
        %add3A_306 = arith.addi %add3A_120, %add3A_305 : i32
        %mul3A_307 = arith.constant 512 : i32
        %mul3A_308 = arith.muli %scan3A_116, %mul3A_307 : i32
        %add3A_309 = arith.constant 272 : i32
        %add3A_310 = arith.addi %mul3A_308, %add3A_309 : i32
        %get3A_311 = arith.index_cast %add3A_306 : i32 to index
        %get3A_312 = tpu.vector_load %arg6[%get3A_311] {strides = array<i32>} : memref<16384xi32, #tpu.memory_space<vmem>>, vector<16xi32>,
        %gather3A_313 = tpu.vector_load_idx %arg5[%get3A_312] : memref<100000xf32, #tpu.memory_space<vmem>>[vector<16xi32>], vector<16xf32>,
        %swap3A_314 = arith.index_cast %add3A_310 : i32 to index
        %swap3A_315 = tpu.vector_load %arg8[%swap3A_314] {strides = array<i32>} : memref<4096xf32, #tpu.memory_space<vmem>>, vector<16xf32>,
        tpu.vector_store %arg8[%swap3A_314], %gather3A_313 {strides = array<i32>} : memref<4096xf32, #tpu.memory_space<vmem>>, vector<16xf32>,
        %add3A_316 = arith.constant 288 : i32
        %add3A_317 = arith.addi %add3A_120, %add3A_316 : i32
        %mul3A_318 = arith.constant 512 : i32
        %mul3A_319 = arith.muli %scan3A_116, %mul3A_318 : i32
        %add3A_320 = arith.constant 288 : i32
        %add3A_321 = arith.addi %mul3A_319, %add3A_320 : i32
        %get3A_322 = arith.index_cast %add3A_317 : i32 to index
        %get3A_323 = tpu.vector_load %arg6[%get3A_322] {strides = array<i32>} : memref<16384xi32, #tpu.memory_space<vmem>>, vector<16xi32>,
        %gather3A_324 = tpu.vector_load_idx %arg5[%get3A_323] : memref<100000xf32, #tpu.memory_space<vmem>>[vector<16xi32>], vector<16xf32>,
        %swap3A_325 = arith.index_cast %add3A_321 : i32 to index
        %swap3A_326 = tpu.vector_load %arg8[%swap3A_325] {strides = array<i32>} : memref<4096xf32, #tpu.memory_space<vmem>>, vector<16xf32>,
        tpu.vector_store %arg8[%swap3A_325], %gather3A_324 {strides = array<i32>} : memref<4096xf32, #tpu.memory_space<vmem>>, vector<16xf32>,
        %add3A_327 = arith.constant 304 : i32
        %add3A_328 = arith.addi %add3A_120, %add3A_327 : i32
        %mul3A_329 = arith.constant 512 : i32
        %mul3A_330 = arith.muli %scan3A_116, %mul3A_329 : i32
        %add3A_331 = arith.constant 304 : i32
        %add3A_332 = arith.addi %mul3A_330, %add3A_331 : i32
        %get3A_333 = arith.index_cast %add3A_328 : i32 to index
        %get3A_334 = tpu.vector_load %arg6[%get3A_333] {strides = array<i32>} : memref<16384xi32, #tpu.memory_space<vmem>>, vector<16xi32>,
        %gather3A_335 = tpu.vector_load_idx %arg5[%get3A_334] : memref<100000xf32, #tpu.memory_space<vmem>>[vector<16xi32>], vector<16xf32>,
        %swap3A_336 = arith.index_cast %add3A_332 : i32 to index
        %swap3A_337 = tpu.vector_load %arg8[%swap3A_336] {strides = array<i32>} : memref<4096xf32, #tpu.memory_space<vmem>>, vector<16xf32>,
        tpu.vector_store %arg8[%swap3A_336], %gather3A_335 {strides = array<i32>} : memref<4096xf32, #tpu.memory_space<vmem>>, vector<16xf32>,
        %add3A_338 = arith.constant 320 : i32
        %add3A_339 = arith.addi %add3A_120, %add3A_338 : i32
        %mul3A_340 = arith.constant 512 : i32
        %mul3A_341 = arith.muli %scan3A_116, %mul3A_340 : i32
        %add3A_342 = arith.constant 320 : i32
        %add3A_343 = arith.addi %mul3A_341, %add3A_342 : i32
        %get3A_344 = arith.index_cast %add3A_339 : i32 to index
        %get3A_345 = tpu.vector_load %arg6[%get3A_344] {strides = array<i32>} : memref<16384xi32, #tpu.memory_space<vmem>>, vector<16xi32>,
        %gather3A_346 = tpu.vector_load_idx %arg5[%get3A_345] : memref<100000xf32, #tpu.memory_space<vmem>>[vector<16xi32>], vector<16xf32>,
        %swap3A_347 = arith.index_cast %add3A_343 : i32 to index
        %swap3A_348 = tpu.vector_load %arg8[%swap3A_347] {strides = array<i32>} : memref<4096xf32, #tpu.memory_space<vmem>>, vector<16xf32>,
        tpu.vector_store %arg8[%swap3A_347], %gather3A_346 {strides = array<i32>} : memref<4096xf32, #tpu.memory_space<vmem>>, vector<16xf32>,
        %add3A_349 = arith.constant 336 : i32
        %add3A_350 = arith.addi %add3A_120, %add3A_349 : i32
        %mul3A_351 = arith.constant 512 : i32
        %mul3A_352 = arith.muli %scan3A_116, %mul3A_351 : i32
        %add3A_353 = arith.constant 336 : i32
        %add3A_354 = arith.addi %mul3A_352, %add3A_353 : i32
        %get3A_355 = arith.index_cast %add3A_350 : i32 to index
        %get3A_356 = tpu.vector_load %arg6[%get3A_355] {strides = array<i32>} : memref<16384xi32, #tpu.memory_space<vmem>>, vector<16xi32>,
        %gather3A_357 = tpu.vector_load_idx %arg5[%get3A_356] : memref<100000xf32, #tpu.memory_space<vmem>>[vector<16xi32>], vector<16xf32>,
        %swap3A_358 = arith.index_cast %add3A_354 : i32 to index
        %swap3A_359 = tpu.vector_load %arg8[%swap3A_358] {strides = array<i32>} : memref<4096xf32, #tpu.memory_space<vmem>>, vector<16xf32>,
        tpu.vector_store %arg8[%swap3A_358], %gather3A_357 {strides = array<i32>} : memref<4096xf32, #tpu.memory_space<vmem>>, vector<16xf32>,
        %add3A_360 = arith.constant 352 : i32
        %add3A_361 = arith.addi %add3A_120, %add3A_360 : i32
        %mul3A_362 = arith.constant 512 : i32
        %mul3A_363 = arith.muli %scan3A_116, %mul3A_362 : i32
        %add3A_364 = arith.constant 352 : i32
        %add3A_365 = arith.addi %mul3A_363, %add3A_364 : i32
        %get3A_366 = arith.index_cast %add3A_361 : i32 to index
        %get3A_367 = tpu.vector_load %arg6[%get3A_366] {strides = array<i32>} : memref<16384xi32, #tpu.memory_space<vmem>>, vector<16xi32>,
        %gather3A_368 = tpu.vector_load_idx %arg5[%get3A_367] : memref<100000xf32, #tpu.memory_space<vmem>>[vector<16xi32>], vector<16xf32>,
        %swap3A_369 = arith.index_cast %add3A_365 : i32 to index
        %swap3A_370 = tpu.vector_load %arg8[%swap3A_369] {strides = array<i32>} : memref<4096xf32, #tpu.memory_space<vmem>>, vector<16xf32>,
        tpu.vector_store %arg8[%swap3A_369], %gather3A_368 {strides = array<i32>} : memref<4096xf32, #tpu.memory_space<vmem>>, vector<16xf32>,
        %add3A_371 = arith.constant 368 : i32
        %add3A_372 = arith.addi %add3A_120, %add3A_371 : i32
        %mul3A_373 = arith.constant 512 : i32
        %mul3A_374 = arith.muli %scan3A_116, %mul3A_373 : i32
        %add3A_375 = arith.constant 368 : i32
        %add3A_376 = arith.addi %mul3A_374, %add3A_375 : i32
        %get3A_377 = arith.index_cast %add3A_372 : i32 to index
        %get3A_378 = tpu.vector_load %arg6[%get3A_377] {strides = array<i32>} : memref<16384xi32, #tpu.memory_space<vmem>>, vector<16xi32>,
        %gather3A_379 = tpu.vector_load_idx %arg5[%get3A_378] : memref<100000xf32, #tpu.memory_space<vmem>>[vector<16xi32>], vector<16xf32>,
        %swap3A_380 = arith.index_cast %add3A_376 : i32 to index
        %swap3A_381 = tpu.vector_load %arg8[%swap3A_380] {strides = array<i32>} : memref<4096xf32, #tpu.memory_space<vmem>>, vector<16xf32>,
        tpu.vector_store %arg8[%swap3A_380], %gather3A_379 {strides = array<i32>} : memref<4096xf32, #tpu.memory_space<vmem>>, vector<16xf32>,
        %add3A_382 = arith.constant 384 : i32
        %add3A_383 = arith.addi %add3A_120, %add3A_382 : i32
        %mul3A_384 = arith.constant 512 : i32
        %mul3A_385 = arith.muli %scan3A_116, %mul3A_384 : i32
        %add3A_386 = arith.constant 384 : i32
        %add3A_387 = arith.addi %mul3A_385, %add3A_386 : i32
        %get3A_388 = arith.index_cast %add3A_383 : i32 to index
        %get3A_389 = tpu.vector_load %arg6[%get3A_388] {strides = array<i32>} : memref<16384xi32, #tpu.memory_space<vmem>>, vector<16xi32>,
        %gather3A_390 = tpu.vector_load_idx %arg5[%get3A_389] : memref<100000xf32, #tpu.memory_space<vmem>>[vector<16xi32>], vector<16xf32>,
        %swap3A_391 = arith.index_cast %add3A_387 : i32 to index
        %swap3A_392 = tpu.vector_load %arg8[%swap3A_391] {strides = array<i32>} : memref<4096xf32, #tpu.memory_space<vmem>>, vector<16xf32>,
        tpu.vector_store %arg8[%swap3A_391], %gather3A_390 {strides = array<i32>} : memref<4096xf32, #tpu.memory_space<vmem>>, vector<16xf32>,
        %add3A_393 = arith.constant 400 : i32
        %add3A_394 = arith.addi %add3A_120, %add3A_393 : i32
        %mul3A_395 = arith.constant 512 : i32
        %mul3A_396 = arith.muli %scan3A_116, %mul3A_395 : i32
        %add3A_397 = arith.constant 400 : i32
        %add3A_398 = arith.addi %mul3A_396, %add3A_397 : i32
        %get3A_399 = arith.index_cast %add3A_394 : i32 to index
        %get3A_400 = tpu.vector_load %arg6[%get3A_399] {strides = array<i32>} : memref<16384xi32, #tpu.memory_space<vmem>>, vector<16xi32>,
        %gather3A_401 = tpu.vector_load_idx %arg5[%get3A_400] : memref<100000xf32, #tpu.memory_space<vmem>>[vector<16xi32>], vector<16xf32>,
        %swap3A_402 = arith.index_cast %add3A_398 : i32 to index
        %swap3A_403 = tpu.vector_load %arg8[%swap3A_402] {strides = array<i32>} : memref<4096xf32, #tpu.memory_space<vmem>>, vector<16xf32>,
        tpu.vector_store %arg8[%swap3A_402], %gather3A_401 {strides = array<i32>} : memref<4096xf32, #tpu.memory_space<vmem>>, vector<16xf32>,
        %add3A_404 = arith.constant 416 : i32
        %add3A_405 = arith.addi %add3A_120, %add3A_404 : i32
        %mul3A_406 = arith.constant 512 : i32
        %mul3A_407 = arith.muli %scan3A_116, %mul3A_406 : i32
        %add3A_408 = arith.constant 416 : i32
        %add3A_409 = arith.addi %mul3A_407, %add3A_408 : i32
        %get3A_410 = arith.index_cast %add3A_405 : i32 to index
        %get3A_411 = tpu.vector_load %arg6[%get3A_410] {strides = array<i32>} : memref<16384xi32, #tpu.memory_space<vmem>>, vector<16xi32>,
        %gather3A_412 = tpu.vector_load_idx %arg5[%get3A_411] : memref<100000xf32, #tpu.memory_space<vmem>>[vector<16xi32>], vector<16xf32>,
        %swap3A_413 = arith.index_cast %add3A_409 : i32 to index
        %swap3A_414 = tpu.vector_load %arg8[%swap3A_413] {strides = array<i32>} : memref<4096xf32, #tpu.memory_space<vmem>>, vector<16xf32>,
        tpu.vector_store %arg8[%swap3A_413], %gather3A_412 {strides = array<i32>} : memref<4096xf32, #tpu.memory_space<vmem>>, vector<16xf32>,
        %add3A_415 = arith.constant 432 : i32
        %add3A_416 = arith.addi %add3A_120, %add3A_415 : i32
        %mul3A_417 = arith.constant 512 : i32
        %mul3A_418 = arith.muli %scan3A_116, %mul3A_417 : i32
        %add3A_419 = arith.constant 432 : i32
        %add3A_420 = arith.addi %mul3A_418, %add3A_419 : i32
        %get3A_421 = arith.index_cast %add3A_416 : i32 to index
        %get3A_422 = tpu.vector_load %arg6[%get3A_421] {strides = array<i32>} : memref<16384xi32, #tpu.memory_space<vmem>>, vector<16xi32>,
        %gather3A_423 = tpu.vector_load_idx %arg5[%get3A_422] : memref<100000xf32, #tpu.memory_space<vmem>>[vector<16xi32>], vector<16xf32>,
        %swap3A_424 = arith.index_cast %add3A_420 : i32 to index
        %swap3A_425 = tpu.vector_load %arg8[%swap3A_424] {strides = array<i32>} : memref<4096xf32, #tpu.memory_space<vmem>>, vector<16xf32>,
        tpu.vector_store %arg8[%swap3A_424], %gather3A_423 {strides = array<i32>} : memref<4096xf32, #tpu.memory_space<vmem>>, vector<16xf32>,
        %add3A_426 = arith.constant 448 : i32
        %add3A_427 = arith.addi %add3A_120, %add3A_426 : i32
        %mul3A_428 = arith.constant 512 : i32
        %mul3A_429 = arith.muli %scan3A_116, %mul3A_428 : i32
        %add3A_430 = arith.constant 448 : i32
        %add3A_431 = arith.addi %mul3A_429, %add3A_430 : i32
        %get3A_432 = arith.index_cast %add3A_427 : i32 to index
        %get3A_433 = tpu.vector_load %arg6[%get3A_432] {strides = array<i32>} : memref<16384xi32, #tpu.memory_space<vmem>>, vector<16xi32>,
        %gather3A_434 = tpu.vector_load_idx %arg5[%get3A_433] : memref<100000xf32, #tpu.memory_space<vmem>>[vector<16xi32>], vector<16xf32>,
        %swap3A_435 = arith.index_cast %add3A_431 : i32 to index
        %swap3A_436 = tpu.vector_load %arg8[%swap3A_435] {strides = array<i32>} : memref<4096xf32, #tpu.memory_space<vmem>>, vector<16xf32>,
        tpu.vector_store %arg8[%swap3A_435], %gather3A_434 {strides = array<i32>} : memref<4096xf32, #tpu.memory_space<vmem>>, vector<16xf32>,
        %add3A_437 = arith.constant 464 : i32
        %add3A_438 = arith.addi %add3A_120, %add3A_437 : i32
        %mul3A_439 = arith.constant 512 : i32
        %mul3A_440 = arith.muli %scan3A_116, %mul3A_439 : i32
        %add3A_441 = arith.constant 464 : i32
        %add3A_442 = arith.addi %mul3A_440, %add3A_441 : i32
        %get3A_443 = arith.index_cast %add3A_438 : i32 to index
        %get3A_444 = tpu.vector_load %arg6[%get3A_443] {strides = array<i32>} : memref<16384xi32, #tpu.memory_space<vmem>>, vector<16xi32>,
        %gather3A_445 = tpu.vector_load_idx %arg5[%get3A_444] : memref<100000xf32, #tpu.memory_space<vmem>>[vector<16xi32>], vector<16xf32>,
        %swap3A_446 = arith.index_cast %add3A_442 : i32 to index
        %swap3A_447 = tpu.vector_load %arg8[%swap3A_446] {strides = array<i32>} : memref<4096xf32, #tpu.memory_space<vmem>>, vector<16xf32>,
        tpu.vector_store %arg8[%swap3A_446], %gather3A_445 {strides = array<i32>} : memref<4096xf32, #tpu.memory_space<vmem>>, vector<16xf32>,
        %add3A_448 = arith.constant 480 : i32
        %add3A_449 = arith.addi %add3A_120, %add3A_448 : i32
        %mul3A_450 = arith.constant 512 : i32
        %mul3A_451 = arith.muli %scan3A_116, %mul3A_450 : i32
        %add3A_452 = arith.constant 480 : i32
        %add3A_453 = arith.addi %mul3A_451, %add3A_452 : i32
        %get3A_454 = arith.index_cast %add3A_449 : i32 to index
        %get3A_455 = tpu.vector_load %arg6[%get3A_454] {strides = array<i32>} : memref<16384xi32, #tpu.memory_space<vmem>>, vector<16xi32>,
        %gather3A_456 = tpu.vector_load_idx %arg5[%get3A_455] : memref<100000xf32, #tpu.memory_space<vmem>>[vector<16xi32>], vector<16xf32>,
        %swap3A_457 = arith.index_cast %add3A_453 : i32 to index
        %swap3A_458 = tpu.vector_load %arg8[%swap3A_457] {strides = array<i32>} : memref<4096xf32, #tpu.memory_space<vmem>>, vector<16xf32>,
        tpu.vector_store %arg8[%swap3A_457], %gather3A_456 {strides = array<i32>} : memref<4096xf32, #tpu.memory_space<vmem>>, vector<16xf32>,
        %add3A_459 = arith.constant 496 : i32
        %add3A_460 = arith.addi %add3A_120, %add3A_459 : i32
        %mul3A_461 = arith.constant 512 : i32
        %mul3A_462 = arith.muli %scan3A_116, %mul3A_461 : i32
        %add3A_463 = arith.constant 496 : i32
        %add3A_464 = arith.addi %mul3A_462, %add3A_463 : i32
        %get3A_465 = arith.index_cast %add3A_460 : i32 to index
        %get3A_466 = tpu.vector_load %arg6[%get3A_465] {strides = array<i32>} : memref<16384xi32, #tpu.memory_space<vmem>>, vector<16xi32>,
        %gather3A_467 = tpu.vector_load_idx %arg5[%get3A_466] : memref<100000xf32, #tpu.memory_space<vmem>>[vector<16xi32>], vector<16xf32>,
        %swap3A_468 = arith.index_cast %add3A_464 : i32 to index
        %swap3A_469 = tpu.vector_load %arg8[%swap3A_468] {strides = array<i32>} : memref<4096xf32, #tpu.memory_space<vmem>>, vector<16xf32>,
        tpu.vector_store %arg8[%swap3A_468], %gather3A_467 {strides = array<i32>} : memref<4096xf32, #tpu.memory_space<vmem>>, vector<16xf32>,
      }
      %scan3A_69 = arith.constant 8 : i32
      %dma_start3A_70 = arith.constant 4096 : i32
      %dma_start3A_71 = tpu.memref_slice %arg4[%add3A_37, %dma_start3A_70] : memref<832x16384xf32, #tpu.memory_space<hbm>> -> memref<1x4096xf32, #tpu.memory_space<hbm>>
      %dma_start3A_72 = tpu.memref_squeeze %dma_start3A_71 : memref<1x4096xf32, #tpu.memory_space<hbm>> -> memref<4096xf32, #tpu.memory_space<hbm>>
      %dma_start3A_73 = arith.constant 4096 : i32
      %dma_start3A_74 = tpu.memref_slice %arg4[%add3A_37, %dma_start3A_73] : memref<832x16384xf32, #tpu.memory_space<hbm>> -> memref<1x4096xf32, #tpu.memory_space<hbm>>
      %dma_start3A_75 = tpu.memref_squeeze %dma_start3A_74 : memref<1x4096xf32, #tpu.memory_space<hbm>> -> memref<4096xf32, #tpu.memory_space<hbm>>
      tpu.enqueue_dma source(%arg8 : memref<4096xf32, #tpu.memory_space<vmem>>) target(%dma_start3A_75 : memref<4096xf32, #tpu.memory_space<hbm>>) target_semaphore(%arg12 : memref<!tpu.dma_semaphore, #tpu.memory_space<semaphore_mem>>)
      %dma_wait3A_76 = arith.constant 0 : i32
      %dma_wait3A_77 = arith.constant 0 : i32
      %dma_wait3A_78 = arith.constant 0 : i32
      %dma_wait3A_79 = tpu.memref_slice %arg2[%dma_wait3A_76, %dma_wait3A_77, %dma_wait3A_78] : memref<26x32x100000xf32, #tpu.memory_space<hbm>> -> memref<1x1x4096xf32, #tpu.memory_space<hbm>>
      %dma_wait3A_80 = tpu.memref_squeeze %dma_wait3A_79 : memref<1x1x4096xf32, #tpu.memory_space<hbm>> -> memref<4096xf32, #tpu.memory_space<hbm>>
      %dma_wait3A_81 = arith.constant 0 : i32
      %dma_wait3A_82 = tpu.memref_slice %arg2[%dma_wait3A_76, %dma_wait3A_77, %dma_wait3A_81] : memref<26x32x100000xf32, #tpu.memory_space<hbm>> -> memref<1x1x4096xf32, #tpu.memory_space<hbm>>
      %dma_wait3A_83 = tpu.memref_squeeze %dma_wait3A_82 : memref<1x1x4096xf32, #tpu.memory_space<hbm>> -> memref<4096xf32, #tpu.memory_space<hbm>>
      tpu.wait_dma2 semaphore(%arg11 : memref<!tpu.dma_semaphore, #tpu.memory_space<semaphore_mem>>) src(%dma_wait3A_83 : memref<4096xf32, #tpu.memory_space<hbm>>) dst(%arg7 : memref<4096xf32, #tpu.memory_space<vmem>>)
      %scan3A_84 = arith.constant 0 : i32
      %scan3A_85 = arith.constant 0 : i32
      %scan3A_86 = arith.constant 8 : i32
      %scan3A_87 = arith.addi %scan3A_85, %scan3A_86 : i32
      %scan3A_88 = arith.constant 1 : i32
      scf.for %scan3A_116 = %scan3A_85 to %scan3A_87 step %scan3A_88  : i32 {
        %mul3A_117 = arith.constant 512 : i32
        %mul3A_118 = arith.muli %scan3A_116, %mul3A_117 : i32
        %add3A_119 = arith.constant 8192 : i32
        %add3A_120 = arith.addi %add3A_119, %mul3A_118 : i32
        %add3A_121 = arith.constant 0 : i32
        %add3A_122 = arith.addi %add3A_120, %add3A_121 : i32
        %mul3A_123 = arith.constant 512 : i32
        %mul3A_124 = arith.muli %scan3A_116, %mul3A_123 : i32
        %add3A_125 = arith.constant 0 : i32
        %add3A_126 = arith.addi %mul3A_124, %add3A_125 : i32
        %get3A = arith.index_cast %add3A_122 : i32 to index
        %get3A_127 = tpu.vector_load %arg6[%get3A] {strides = array<i32>} : memref<16384xi32, #tpu.memory_space<vmem>>, vector<16xi32>,
        %gather3A = tpu.vector_load_idx %arg5[%get3A_127] : memref<100000xf32, #tpu.memory_space<vmem>>[vector<16xi32>], vector<16xf32>,
        %swap3A = arith.index_cast %add3A_126 : i32 to index
        %swap3A_128 = tpu.vector_load %arg7[%swap3A] {strides = array<i32>} : memref<4096xf32, #tpu.memory_space<vmem>>, vector<16xf32>,
        tpu.vector_store %arg7[%swap3A], %gather3A {strides = array<i32>} : memref<4096xf32, #tpu.memory_space<vmem>>, vector<16xf32>,
        %add3A_129 = arith.constant 16 : i32
        %add3A_130 = arith.addi %add3A_120, %add3A_129 : i32
        %mul3A_131 = arith.constant 512 : i32
        %mul3A_132 = arith.muli %scan3A_116, %mul3A_131 : i32
        %add3A_133 = arith.constant 16 : i32
        %add3A_134 = arith.addi %mul3A_132, %add3A_133 : i32
        %get3A_135 = arith.index_cast %add3A_130 : i32 to index
        %get3A_136 = tpu.vector_load %arg6[%get3A_135] {strides = array<i32>} : memref<16384xi32, #tpu.memory_space<vmem>>, vector<16xi32>,
        %gather3A_137 = tpu.vector_load_idx %arg5[%get3A_136] : memref<100000xf32, #tpu.memory_space<vmem>>[vector<16xi32>], vector<16xf32>,
        %swap3A_138 = arith.index_cast %add3A_134 : i32 to index
        %swap3A_139 = tpu.vector_load %arg7[%swap3A_138] {strides = array<i32>} : memref<4096xf32, #tpu.memory_space<vmem>>, vector<16xf32>,
        tpu.vector_store %arg7[%swap3A_138], %gather3A_137 {strides = array<i32>} : memref<4096xf32, #tpu.memory_space<vmem>>, vector<16xf32>,
        %add3A_140 = arith.constant 32 : i32
        %add3A_141 = arith.addi %add3A_120, %add3A_140 : i32
        %mul3A_142 = arith.constant 512 : i32
        %mul3A_143 = arith.muli %scan3A_116, %mul3A_142 : i32
        %add3A_144 = arith.constant 32 : i32
        %add3A_145 = arith.addi %mul3A_143, %add3A_144 : i32
        %get3A_146 = arith.index_cast %add3A_141 : i32 to index
        %get3A_147 = tpu.vector_load %arg6[%get3A_146] {strides = array<i32>} : memref<16384xi32, #tpu.memory_space<vmem>>, vector<16xi32>,
        %gather3A_148 = tpu.vector_load_idx %arg5[%get3A_147] : memref<100000xf32, #tpu.memory_space<vmem>>[vector<16xi32>], vector<16xf32>,
        %swap3A_149 = arith.index_cast %add3A_145 : i32 to index
        %swap3A_150 = tpu.vector_load %arg7[%swap3A_149] {strides = array<i32>} : memref<4096xf32, #tpu.memory_space<vmem>>, vector<16xf32>,
        tpu.vector_store %arg7[%swap3A_149], %gather3A_148 {strides = array<i32>} : memref<4096xf32, #tpu.memory_space<vmem>>, vector<16xf32>,
        %add3A_151 = arith.constant 48 : i32
        %add3A_152 = arith.addi %add3A_120, %add3A_151 : i32
        %mul3A_153 = arith.constant 512 : i32
        %mul3A_154 = arith.muli %scan3A_116, %mul3A_153 : i32
        %add3A_155 = arith.constant 48 : i32
        %add3A_156 = arith.addi %mul3A_154, %add3A_155 : i32
        %get3A_157 = arith.index_cast %add3A_152 : i32 to index
        %get3A_158 = tpu.vector_load %arg6[%get3A_157] {strides = array<i32>} : memref<16384xi32, #tpu.memory_space<vmem>>, vector<16xi32>,
        %gather3A_159 = tpu.vector_load_idx %arg5[%get3A_158] : memref<100000xf32, #tpu.memory_space<vmem>>[vector<16xi32>], vector<16xf32>,
        %swap3A_160 = arith.index_cast %add3A_156 : i32 to index
        %swap3A_161 = tpu.vector_load %arg7[%swap3A_160] {strides = array<i32>} : memref<4096xf32, #tpu.memory_space<vmem>>, vector<16xf32>,
        tpu.vector_store %arg7[%swap3A_160], %gather3A_159 {strides = array<i32>} : memref<4096xf32, #tpu.memory_space<vmem>>, vector<16xf32>,
        %add3A_162 = arith.constant 64 : i32
        %add3A_163 = arith.addi %add3A_120, %add3A_162 : i32
        %mul3A_164 = arith.constant 512 : i32
        %mul3A_165 = arith.muli %scan3A_116, %mul3A_164 : i32
        %add3A_166 = arith.constant 64 : i32
        %add3A_167 = arith.addi %mul3A_165, %add3A_166 : i32
        %get3A_168 = arith.index_cast %add3A_163 : i32 to index
        %get3A_169 = tpu.vector_load %arg6[%get3A_168] {strides = array<i32>} : memref<16384xi32, #tpu.memory_space<vmem>>, vector<16xi32>,
        %gather3A_170 = tpu.vector_load_idx %arg5[%get3A_169] : memref<100000xf32, #tpu.memory_space<vmem>>[vector<16xi32>], vector<16xf32>,
        %swap3A_171 = arith.index_cast %add3A_167 : i32 to index
        %swap3A_172 = tpu.vector_load %arg7[%swap3A_171] {strides = array<i32>} : memref<4096xf32, #tpu.memory_space<vmem>>, vector<16xf32>,
        tpu.vector_store %arg7[%swap3A_171], %gather3A_170 {strides = array<i32>} : memref<4096xf32, #tpu.memory_space<vmem>>, vector<16xf32>,
        %add3A_173 = arith.constant 80 : i32
        %add3A_174 = arith.addi %add3A_120, %add3A_173 : i32
        %mul3A_175 = arith.constant 512 : i32
        %mul3A_176 = arith.muli %scan3A_116, %mul3A_175 : i32
        %add3A_177 = arith.constant 80 : i32
        %add3A_178 = arith.addi %mul3A_176, %add3A_177 : i32
        %get3A_179 = arith.index_cast %add3A_174 : i32 to index
        %get3A_180 = tpu.vector_load %arg6[%get3A_179] {strides = array<i32>} : memref<16384xi32, #tpu.memory_space<vmem>>, vector<16xi32>,
        %gather3A_181 = tpu.vector_load_idx %arg5[%get3A_180] : memref<100000xf32, #tpu.memory_space<vmem>>[vector<16xi32>], vector<16xf32>,
        %swap3A_182 = arith.index_cast %add3A_178 : i32 to index
        %swap3A_183 = tpu.vector_load %arg7[%swap3A_182] {strides = array<i32>} : memref<4096xf32, #tpu.memory_space<vmem>>, vector<16xf32>,
        tpu.vector_store %arg7[%swap3A_182], %gather3A_181 {strides = array<i32>} : memref<4096xf32, #tpu.memory_space<vmem>>, vector<16xf32>,
        %add3A_184 = arith.constant 96 : i32
        %add3A_185 = arith.addi %add3A_120, %add3A_184 : i32
        %mul3A_186 = arith.constant 512 : i32
        %mul3A_187 = arith.muli %scan3A_116, %mul3A_186 : i32
        %add3A_188 = arith.constant 96 : i32
        %add3A_189 = arith.addi %mul3A_187, %add3A_188 : i32
        %get3A_190 = arith.index_cast %add3A_185 : i32 to index
        %get3A_191 = tpu.vector_load %arg6[%get3A_190] {strides = array<i32>} : memref<16384xi32, #tpu.memory_space<vmem>>, vector<16xi32>,
        %gather3A_192 = tpu.vector_load_idx %arg5[%get3A_191] : memref<100000xf32, #tpu.memory_space<vmem>>[vector<16xi32>], vector<16xf32>,
        %swap3A_193 = arith.index_cast %add3A_189 : i32 to index
        %swap3A_194 = tpu.vector_load %arg7[%swap3A_193] {strides = array<i32>} : memref<4096xf32, #tpu.memory_space<vmem>>, vector<16xf32>,
        tpu.vector_store %arg7[%swap3A_193], %gather3A_192 {strides = array<i32>} : memref<4096xf32, #tpu.memory_space<vmem>>, vector<16xf32>,
        %add3A_195 = arith.constant 112 : i32
        %add3A_196 = arith.addi %add3A_120, %add3A_195 : i32
        %mul3A_197 = arith.constant 512 : i32
        %mul3A_198 = arith.muli %scan3A_116, %mul3A_197 : i32
        %add3A_199 = arith.constant 112 : i32
        %add3A_200 = arith.addi %mul3A_198, %add3A_199 : i32
        %get3A_201 = arith.index_cast %add3A_196 : i32 to index
        %get3A_202 = tpu.vector_load %arg6[%get3A_201] {strides = array<i32>} : memref<16384xi32, #tpu.memory_space<vmem>>, vector<16xi32>,
        %gather3A_203 = tpu.vector_load_idx %arg5[%get3A_202] : memref<100000xf32, #tpu.memory_space<vmem>>[vector<16xi32>], vector<16xf32>,
        %swap3A_204 = arith.index_cast %add3A_200 : i32 to index
        %swap3A_205 = tpu.vector_load %arg7[%swap3A_204] {strides = array<i32>} : memref<4096xf32, #tpu.memory_space<vmem>>, vector<16xf32>,
        tpu.vector_store %arg7[%swap3A_204], %gather3A_203 {strides = array<i32>} : memref<4096xf32, #tpu.memory_space<vmem>>, vector<16xf32>,
        %add3A_206 = arith.constant 128 : i32
        %add3A_207 = arith.addi %add3A_120, %add3A_206 : i32
        %mul3A_208 = arith.constant 512 : i32
        %mul3A_209 = arith.muli %scan3A_116, %mul3A_208 : i32
        %add3A_210 = arith.constant 128 : i32
        %add3A_211 = arith.addi %mul3A_209, %add3A_210 : i32
        %get3A_212 = arith.index_cast %add3A_207 : i32 to index
        %get3A_213 = tpu.vector_load %arg6[%get3A_212] {strides = array<i32>} : memref<16384xi32, #tpu.memory_space<vmem>>, vector<16xi32>,
        %gather3A_214 = tpu.vector_load_idx %arg5[%get3A_213] : memref<100000xf32, #tpu.memory_space<vmem>>[vector<16xi32>], vector<16xf32>,
        %swap3A_215 = arith.index_cast %add3A_211 : i32 to index
        %swap3A_216 = tpu.vector_load %arg7[%swap3A_215] {strides = array<i32>} : memref<4096xf32, #tpu.memory_space<vmem>>, vector<16xf32>,
        tpu.vector_store %arg7[%swap3A_215], %gather3A_214 {strides = array<i32>} : memref<4096xf32, #tpu.memory_space<vmem>>, vector<16xf32>,
        %add3A_217 = arith.constant 144 : i32
        %add3A_218 = arith.addi %add3A_120, %add3A_217 : i32
        %mul3A_219 = arith.constant 512 : i32
        %mul3A_220 = arith.muli %scan3A_116, %mul3A_219 : i32
        %add3A_221 = arith.constant 144 : i32
        %add3A_222 = arith.addi %mul3A_220, %add3A_221 : i32
        %get3A_223 = arith.index_cast %add3A_218 : i32 to index
        %get3A_224 = tpu.vector_load %arg6[%get3A_223] {strides = array<i32>} : memref<16384xi32, #tpu.memory_space<vmem>>, vector<16xi32>,
        %gather3A_225 = tpu.vector_load_idx %arg5[%get3A_224] : memref<100000xf32, #tpu.memory_space<vmem>>[vector<16xi32>], vector<16xf32>,
        %swap3A_226 = arith.index_cast %add3A_222 : i32 to index
        %swap3A_227 = tpu.vector_load %arg7[%swap3A_226] {strides = array<i32>} : memref<4096xf32, #tpu.memory_space<vmem>>, vector<16xf32>,
        tpu.vector_store %arg7[%swap3A_226], %gather3A_225 {strides = array<i32>} : memref<4096xf32, #tpu.memory_space<vmem>>, vector<16xf32>,
        %add3A_228 = arith.constant 160 : i32
        %add3A_229 = arith.addi %add3A_120, %add3A_228 : i32
        %mul3A_230 = arith.constant 512 : i32
        %mul3A_231 = arith.muli %scan3A_116, %mul3A_230 : i32
        %add3A_232 = arith.constant 160 : i32
        %add3A_233 = arith.addi %mul3A_231, %add3A_232 : i32
        %get3A_234 = arith.index_cast %add3A_229 : i32 to index
        %get3A_235 = tpu.vector_load %arg6[%get3A_234] {strides = array<i32>} : memref<16384xi32, #tpu.memory_space<vmem>>, vector<16xi32>,
        %gather3A_236 = tpu.vector_load_idx %arg5[%get3A_235] : memref<100000xf32, #tpu.memory_space<vmem>>[vector<16xi32>], vector<16xf32>,
        %swap3A_237 = arith.index_cast %add3A_233 : i32 to index
        %swap3A_238 = tpu.vector_load %arg7[%swap3A_237] {strides = array<i32>} : memref<4096xf32, #tpu.memory_space<vmem>>, vector<16xf32>,
        tpu.vector_store %arg7[%swap3A_237], %gather3A_236 {strides = array<i32>} : memref<4096xf32, #tpu.memory_space<vmem>>, vector<16xf32>,
        %add3A_239 = arith.constant 176 : i32
        %add3A_240 = arith.addi %add3A_120, %add3A_239 : i32
        %mul3A_241 = arith.constant 512 : i32
        %mul3A_242 = arith.muli %scan3A_116, %mul3A_241 : i32
        %add3A_243 = arith.constant 176 : i32
        %add3A_244 = arith.addi %mul3A_242, %add3A_243 : i32
        %get3A_245 = arith.index_cast %add3A_240 : i32 to index
        %get3A_246 = tpu.vector_load %arg6[%get3A_245] {strides = array<i32>} : memref<16384xi32, #tpu.memory_space<vmem>>, vector<16xi32>,
        %gather3A_247 = tpu.vector_load_idx %arg5[%get3A_246] : memref<100000xf32, #tpu.memory_space<vmem>>[vector<16xi32>], vector<16xf32>,
        %swap3A_248 = arith.index_cast %add3A_244 : i32 to index
        %swap3A_249 = tpu.vector_load %arg7[%swap3A_248] {strides = array<i32>} : memref<4096xf32, #tpu.memory_space<vmem>>, vector<16xf32>,
        tpu.vector_store %arg7[%swap3A_248], %gather3A_247 {strides = array<i32>} : memref<4096xf32, #tpu.memory_space<vmem>>, vector<16xf32>,
        %add3A_250 = arith.constant 192 : i32
        %add3A_251 = arith.addi %add3A_120, %add3A_250 : i32
        %mul3A_252 = arith.constant 512 : i32
        %mul3A_253 = arith.muli %scan3A_116, %mul3A_252 : i32
        %add3A_254 = arith.constant 192 : i32
        %add3A_255 = arith.addi %mul3A_253, %add3A_254 : i32
        %get3A_256 = arith.index_cast %add3A_251 : i32 to index
        %get3A_257 = tpu.vector_load %arg6[%get3A_256] {strides = array<i32>} : memref<16384xi32, #tpu.memory_space<vmem>>, vector<16xi32>,
        %gather3A_258 = tpu.vector_load_idx %arg5[%get3A_257] : memref<100000xf32, #tpu.memory_space<vmem>>[vector<16xi32>], vector<16xf32>,
        %swap3A_259 = arith.index_cast %add3A_255 : i32 to index
        %swap3A_260 = tpu.vector_load %arg7[%swap3A_259] {strides = array<i32>} : memref<4096xf32, #tpu.memory_space<vmem>>, vector<16xf32>,
        tpu.vector_store %arg7[%swap3A_259], %gather3A_258 {strides = array<i32>} : memref<4096xf32, #tpu.memory_space<vmem>>, vector<16xf32>,
        %add3A_261 = arith.constant 208 : i32
        %add3A_262 = arith.addi %add3A_120, %add3A_261 : i32
        %mul3A_263 = arith.constant 512 : i32
        %mul3A_264 = arith.muli %scan3A_116, %mul3A_263 : i32
        %add3A_265 = arith.constant 208 : i32
        %add3A_266 = arith.addi %mul3A_264, %add3A_265 : i32
        %get3A_267 = arith.index_cast %add3A_262 : i32 to index
        %get3A_268 = tpu.vector_load %arg6[%get3A_267] {strides = array<i32>} : memref<16384xi32, #tpu.memory_space<vmem>>, vector<16xi32>,
        %gather3A_269 = tpu.vector_load_idx %arg5[%get3A_268] : memref<100000xf32, #tpu.memory_space<vmem>>[vector<16xi32>], vector<16xf32>,
        %swap3A_270 = arith.index_cast %add3A_266 : i32 to index
        %swap3A_271 = tpu.vector_load %arg7[%swap3A_270] {strides = array<i32>} : memref<4096xf32, #tpu.memory_space<vmem>>, vector<16xf32>,
        tpu.vector_store %arg7[%swap3A_270], %gather3A_269 {strides = array<i32>} : memref<4096xf32, #tpu.memory_space<vmem>>, vector<16xf32>,
        %add3A_272 = arith.constant 224 : i32
        %add3A_273 = arith.addi %add3A_120, %add3A_272 : i32
        %mul3A_274 = arith.constant 512 : i32
        %mul3A_275 = arith.muli %scan3A_116, %mul3A_274 : i32
        %add3A_276 = arith.constant 224 : i32
        %add3A_277 = arith.addi %mul3A_275, %add3A_276 : i32
        %get3A_278 = arith.index_cast %add3A_273 : i32 to index
        %get3A_279 = tpu.vector_load %arg6[%get3A_278] {strides = array<i32>} : memref<16384xi32, #tpu.memory_space<vmem>>, vector<16xi32>,
        %gather3A_280 = tpu.vector_load_idx %arg5[%get3A_279] : memref<100000xf32, #tpu.memory_space<vmem>>[vector<16xi32>], vector<16xf32>,
        %swap3A_281 = arith.index_cast %add3A_277 : i32 to index
        %swap3A_282 = tpu.vector_load %arg7[%swap3A_281] {strides = array<i32>} : memref<4096xf32, #tpu.memory_space<vmem>>, vector<16xf32>,
        tpu.vector_store %arg7[%swap3A_281], %gather3A_280 {strides = array<i32>} : memref<4096xf32, #tpu.memory_space<vmem>>, vector<16xf32>,
        %add3A_283 = arith.constant 240 : i32
        %add3A_284 = arith.addi %add3A_120, %add3A_283 : i32
        %mul3A_285 = arith.constant 512 : i32
        %mul3A_286 = arith.muli %scan3A_116, %mul3A_285 : i32
        %add3A_287 = arith.constant 240 : i32
        %add3A_288 = arith.addi %mul3A_286, %add3A_287 : i32
        %get3A_289 = arith.index_cast %add3A_284 : i32 to index
        %get3A_290 = tpu.vector_load %arg6[%get3A_289] {strides = array<i32>} : memref<16384xi32, #tpu.memory_space<vmem>>, vector<16xi32>,
        %gather3A_291 = tpu.vector_load_idx %arg5[%get3A_290] : memref<100000xf32, #tpu.memory_space<vmem>>[vector<16xi32>], vector<16xf32>,
        %swap3A_292 = arith.index_cast %add3A_288 : i32 to index
        %swap3A_293 = tpu.vector_load %arg7[%swap3A_292] {strides = array<i32>} : memref<4096xf32, #tpu.memory_space<vmem>>, vector<16xf32>,
        tpu.vector_store %arg7[%swap3A_292], %gather3A_291 {strides = array<i32>} : memref<4096xf32, #tpu.memory_space<vmem>>, vector<16xf32>,
        %add3A_294 = arith.constant 256 : i32
        %add3A_295 = arith.addi %add3A_120, %add3A_294 : i32
        %mul3A_296 = arith.constant 512 : i32
        %mul3A_297 = arith.muli %scan3A_116, %mul3A_296 : i32
        %add3A_298 = arith.constant 256 : i32
        %add3A_299 = arith.addi %mul3A_297, %add3A_298 : i32
        %get3A_300 = arith.index_cast %add3A_295 : i32 to index
        %get3A_301 = tpu.vector_load %arg6[%get3A_300] {strides = array<i32>} : memref<16384xi32, #tpu.memory_space<vmem>>, vector<16xi32>,
        %gather3A_302 = tpu.vector_load_idx %arg5[%get3A_301] : memref<100000xf32, #tpu.memory_space<vmem>>[vector<16xi32>], vector<16xf32>,
        %swap3A_303 = arith.index_cast %add3A_299 : i32 to index
        %swap3A_304 = tpu.vector_load %arg7[%swap3A_303] {strides = array<i32>} : memref<4096xf32, #tpu.memory_space<vmem>>, vector<16xf32>,
        tpu.vector_store %arg7[%swap3A_303], %gather3A_302 {strides = array<i32>} : memref<4096xf32, #tpu.memory_space<vmem>>, vector<16xf32>,
        %add3A_305 = arith.constant 272 : i32
        %add3A_306 = arith.addi %add3A_120, %add3A_305 : i32
        %mul3A_307 = arith.constant 512 : i32
        %mul3A_308 = arith.muli %scan3A_116, %mul3A_307 : i32
        %add3A_309 = arith.constant 272 : i32
        %add3A_310 = arith.addi %mul3A_308, %add3A_309 : i32
        %get3A_311 = arith.index_cast %add3A_306 : i32 to index
        %get3A_312 = tpu.vector_load %arg6[%get3A_311] {strides = array<i32>} : memref<16384xi32, #tpu.memory_space<vmem>>, vector<16xi32>,
        %gather3A_313 = tpu.vector_load_idx %arg5[%get3A_312] : memref<100000xf32, #tpu.memory_space<vmem>>[vector<16xi32>], vector<16xf32>,
        %swap3A_314 = arith.index_cast %add3A_310 : i32 to index
        %swap3A_315 = tpu.vector_load %arg7[%swap3A_314] {strides = array<i32>} : memref<4096xf32, #tpu.memory_space<vmem>>, vector<16xf32>,
        tpu.vector_store %arg7[%swap3A_314], %gather3A_313 {strides = array<i32>} : memref<4096xf32, #tpu.memory_space<vmem>>, vector<16xf32>,
        %add3A_316 = arith.constant 288 : i32
        %add3A_317 = arith.addi %add3A_120, %add3A_316 : i32
        %mul3A_318 = arith.constant 512 : i32
        %mul3A_319 = arith.muli %scan3A_116, %mul3A_318 : i32
        %add3A_320 = arith.constant 288 : i32
        %add3A_321 = arith.addi %mul3A_319, %add3A_320 : i32
        %get3A_322 = arith.index_cast %add3A_317 : i32 to index
        %get3A_323 = tpu.vector_load %arg6[%get3A_322] {strides = array<i32>} : memref<16384xi32, #tpu.memory_space<vmem>>, vector<16xi32>,
        %gather3A_324 = tpu.vector_load_idx %arg5[%get3A_323] : memref<100000xf32, #tpu.memory_space<vmem>>[vector<16xi32>], vector<16xf32>,
        %swap3A_325 = arith.index_cast %add3A_321 : i32 to index
        %swap3A_326 = tpu.vector_load %arg7[%swap3A_325] {strides = array<i32>} : memref<4096xf32, #tpu.memory_space<vmem>>, vector<16xf32>,
        tpu.vector_store %arg7[%swap3A_325], %gather3A_324 {strides = array<i32>} : memref<4096xf32, #tpu.memory_space<vmem>>, vector<16xf32>,
        %add3A_327 = arith.constant 304 : i32
        %add3A_328 = arith.addi %add3A_120, %add3A_327 : i32
        %mul3A_329 = arith.constant 512 : i32
        %mul3A_330 = arith.muli %scan3A_116, %mul3A_329 : i32
        %add3A_331 = arith.constant 304 : i32
        %add3A_332 = arith.addi %mul3A_330, %add3A_331 : i32
        %get3A_333 = arith.index_cast %add3A_328 : i32 to index
        %get3A_334 = tpu.vector_load %arg6[%get3A_333] {strides = array<i32>} : memref<16384xi32, #tpu.memory_space<vmem>>, vector<16xi32>,
        %gather3A_335 = tpu.vector_load_idx %arg5[%get3A_334] : memref<100000xf32, #tpu.memory_space<vmem>>[vector<16xi32>], vector<16xf32>,
        %swap3A_336 = arith.index_cast %add3A_332 : i32 to index
        %swap3A_337 = tpu.vector_load %arg7[%swap3A_336] {strides = array<i32>} : memref<4096xf32, #tpu.memory_space<vmem>>, vector<16xf32>,
        tpu.vector_store %arg7[%swap3A_336], %gather3A_335 {strides = array<i32>} : memref<4096xf32, #tpu.memory_space<vmem>>, vector<16xf32>,
        %add3A_338 = arith.constant 320 : i32
        %add3A_339 = arith.addi %add3A_120, %add3A_338 : i32
        %mul3A_340 = arith.constant 512 : i32
        %mul3A_341 = arith.muli %scan3A_116, %mul3A_340 : i32
        %add3A_342 = arith.constant 320 : i32
        %add3A_343 = arith.addi %mul3A_341, %add3A_342 : i32
        %get3A_344 = arith.index_cast %add3A_339 : i32 to index
        %get3A_345 = tpu.vector_load %arg6[%get3A_344] {strides = array<i32>} : memref<16384xi32, #tpu.memory_space<vmem>>, vector<16xi32>,
        %gather3A_346 = tpu.vector_load_idx %arg5[%get3A_345] : memref<100000xf32, #tpu.memory_space<vmem>>[vector<16xi32>], vector<16xf32>,
        %swap3A_347 = arith.index_cast %add3A_343 : i32 to index
        %swap3A_348 = tpu.vector_load %arg7[%swap3A_347] {strides = array<i32>} : memref<4096xf32, #tpu.memory_space<vmem>>, vector<16xf32>,
        tpu.vector_store %arg7[%swap3A_347], %gather3A_346 {strides = array<i32>} : memref<4096xf32, #tpu.memory_space<vmem>>, vector<16xf32>,
        %add3A_349 = arith.constant 336 : i32
        %add3A_350 = arith.addi %add3A_120, %add3A_349 : i32
        %mul3A_351 = arith.constant 512 : i32
        %mul3A_352 = arith.muli %scan3A_116, %mul3A_351 : i32
        %add3A_353 = arith.constant 336 : i32
        %add3A_354 = arith.addi %mul3A_352, %add3A_353 : i32
        %get3A_355 = arith.index_cast %add3A_350 : i32 to index
        %get3A_356 = tpu.vector_load %arg6[%get3A_355] {strides = array<i32>} : memref<16384xi32, #tpu.memory_space<vmem>>, vector<16xi32>,
        %gather3A_357 = tpu.vector_load_idx %arg5[%get3A_356] : memref<100000xf32, #tpu.memory_space<vmem>>[vector<16xi32>], vector<16xf32>,
        %swap3A_358 = arith.index_cast %add3A_354 : i32 to index
        %swap3A_359 = tpu.vector_load %arg7[%swap3A_358] {strides = array<i32>} : memref<4096xf32, #tpu.memory_space<vmem>>, vector<16xf32>,
        tpu.vector_store %arg7[%swap3A_358], %gather3A_357 {strides = array<i32>} : memref<4096xf32, #tpu.memory_space<vmem>>, vector<16xf32>,
        %add3A_360 = arith.constant 352 : i32
        %add3A_361 = arith.addi %add3A_120, %add3A_360 : i32
        %mul3A_362 = arith.constant 512 : i32
        %mul3A_363 = arith.muli %scan3A_116, %mul3A_362 : i32
        %add3A_364 = arith.constant 352 : i32
        %add3A_365 = arith.addi %mul3A_363, %add3A_364 : i32
        %get3A_366 = arith.index_cast %add3A_361 : i32 to index
        %get3A_367 = tpu.vector_load %arg6[%get3A_366] {strides = array<i32>} : memref<16384xi32, #tpu.memory_space<vmem>>, vector<16xi32>,
        %gather3A_368 = tpu.vector_load_idx %arg5[%get3A_367] : memref<100000xf32, #tpu.memory_space<vmem>>[vector<16xi32>], vector<16xf32>,
        %swap3A_369 = arith.index_cast %add3A_365 : i32 to index
        %swap3A_370 = tpu.vector_load %arg7[%swap3A_369] {strides = array<i32>} : memref<4096xf32, #tpu.memory_space<vmem>>, vector<16xf32>,
        tpu.vector_store %arg7[%swap3A_369], %gather3A_368 {strides = array<i32>} : memref<4096xf32, #tpu.memory_space<vmem>>, vector<16xf32>,
        %add3A_371 = arith.constant 368 : i32
        %add3A_372 = arith.addi %add3A_120, %add3A_371 : i32
        %mul3A_373 = arith.constant 512 : i32
        %mul3A_374 = arith.muli %scan3A_116, %mul3A_373 : i32
        %add3A_375 = arith.constant 368 : i32
        %add3A_376 = arith.addi %mul3A_374, %add3A_375 : i32
        %get3A_377 = arith.index_cast %add3A_372 : i32 to index
        %get3A_378 = tpu.vector_load %arg6[%get3A_377] {strides = array<i32>} : memref<16384xi32, #tpu.memory_space<vmem>>, vector<16xi32>,
        %gather3A_379 = tpu.vector_load_idx %arg5[%get3A_378] : memref<100000xf32, #tpu.memory_space<vmem>>[vector<16xi32>], vector<16xf32>,
        %swap3A_380 = arith.index_cast %add3A_376 : i32 to index
        %swap3A_381 = tpu.vector_load %arg7[%swap3A_380] {strides = array<i32>} : memref<4096xf32, #tpu.memory_space<vmem>>, vector<16xf32>,
        tpu.vector_store %arg7[%swap3A_380], %gather3A_379 {strides = array<i32>} : memref<4096xf32, #tpu.memory_space<vmem>>, vector<16xf32>,
        %add3A_382 = arith.constant 384 : i32
        %add3A_383 = arith.addi %add3A_120, %add3A_382 : i32
        %mul3A_384 = arith.constant 512 : i32
        %mul3A_385 = arith.muli %scan3A_116, %mul3A_384 : i32
        %add3A_386 = arith.constant 384 : i32
        %add3A_387 = arith.addi %mul3A_385, %add3A_386 : i32
        %get3A_388 = arith.index_cast %add3A_383 : i32 to index
        %get3A_389 = tpu.vector_load %arg6[%get3A_388] {strides = array<i32>} : memref<16384xi32, #tpu.memory_space<vmem>>, vector<16xi32>,
        %gather3A_390 = tpu.vector_load_idx %arg5[%get3A_389] : memref<100000xf32, #tpu.memory_space<vmem>>[vector<16xi32>], vector<16xf32>,
        %swap3A_391 = arith.index_cast %add3A_387 : i32 to index
        %swap3A_392 = tpu.vector_load %arg7[%swap3A_391] {strides = array<i32>} : memref<4096xf32, #tpu.memory_space<vmem>>, vector<16xf32>,
        tpu.vector_store %arg7[%swap3A_391], %gather3A_390 {strides = array<i32>} : memref<4096xf32, #tpu.memory_space<vmem>>, vector<16xf32>,
        %add3A_393 = arith.constant 400 : i32
        %add3A_394 = arith.addi %add3A_120, %add3A_393 : i32
        %mul3A_395 = arith.constant 512 : i32
        %mul3A_396 = arith.muli %scan3A_116, %mul3A_395 : i32
        %add3A_397 = arith.constant 400 : i32
        %add3A_398 = arith.addi %mul3A_396, %add3A_397 : i32
        %get3A_399 = arith.index_cast %add3A_394 : i32 to index
        %get3A_400 = tpu.vector_load %arg6[%get3A_399] {strides = array<i32>} : memref<16384xi32, #tpu.memory_space<vmem>>, vector<16xi32>,
        %gather3A_401 = tpu.vector_load_idx %arg5[%get3A_400] : memref<100000xf32, #tpu.memory_space<vmem>>[vector<16xi32>], vector<16xf32>,
        %swap3A_402 = arith.index_cast %add3A_398 : i32 to index
        %swap3A_403 = tpu.vector_load %arg7[%swap3A_402] {strides = array<i32>} : memref<4096xf32, #tpu.memory_space<vmem>>, vector<16xf32>,
        tpu.vector_store %arg7[%swap3A_402], %gather3A_401 {strides = array<i32>} : memref<4096xf32, #tpu.memory_space<vmem>>, vector<16xf32>,
        %add3A_404 = arith.constant 416 : i32
        %add3A_405 = arith.addi %add3A_120, %add3A_404 : i32
        %mul3A_406 = arith.constant 512 : i32
        %mul3A_407 = arith.muli %scan3A_116, %mul3A_406 : i32
        %add3A_408 = arith.constant 416 : i32
        %add3A_409 = arith.addi %mul3A_407, %add3A_408 : i32
        %get3A_410 = arith.index_cast %add3A_405 : i32 to index
        %get3A_411 = tpu.vector_load %arg6[%get3A_410] {strides = array<i32>} : memref<16384xi32, #tpu.memory_space<vmem>>, vector<16xi32>,
        %gather3A_412 = tpu.vector_load_idx %arg5[%get3A_411] : memref<100000xf32, #tpu.memory_space<vmem>>[vector<16xi32>], vector<16xf32>,
        %swap3A_413 = arith.index_cast %add3A_409 : i32 to index
        %swap3A_414 = tpu.vector_load %arg7[%swap3A_413] {strides = array<i32>} : memref<4096xf32, #tpu.memory_space<vmem>>, vector<16xf32>,
        tpu.vector_store %arg7[%swap3A_413], %gather3A_412 {strides = array<i32>} : memref<4096xf32, #tpu.memory_space<vmem>>, vector<16xf32>,
        %add3A_415 = arith.constant 432 : i32
        %add3A_416 = arith.addi %add3A_120, %add3A_415 : i32
        %mul3A_417 = arith.constant 512 : i32
        %mul3A_418 = arith.muli %scan3A_116, %mul3A_417 : i32
        %add3A_419 = arith.constant 432 : i32
        %add3A_420 = arith.addi %mul3A_418, %add3A_419 : i32
        %get3A_421 = arith.index_cast %add3A_416 : i32 to index
        %get3A_422 = tpu.vector_load %arg6[%get3A_421] {strides = array<i32>} : memref<16384xi32, #tpu.memory_space<vmem>>, vector<16xi32>,
        %gather3A_423 = tpu.vector_load_idx %arg5[%get3A_422] : memref<100000xf32, #tpu.memory_space<vmem>>[vector<16xi32>], vector<16xf32>,
        %swap3A_424 = arith.index_cast %add3A_420 : i32 to index
        %swap3A_425 = tpu.vector_load %arg7[%swap3A_424] {strides = array<i32>} : memref<4096xf32, #tpu.memory_space<vmem>>, vector<16xf32>,
        tpu.vector_store %arg7[%swap3A_424], %gather3A_423 {strides = array<i32>} : memref<4096xf32, #tpu.memory_space<vmem>>, vector<16xf32>,
        %add3A_426 = arith.constant 448 : i32
        %add3A_427 = arith.addi %add3A_120, %add3A_426 : i32
        %mul3A_428 = arith.constant 512 : i32
        %mul3A_429 = arith.muli %scan3A_116, %mul3A_428 : i32
        %add3A_430 = arith.constant 448 : i32
        %add3A_431 = arith.addi %mul3A_429, %add3A_430 : i32
        %get3A_432 = arith.index_cast %add3A_427 : i32 to index
        %get3A_433 = tpu.vector_load %arg6[%get3A_432] {strides = array<i32>} : memref<16384xi32, #tpu.memory_space<vmem>>, vector<16xi32>,
        %gather3A_434 = tpu.vector_load_idx %arg5[%get3A_433] : memref<100000xf32, #tpu.memory_space<vmem>>[vector<16xi32>], vector<16xf32>,
        %swap3A_435 = arith.index_cast %add3A_431 : i32 to index
        %swap3A_436 = tpu.vector_load %arg7[%swap3A_435] {strides = array<i32>} : memref<4096xf32, #tpu.memory_space<vmem>>, vector<16xf32>,
        tpu.vector_store %arg7[%swap3A_435], %gather3A_434 {strides = array<i32>} : memref<4096xf32, #tpu.memory_space<vmem>>, vector<16xf32>,
        %add3A_437 = arith.constant 464 : i32
        %add3A_438 = arith.addi %add3A_120, %add3A_437 : i32
        %mul3A_439 = arith.constant 512 : i32
        %mul3A_440 = arith.muli %scan3A_116, %mul3A_439 : i32
        %add3A_441 = arith.constant 464 : i32
        %add3A_442 = arith.addi %mul3A_440, %add3A_441 : i32
        %get3A_443 = arith.index_cast %add3A_438 : i32 to index
        %get3A_444 = tpu.vector_load %arg6[%get3A_443] {strides = array<i32>} : memref<16384xi32, #tpu.memory_space<vmem>>, vector<16xi32>,
        %gather3A_445 = tpu.vector_load_idx %arg5[%get3A_444] : memref<100000xf32, #tpu.memory_space<vmem>>[vector<16xi32>], vector<16xf32>,
        %swap3A_446 = arith.index_cast %add3A_442 : i32 to index
        %swap3A_447 = tpu.vector_load %arg7[%swap3A_446] {strides = array<i32>} : memref<4096xf32, #tpu.memory_space<vmem>>, vector<16xf32>,
        tpu.vector_store %arg7[%swap3A_446], %gather3A_445 {strides = array<i32>} : memref<4096xf32, #tpu.memory_space<vmem>>, vector<16xf32>,
        %add3A_448 = arith.constant 480 : i32
        %add3A_449 = arith.addi %add3A_120, %add3A_448 : i32
        %mul3A_450 = arith.constant 512 : i32
        %mul3A_451 = arith.muli %scan3A_116, %mul3A_450 : i32
        %add3A_452 = arith.constant 480 : i32
        %add3A_453 = arith.addi %mul3A_451, %add3A_452 : i32
        %get3A_454 = arith.index_cast %add3A_449 : i32 to index
        %get3A_455 = tpu.vector_load %arg6[%get3A_454] {strides = array<i32>} : memref<16384xi32, #tpu.memory_space<vmem>>, vector<16xi32>,
        %gather3A_456 = tpu.vector_load_idx %arg5[%get3A_455] : memref<100000xf32, #tpu.memory_space<vmem>>[vector<16xi32>], vector<16xf32>,
        %swap3A_457 = arith.index_cast %add3A_453 : i32 to index
        %swap3A_458 = tpu.vector_load %arg7[%swap3A_457] {strides = array<i32>} : memref<4096xf32, #tpu.memory_space<vmem>>, vector<16xf32>,
        tpu.vector_store %arg7[%swap3A_457], %gather3A_456 {strides = array<i32>} : memref<4096xf32, #tpu.memory_space<vmem>>, vector<16xf32>,
        %add3A_459 = arith.constant 496 : i32
        %add3A_460 = arith.addi %add3A_120, %add3A_459 : i32
        %mul3A_461 = arith.constant 512 : i32
        %mul3A_462 = arith.muli %scan3A_116, %mul3A_461 : i32
        %add3A_463 = arith.constant 496 : i32
        %add3A_464 = arith.addi %mul3A_462, %add3A_463 : i32
        %get3A_465 = arith.index_cast %add3A_460 : i32 to index
        %get3A_466 = tpu.vector_load %arg6[%get3A_465] {strides = array<i32>} : memref<16384xi32, #tpu.memory_space<vmem>>, vector<16xi32>,
        %gather3A_467 = tpu.vector_load_idx %arg5[%get3A_466] : memref<100000xf32, #tpu.memory_space<vmem>>[vector<16xi32>], vector<16xf32>,
        %swap3A_468 = arith.index_cast %add3A_464 : i32 to index
        %swap3A_469 = tpu.vector_load %arg7[%swap3A_468] {strides = array<i32>} : memref<4096xf32, #tpu.memory_space<vmem>>, vector<16xf32>,
        tpu.vector_store %arg7[%swap3A_468], %gather3A_467 {strides = array<i32>} : memref<4096xf32, #tpu.memory_space<vmem>>, vector<16xf32>,
      }
      %scan3A_89 = arith.constant 8 : i32
      %dma_start3A_90 = arith.constant 8192 : i32
      %dma_start3A_91 = tpu.memref_slice %arg4[%add3A_37, %dma_start3A_90] : memref<832x16384xf32, #tpu.memory_space<hbm>> -> memref<1x4096xf32, #tpu.memory_space<hbm>>
      %dma_start3A_92 = tpu.memref_squeeze %dma_start3A_91 : memref<1x4096xf32, #tpu.memory_space<hbm>> -> memref<4096xf32, #tpu.memory_space<hbm>>
      %dma_start3A_93 = arith.constant 8192 : i32
      %dma_start3A_94 = tpu.memref_slice %arg4[%add3A_37, %dma_start3A_93] : memref<832x16384xf32, #tpu.memory_space<hbm>> -> memref<1x4096xf32, #tpu.memory_space<hbm>>
      %dma_start3A_95 = tpu.memref_squeeze %dma_start3A_94 : memref<1x4096xf32, #tpu.memory_space<hbm>> -> memref<4096xf32, #tpu.memory_space<hbm>>
      tpu.enqueue_dma source(%arg7 : memref<4096xf32, #tpu.memory_space<vmem>>) target(%dma_start3A_95 : memref<4096xf32, #tpu.memory_space<hbm>>) target_semaphore(%arg11 : memref<!tpu.dma_semaphore, #tpu.memory_space<semaphore_mem>>)
      %dma_wait3A_96 = arith.constant 0 : i32
      %dma_wait3A_97 = arith.constant 0 : i32
      %dma_wait3A_98 = arith.constant 0 : i32
      %dma_wait3A_99 = tpu.memref_slice %arg2[%dma_wait3A_96, %dma_wait3A_97, %dma_wait3A_98] : memref<26x32x100000xf32, #tpu.memory_space<hbm>> -> memref<1x1x4096xf32, #tpu.memory_space<hbm>>
      %dma_wait3A_100 = tpu.memref_squeeze %dma_wait3A_99 : memref<1x1x4096xf32, #tpu.memory_space<hbm>> -> memref<4096xf32, #tpu.memory_space<hbm>>
      %dma_wait3A_101 = arith.constant 0 : i32
      %dma_wait3A_102 = tpu.memref_slice %arg2[%dma_wait3A_96, %dma_wait3A_97, %dma_wait3A_101] : memref<26x32x100000xf32, #tpu.memory_space<hbm>> -> memref<1x1x4096xf32, #tpu.memory_space<hbm>>
      %dma_wait3A_103 = tpu.memref_squeeze %dma_wait3A_102 : memref<1x1x4096xf32, #tpu.memory_space<hbm>> -> memref<4096xf32, #tpu.memory_space<hbm>>
      tpu.wait_dma2 semaphore(%arg12 : memref<!tpu.dma_semaphore, #tpu.memory_space<semaphore_mem>>) src(%dma_wait3A_103 : memref<4096xf32, #tpu.memory_space<hbm>>) dst(%arg8 : memref<4096xf32, #tpu.memory_space<vmem>>)
      %scan3A_104 = arith.constant 0 : i32
      %scan3A_105 = arith.constant 0 : i32
      %scan3A_106 = arith.constant 8 : i32
      %scan3A_107 = arith.addi %scan3A_105, %scan3A_106 : i32
      %scan3A_108 = arith.constant 1 : i32
      scf.for %scan3A_116 = %scan3A_105 to %scan3A_107 step %scan3A_108  : i32 {
        %mul3A_117 = arith.constant 512 : i32
        %mul3A_118 = arith.muli %scan3A_116, %mul3A_117 : i32
        %add3A_119 = arith.constant 12288 : i32
        %add3A_120 = arith.addi %add3A_119, %mul3A_118 : i32
        %add3A_121 = arith.constant 0 : i32
        %add3A_122 = arith.addi %add3A_120, %add3A_121 : i32
        %mul3A_123 = arith.constant 512 : i32
        %mul3A_124 = arith.muli %scan3A_116, %mul3A_123 : i32
        %add3A_125 = arith.constant 0 : i32
        %add3A_126 = arith.addi %mul3A_124, %add3A_125 : i32
        %get3A = arith.index_cast %add3A_122 : i32 to index
        %get3A_127 = tpu.vector_load %arg6[%get3A] {strides = array<i32>} : memref<16384xi32, #tpu.memory_space<vmem>>, vector<16xi32>,
        %gather3A = tpu.vector_load_idx %arg5[%get3A_127] : memref<100000xf32, #tpu.memory_space<vmem>>[vector<16xi32>], vector<16xf32>,
        %swap3A = arith.index_cast %add3A_126 : i32 to index
        %swap3A_128 = tpu.vector_load %arg8[%swap3A] {strides = array<i32>} : memref<4096xf32, #tpu.memory_space<vmem>>, vector<16xf32>,
        tpu.vector_store %arg8[%swap3A], %gather3A {strides = array<i32>} : memref<4096xf32, #tpu.memory_space<vmem>>, vector<16xf32>,
        %add3A_129 = arith.constant 16 : i32
        %add3A_130 = arith.addi %add3A_120, %add3A_129 : i32
        %mul3A_131 = arith.constant 512 : i32
        %mul3A_132 = arith.muli %scan3A_116, %mul3A_131 : i32
        %add3A_133 = arith.constant 16 : i32
        %add3A_134 = arith.addi %mul3A_132, %add3A_133 : i32
        %get3A_135 = arith.index_cast %add3A_130 : i32 to index
        %get3A_136 = tpu.vector_load %arg6[%get3A_135] {strides = array<i32>} : memref<16384xi32, #tpu.memory_space<vmem>>, vector<16xi32>,
        %gather3A_137 = tpu.vector_load_idx %arg5[%get3A_136] : memref<100000xf32, #tpu.memory_space<vmem>>[vector<16xi32>], vector<16xf32>,
        %swap3A_138 = arith.index_cast %add3A_134 : i32 to index
        %swap3A_139 = tpu.vector_load %arg8[%swap3A_138] {strides = array<i32>} : memref<4096xf32, #tpu.memory_space<vmem>>, vector<16xf32>,
        tpu.vector_store %arg8[%swap3A_138], %gather3A_137 {strides = array<i32>} : memref<4096xf32, #tpu.memory_space<vmem>>, vector<16xf32>,
        %add3A_140 = arith.constant 32 : i32
        %add3A_141 = arith.addi %add3A_120, %add3A_140 : i32
        %mul3A_142 = arith.constant 512 : i32
        %mul3A_143 = arith.muli %scan3A_116, %mul3A_142 : i32
        %add3A_144 = arith.constant 32 : i32
        %add3A_145 = arith.addi %mul3A_143, %add3A_144 : i32
        %get3A_146 = arith.index_cast %add3A_141 : i32 to index
        %get3A_147 = tpu.vector_load %arg6[%get3A_146] {strides = array<i32>} : memref<16384xi32, #tpu.memory_space<vmem>>, vector<16xi32>,
        %gather3A_148 = tpu.vector_load_idx %arg5[%get3A_147] : memref<100000xf32, #tpu.memory_space<vmem>>[vector<16xi32>], vector<16xf32>,
        %swap3A_149 = arith.index_cast %add3A_145 : i32 to index
        %swap3A_150 = tpu.vector_load %arg8[%swap3A_149] {strides = array<i32>} : memref<4096xf32, #tpu.memory_space<vmem>>, vector<16xf32>,
        tpu.vector_store %arg8[%swap3A_149], %gather3A_148 {strides = array<i32>} : memref<4096xf32, #tpu.memory_space<vmem>>, vector<16xf32>,
        %add3A_151 = arith.constant 48 : i32
        %add3A_152 = arith.addi %add3A_120, %add3A_151 : i32
        %mul3A_153 = arith.constant 512 : i32
        %mul3A_154 = arith.muli %scan3A_116, %mul3A_153 : i32
        %add3A_155 = arith.constant 48 : i32
        %add3A_156 = arith.addi %mul3A_154, %add3A_155 : i32
        %get3A_157 = arith.index_cast %add3A_152 : i32 to index
        %get3A_158 = tpu.vector_load %arg6[%get3A_157] {strides = array<i32>} : memref<16384xi32, #tpu.memory_space<vmem>>, vector<16xi32>,
        %gather3A_159 = tpu.vector_load_idx %arg5[%get3A_158] : memref<100000xf32, #tpu.memory_space<vmem>>[vector<16xi32>], vector<16xf32>,
        %swap3A_160 = arith.index_cast %add3A_156 : i32 to index
        %swap3A_161 = tpu.vector_load %arg8[%swap3A_160] {strides = array<i32>} : memref<4096xf32, #tpu.memory_space<vmem>>, vector<16xf32>,
        tpu.vector_store %arg8[%swap3A_160], %gather3A_159 {strides = array<i32>} : memref<4096xf32, #tpu.memory_space<vmem>>, vector<16xf32>,
        %add3A_162 = arith.constant 64 : i32
        %add3A_163 = arith.addi %add3A_120, %add3A_162 : i32
        %mul3A_164 = arith.constant 512 : i32
        %mul3A_165 = arith.muli %scan3A_116, %mul3A_164 : i32
        %add3A_166 = arith.constant 64 : i32
        %add3A_167 = arith.addi %mul3A_165, %add3A_166 : i32
        %get3A_168 = arith.index_cast %add3A_163 : i32 to index
        %get3A_169 = tpu.vector_load %arg6[%get3A_168] {strides = array<i32>} : memref<16384xi32, #tpu.memory_space<vmem>>, vector<16xi32>,
        %gather3A_170 = tpu.vector_load_idx %arg5[%get3A_169] : memref<100000xf32, #tpu.memory_space<vmem>>[vector<16xi32>], vector<16xf32>,
        %swap3A_171 = arith.index_cast %add3A_167 : i32 to index
        %swap3A_172 = tpu.vector_load %arg8[%swap3A_171] {strides = array<i32>} : memref<4096xf32, #tpu.memory_space<vmem>>, vector<16xf32>,
        tpu.vector_store %arg8[%swap3A_171], %gather3A_170 {strides = array<i32>} : memref<4096xf32, #tpu.memory_space<vmem>>, vector<16xf32>,
        %add3A_173 = arith.constant 80 : i32
        %add3A_174 = arith.addi %add3A_120, %add3A_173 : i32
        %mul3A_175 = arith.constant 512 : i32
        %mul3A_176 = arith.muli %scan3A_116, %mul3A_175 : i32
        %add3A_177 = arith.constant 80 : i32
        %add3A_178 = arith.addi %mul3A_176, %add3A_177 : i32
        %get3A_179 = arith.index_cast %add3A_174 : i32 to index
        %get3A_180 = tpu.vector_load %arg6[%get3A_179] {strides = array<i32>} : memref<16384xi32, #tpu.memory_space<vmem>>, vector<16xi32>,
        %gather3A_181 = tpu.vector_load_idx %arg5[%get3A_180] : memref<100000xf32, #tpu.memory_space<vmem>>[vector<16xi32>], vector<16xf32>,
        %swap3A_182 = arith.index_cast %add3A_178 : i32 to index
        %swap3A_183 = tpu.vector_load %arg8[%swap3A_182] {strides = array<i32>} : memref<4096xf32, #tpu.memory_space<vmem>>, vector<16xf32>,
        tpu.vector_store %arg8[%swap3A_182], %gather3A_181 {strides = array<i32>} : memref<4096xf32, #tpu.memory_space<vmem>>, vector<16xf32>,
        %add3A_184 = arith.constant 96 : i32
        %add3A_185 = arith.addi %add3A_120, %add3A_184 : i32
        %mul3A_186 = arith.constant 512 : i32
        %mul3A_187 = arith.muli %scan3A_116, %mul3A_186 : i32
        %add3A_188 = arith.constant 96 : i32
        %add3A_189 = arith.addi %mul3A_187, %add3A_188 : i32
        %get3A_190 = arith.index_cast %add3A_185 : i32 to index
        %get3A_191 = tpu.vector_load %arg6[%get3A_190] {strides = array<i32>} : memref<16384xi32, #tpu.memory_space<vmem>>, vector<16xi32>,
        %gather3A_192 = tpu.vector_load_idx %arg5[%get3A_191] : memref<100000xf32, #tpu.memory_space<vmem>>[vector<16xi32>], vector<16xf32>,
        %swap3A_193 = arith.index_cast %add3A_189 : i32 to index
        %swap3A_194 = tpu.vector_load %arg8[%swap3A_193] {strides = array<i32>} : memref<4096xf32, #tpu.memory_space<vmem>>, vector<16xf32>,
        tpu.vector_store %arg8[%swap3A_193], %gather3A_192 {strides = array<i32>} : memref<4096xf32, #tpu.memory_space<vmem>>, vector<16xf32>,
        %add3A_195 = arith.constant 112 : i32
        %add3A_196 = arith.addi %add3A_120, %add3A_195 : i32
        %mul3A_197 = arith.constant 512 : i32
        %mul3A_198 = arith.muli %scan3A_116, %mul3A_197 : i32
        %add3A_199 = arith.constant 112 : i32
        %add3A_200 = arith.addi %mul3A_198, %add3A_199 : i32
        %get3A_201 = arith.index_cast %add3A_196 : i32 to index
        %get3A_202 = tpu.vector_load %arg6[%get3A_201] {strides = array<i32>} : memref<16384xi32, #tpu.memory_space<vmem>>, vector<16xi32>,
        %gather3A_203 = tpu.vector_load_idx %arg5[%get3A_202] : memref<100000xf32, #tpu.memory_space<vmem>>[vector<16xi32>], vector<16xf32>,
        %swap3A_204 = arith.index_cast %add3A_200 : i32 to index
        %swap3A_205 = tpu.vector_load %arg8[%swap3A_204] {strides = array<i32>} : memref<4096xf32, #tpu.memory_space<vmem>>, vector<16xf32>,
        tpu.vector_store %arg8[%swap3A_204], %gather3A_203 {strides = array<i32>} : memref<4096xf32, #tpu.memory_space<vmem>>, vector<16xf32>,
        %add3A_206 = arith.constant 128 : i32
        %add3A_207 = arith.addi %add3A_120, %add3A_206 : i32
        %mul3A_208 = arith.constant 512 : i32
        %mul3A_209 = arith.muli %scan3A_116, %mul3A_208 : i32
        %add3A_210 = arith.constant 128 : i32
        %add3A_211 = arith.addi %mul3A_209, %add3A_210 : i32
        %get3A_212 = arith.index_cast %add3A_207 : i32 to index
        %get3A_213 = tpu.vector_load %arg6[%get3A_212] {strides = array<i32>} : memref<16384xi32, #tpu.memory_space<vmem>>, vector<16xi32>,
        %gather3A_214 = tpu.vector_load_idx %arg5[%get3A_213] : memref<100000xf32, #tpu.memory_space<vmem>>[vector<16xi32>], vector<16xf32>,
        %swap3A_215 = arith.index_cast %add3A_211 : i32 to index
        %swap3A_216 = tpu.vector_load %arg8[%swap3A_215] {strides = array<i32>} : memref<4096xf32, #tpu.memory_space<vmem>>, vector<16xf32>,
        tpu.vector_store %arg8[%swap3A_215], %gather3A_214 {strides = array<i32>} : memref<4096xf32, #tpu.memory_space<vmem>>, vector<16xf32>,
        %add3A_217 = arith.constant 144 : i32
        %add3A_218 = arith.addi %add3A_120, %add3A_217 : i32
        %mul3A_219 = arith.constant 512 : i32
        %mul3A_220 = arith.muli %scan3A_116, %mul3A_219 : i32
        %add3A_221 = arith.constant 144 : i32
        %add3A_222 = arith.addi %mul3A_220, %add3A_221 : i32
        %get3A_223 = arith.index_cast %add3A_218 : i32 to index
        %get3A_224 = tpu.vector_load %arg6[%get3A_223] {strides = array<i32>} : memref<16384xi32, #tpu.memory_space<vmem>>, vector<16xi32>,
        %gather3A_225 = tpu.vector_load_idx %arg5[%get3A_224] : memref<100000xf32, #tpu.memory_space<vmem>>[vector<16xi32>], vector<16xf32>,
        %swap3A_226 = arith.index_cast %add3A_222 : i32 to index
        %swap3A_227 = tpu.vector_load %arg8[%swap3A_226] {strides = array<i32>} : memref<4096xf32, #tpu.memory_space<vmem>>, vector<16xf32>,
        tpu.vector_store %arg8[%swap3A_226], %gather3A_225 {strides = array<i32>} : memref<4096xf32, #tpu.memory_space<vmem>>, vector<16xf32>,
        %add3A_228 = arith.constant 160 : i32
        %add3A_229 = arith.addi %add3A_120, %add3A_228 : i32
        %mul3A_230 = arith.constant 512 : i32
        %mul3A_231 = arith.muli %scan3A_116, %mul3A_230 : i32
        %add3A_232 = arith.constant 160 : i32
        %add3A_233 = arith.addi %mul3A_231, %add3A_232 : i32
        %get3A_234 = arith.index_cast %add3A_229 : i32 to index
        %get3A_235 = tpu.vector_load %arg6[%get3A_234] {strides = array<i32>} : memref<16384xi32, #tpu.memory_space<vmem>>, vector<16xi32>,
        %gather3A_236 = tpu.vector_load_idx %arg5[%get3A_235] : memref<100000xf32, #tpu.memory_space<vmem>>[vector<16xi32>], vector<16xf32>,
        %swap3A_237 = arith.index_cast %add3A_233 : i32 to index
        %swap3A_238 = tpu.vector_load %arg8[%swap3A_237] {strides = array<i32>} : memref<4096xf32, #tpu.memory_space<vmem>>, vector<16xf32>,
        tpu.vector_store %arg8[%swap3A_237], %gather3A_236 {strides = array<i32>} : memref<4096xf32, #tpu.memory_space<vmem>>, vector<16xf32>,
        %add3A_239 = arith.constant 176 : i32
        %add3A_240 = arith.addi %add3A_120, %add3A_239 : i32
        %mul3A_241 = arith.constant 512 : i32
        %mul3A_242 = arith.muli %scan3A_116, %mul3A_241 : i32
        %add3A_243 = arith.constant 176 : i32
        %add3A_244 = arith.addi %mul3A_242, %add3A_243 : i32
        %get3A_245 = arith.index_cast %add3A_240 : i32 to index
        %get3A_246 = tpu.vector_load %arg6[%get3A_245] {strides = array<i32>} : memref<16384xi32, #tpu.memory_space<vmem>>, vector<16xi32>,
        %gather3A_247 = tpu.vector_load_idx %arg5[%get3A_246] : memref<100000xf32, #tpu.memory_space<vmem>>[vector<16xi32>], vector<16xf32>,
        %swap3A_248 = arith.index_cast %add3A_244 : i32 to index
        %swap3A_249 = tpu.vector_load %arg8[%swap3A_248] {strides = array<i32>} : memref<4096xf32, #tpu.memory_space<vmem>>, vector<16xf32>,
        tpu.vector_store %arg8[%swap3A_248], %gather3A_247 {strides = array<i32>} : memref<4096xf32, #tpu.memory_space<vmem>>, vector<16xf32>,
        %add3A_250 = arith.constant 192 : i32
        %add3A_251 = arith.addi %add3A_120, %add3A_250 : i32
        %mul3A_252 = arith.constant 512 : i32
        %mul3A_253 = arith.muli %scan3A_116, %mul3A_252 : i32
        %add3A_254 = arith.constant 192 : i32
        %add3A_255 = arith.addi %mul3A_253, %add3A_254 : i32
        %get3A_256 = arith.index_cast %add3A_251 : i32 to index
        %get3A_257 = tpu.vector_load %arg6[%get3A_256] {strides = array<i32>} : memref<16384xi32, #tpu.memory_space<vmem>>, vector<16xi32>,
        %gather3A_258 = tpu.vector_load_idx %arg5[%get3A_257] : memref<100000xf32, #tpu.memory_space<vmem>>[vector<16xi32>], vector<16xf32>,
        %swap3A_259 = arith.index_cast %add3A_255 : i32 to index
        %swap3A_260 = tpu.vector_load %arg8[%swap3A_259] {strides = array<i32>} : memref<4096xf32, #tpu.memory_space<vmem>>, vector<16xf32>,
        tpu.vector_store %arg8[%swap3A_259], %gather3A_258 {strides = array<i32>} : memref<4096xf32, #tpu.memory_space<vmem>>, vector<16xf32>,
        %add3A_261 = arith.constant 208 : i32
        %add3A_262 = arith.addi %add3A_120, %add3A_261 : i32
        %mul3A_263 = arith.constant 512 : i32
        %mul3A_264 = arith.muli %scan3A_116, %mul3A_263 : i32
        %add3A_265 = arith.constant 208 : i32
        %add3A_266 = arith.addi %mul3A_264, %add3A_265 : i32
        %get3A_267 = arith.index_cast %add3A_262 : i32 to index
        %get3A_268 = tpu.vector_load %arg6[%get3A_267] {strides = array<i32>} : memref<16384xi32, #tpu.memory_space<vmem>>, vector<16xi32>,
        %gather3A_269 = tpu.vector_load_idx %arg5[%get3A_268] : memref<100000xf32, #tpu.memory_space<vmem>>[vector<16xi32>], vector<16xf32>,
        %swap3A_270 = arith.index_cast %add3A_266 : i32 to index
        %swap3A_271 = tpu.vector_load %arg8[%swap3A_270] {strides = array<i32>} : memref<4096xf32, #tpu.memory_space<vmem>>, vector<16xf32>,
        tpu.vector_store %arg8[%swap3A_270], %gather3A_269 {strides = array<i32>} : memref<4096xf32, #tpu.memory_space<vmem>>, vector<16xf32>,
        %add3A_272 = arith.constant 224 : i32
        %add3A_273 = arith.addi %add3A_120, %add3A_272 : i32
        %mul3A_274 = arith.constant 512 : i32
        %mul3A_275 = arith.muli %scan3A_116, %mul3A_274 : i32
        %add3A_276 = arith.constant 224 : i32
        %add3A_277 = arith.addi %mul3A_275, %add3A_276 : i32
        %get3A_278 = arith.index_cast %add3A_273 : i32 to index
        %get3A_279 = tpu.vector_load %arg6[%get3A_278] {strides = array<i32>} : memref<16384xi32, #tpu.memory_space<vmem>>, vector<16xi32>,
        %gather3A_280 = tpu.vector_load_idx %arg5[%get3A_279] : memref<100000xf32, #tpu.memory_space<vmem>>[vector<16xi32>], vector<16xf32>,
        %swap3A_281 = arith.index_cast %add3A_277 : i32 to index
        %swap3A_282 = tpu.vector_load %arg8[%swap3A_281] {strides = array<i32>} : memref<4096xf32, #tpu.memory_space<vmem>>, vector<16xf32>,
        tpu.vector_store %arg8[%swap3A_281], %gather3A_280 {strides = array<i32>} : memref<4096xf32, #tpu.memory_space<vmem>>, vector<16xf32>,
        %add3A_283 = arith.constant 240 : i32
        %add3A_284 = arith.addi %add3A_120, %add3A_283 : i32
        %mul3A_285 = arith.constant 512 : i32
        %mul3A_286 = arith.muli %scan3A_116, %mul3A_285 : i32
        %add3A_287 = arith.constant 240 : i32
        %add3A_288 = arith.addi %mul3A_286, %add3A_287 : i32
        %get3A_289 = arith.index_cast %add3A_284 : i32 to index
        %get3A_290 = tpu.vector_load %arg6[%get3A_289] {strides = array<i32>} : memref<16384xi32, #tpu.memory_space<vmem>>, vector<16xi32>,
        %gather3A_291 = tpu.vector_load_idx %arg5[%get3A_290] : memref<100000xf32, #tpu.memory_space<vmem>>[vector<16xi32>], vector<16xf32>,
        %swap3A_292 = arith.index_cast %add3A_288 : i32 to index
        %swap3A_293 = tpu.vector_load %arg8[%swap3A_292] {strides = array<i32>} : memref<4096xf32, #tpu.memory_space<vmem>>, vector<16xf32>,
        tpu.vector_store %arg8[%swap3A_292], %gather3A_291 {strides = array<i32>} : memref<4096xf32, #tpu.memory_space<vmem>>, vector<16xf32>,
        %add3A_294 = arith.constant 256 : i32
        %add3A_295 = arith.addi %add3A_120, %add3A_294 : i32
        %mul3A_296 = arith.constant 512 : i32
        %mul3A_297 = arith.muli %scan3A_116, %mul3A_296 : i32
        %add3A_298 = arith.constant 256 : i32
        %add3A_299 = arith.addi %mul3A_297, %add3A_298 : i32
        %get3A_300 = arith.index_cast %add3A_295 : i32 to index
        %get3A_301 = tpu.vector_load %arg6[%get3A_300] {strides = array<i32>} : memref<16384xi32, #tpu.memory_space<vmem>>, vector<16xi32>,
        %gather3A_302 = tpu.vector_load_idx %arg5[%get3A_301] : memref<100000xf32, #tpu.memory_space<vmem>>[vector<16xi32>], vector<16xf32>,
        %swap3A_303 = arith.index_cast %add3A_299 : i32 to index
        %swap3A_304 = tpu.vector_load %arg8[%swap3A_303] {strides = array<i32>} : memref<4096xf32, #tpu.memory_space<vmem>>, vector<16xf32>,
        tpu.vector_store %arg8[%swap3A_303], %gather3A_302 {strides = array<i32>} : memref<4096xf32, #tpu.memory_space<vmem>>, vector<16xf32>,
        %add3A_305 = arith.constant 272 : i32
        %add3A_306 = arith.addi %add3A_120, %add3A_305 : i32
        %mul3A_307 = arith.constant 512 : i32
        %mul3A_308 = arith.muli %scan3A_116, %mul3A_307 : i32
        %add3A_309 = arith.constant 272 : i32
        %add3A_310 = arith.addi %mul3A_308, %add3A_309 : i32
        %get3A_311 = arith.index_cast %add3A_306 : i32 to index
        %get3A_312 = tpu.vector_load %arg6[%get3A_311] {strides = array<i32>} : memref<16384xi32, #tpu.memory_space<vmem>>, vector<16xi32>,
        %gather3A_313 = tpu.vector_load_idx %arg5[%get3A_312] : memref<100000xf32, #tpu.memory_space<vmem>>[vector<16xi32>], vector<16xf32>,
        %swap3A_314 = arith.index_cast %add3A_310 : i32 to index
        %swap3A_315 = tpu.vector_load %arg8[%swap3A_314] {strides = array<i32>} : memref<4096xf32, #tpu.memory_space<vmem>>, vector<16xf32>,
        tpu.vector_store %arg8[%swap3A_314], %gather3A_313 {strides = array<i32>} : memref<4096xf32, #tpu.memory_space<vmem>>, vector<16xf32>,
        %add3A_316 = arith.constant 288 : i32
        %add3A_317 = arith.addi %add3A_120, %add3A_316 : i32
        %mul3A_318 = arith.constant 512 : i32
        %mul3A_319 = arith.muli %scan3A_116, %mul3A_318 : i32
        %add3A_320 = arith.constant 288 : i32
        %add3A_321 = arith.addi %mul3A_319, %add3A_320 : i32
        %get3A_322 = arith.index_cast %add3A_317 : i32 to index
        %get3A_323 = tpu.vector_load %arg6[%get3A_322] {strides = array<i32>} : memref<16384xi32, #tpu.memory_space<vmem>>, vector<16xi32>,
        %gather3A_324 = tpu.vector_load_idx %arg5[%get3A_323] : memref<100000xf32, #tpu.memory_space<vmem>>[vector<16xi32>], vector<16xf32>,
        %swap3A_325 = arith.index_cast %add3A_321 : i32 to index
        %swap3A_326 = tpu.vector_load %arg8[%swap3A_325] {strides = array<i32>} : memref<4096xf32, #tpu.memory_space<vmem>>, vector<16xf32>,
        tpu.vector_store %arg8[%swap3A_325], %gather3A_324 {strides = array<i32>} : memref<4096xf32, #tpu.memory_space<vmem>>, vector<16xf32>,
        %add3A_327 = arith.constant 304 : i32
        %add3A_328 = arith.addi %add3A_120, %add3A_327 : i32
        %mul3A_329 = arith.constant 512 : i32
        %mul3A_330 = arith.muli %scan3A_116, %mul3A_329 : i32
        %add3A_331 = arith.constant 304 : i32
        %add3A_332 = arith.addi %mul3A_330, %add3A_331 : i32
        %get3A_333 = arith.index_cast %add3A_328 : i32 to index
        %get3A_334 = tpu.vector_load %arg6[%get3A_333] {strides = array<i32>} : memref<16384xi32, #tpu.memory_space<vmem>>, vector<16xi32>,
        %gather3A_335 = tpu.vector_load_idx %arg5[%get3A_334] : memref<100000xf32, #tpu.memory_space<vmem>>[vector<16xi32>], vector<16xf32>,
        %swap3A_336 = arith.index_cast %add3A_332 : i32 to index
        %swap3A_337 = tpu.vector_load %arg8[%swap3A_336] {strides = array<i32>} : memref<4096xf32, #tpu.memory_space<vmem>>, vector<16xf32>,
        tpu.vector_store %arg8[%swap3A_336], %gather3A_335 {strides = array<i32>} : memref<4096xf32, #tpu.memory_space<vmem>>, vector<16xf32>,
        %add3A_338 = arith.constant 320 : i32
        %add3A_339 = arith.addi %add3A_120, %add3A_338 : i32
        %mul3A_340 = arith.constant 512 : i32
        %mul3A_341 = arith.muli %scan3A_116, %mul3A_340 : i32
        %add3A_342 = arith.constant 320 : i32
        %add3A_343 = arith.addi %mul3A_341, %add3A_342 : i32
        %get3A_344 = arith.index_cast %add3A_339 : i32 to index
        %get3A_345 = tpu.vector_load %arg6[%get3A_344] {strides = array<i32>} : memref<16384xi32, #tpu.memory_space<vmem>>, vector<16xi32>,
        %gather3A_346 = tpu.vector_load_idx %arg5[%get3A_345] : memref<100000xf32, #tpu.memory_space<vmem>>[vector<16xi32>], vector<16xf32>,
        %swap3A_347 = arith.index_cast %add3A_343 : i32 to index
        %swap3A_348 = tpu.vector_load %arg8[%swap3A_347] {strides = array<i32>} : memref<4096xf32, #tpu.memory_space<vmem>>, vector<16xf32>,
        tpu.vector_store %arg8[%swap3A_347], %gather3A_346 {strides = array<i32>} : memref<4096xf32, #tpu.memory_space<vmem>>, vector<16xf32>,
        %add3A_349 = arith.constant 336 : i32
        %add3A_350 = arith.addi %add3A_120, %add3A_349 : i32
        %mul3A_351 = arith.constant 512 : i32
        %mul3A_352 = arith.muli %scan3A_116, %mul3A_351 : i32
        %add3A_353 = arith.constant 336 : i32
        %add3A_354 = arith.addi %mul3A_352, %add3A_353 : i32
        %get3A_355 = arith.index_cast %add3A_350 : i32 to index
        %get3A_356 = tpu.vector_load %arg6[%get3A_355] {strides = array<i32>} : memref<16384xi32, #tpu.memory_space<vmem>>, vector<16xi32>,
        %gather3A_357 = tpu.vector_load_idx %arg5[%get3A_356] : memref<100000xf32, #tpu.memory_space<vmem>>[vector<16xi32>], vector<16xf32>,
        %swap3A_358 = arith.index_cast %add3A_354 : i32 to index
        %swap3A_359 = tpu.vector_load %arg8[%swap3A_358] {strides = array<i32>} : memref<4096xf32, #tpu.memory_space<vmem>>, vector<16xf32>,
        tpu.vector_store %arg8[%swap3A_358], %gather3A_357 {strides = array<i32>} : memref<4096xf32, #tpu.memory_space<vmem>>, vector<16xf32>,
        %add3A_360 = arith.constant 352 : i32
        %add3A_361 = arith.addi %add3A_120, %add3A_360 : i32
        %mul3A_362 = arith.constant 512 : i32
        %mul3A_363 = arith.muli %scan3A_116, %mul3A_362 : i32
        %add3A_364 = arith.constant 352 : i32
        %add3A_365 = arith.addi %mul3A_363, %add3A_364 : i32
        %get3A_366 = arith.index_cast %add3A_361 : i32 to index
        %get3A_367 = tpu.vector_load %arg6[%get3A_366] {strides = array<i32>} : memref<16384xi32, #tpu.memory_space<vmem>>, vector<16xi32>,
        %gather3A_368 = tpu.vector_load_idx %arg5[%get3A_367] : memref<100000xf32, #tpu.memory_space<vmem>>[vector<16xi32>], vector<16xf32>,
        %swap3A_369 = arith.index_cast %add3A_365 : i32 to index
        %swap3A_370 = tpu.vector_load %arg8[%swap3A_369] {strides = array<i32>} : memref<4096xf32, #tpu.memory_space<vmem>>, vector<16xf32>,
        tpu.vector_store %arg8[%swap3A_369], %gather3A_368 {strides = array<i32>} : memref<4096xf32, #tpu.memory_space<vmem>>, vector<16xf32>,
        %add3A_371 = arith.constant 368 : i32
        %add3A_372 = arith.addi %add3A_120, %add3A_371 : i32
        %mul3A_373 = arith.constant 512 : i32
        %mul3A_374 = arith.muli %scan3A_116, %mul3A_373 : i32
        %add3A_375 = arith.constant 368 : i32
        %add3A_376 = arith.addi %mul3A_374, %add3A_375 : i32
        %get3A_377 = arith.index_cast %add3A_372 : i32 to index
        %get3A_378 = tpu.vector_load %arg6[%get3A_377] {strides = array<i32>} : memref<16384xi32, #tpu.memory_space<vmem>>, vector<16xi32>,
        %gather3A_379 = tpu.vector_load_idx %arg5[%get3A_378] : memref<100000xf32, #tpu.memory_space<vmem>>[vector<16xi32>], vector<16xf32>,
        %swap3A_380 = arith.index_cast %add3A_376 : i32 to index
        %swap3A_381 = tpu.vector_load %arg8[%swap3A_380] {strides = array<i32>} : memref<4096xf32, #tpu.memory_space<vmem>>, vector<16xf32>,
        tpu.vector_store %arg8[%swap3A_380], %gather3A_379 {strides = array<i32>} : memref<4096xf32, #tpu.memory_space<vmem>>, vector<16xf32>,
        %add3A_382 = arith.constant 384 : i32
        %add3A_383 = arith.addi %add3A_120, %add3A_382 : i32
        %mul3A_384 = arith.constant 512 : i32
        %mul3A_385 = arith.muli %scan3A_116, %mul3A_384 : i32
        %add3A_386 = arith.constant 384 : i32
        %add3A_387 = arith.addi %mul3A_385, %add3A_386 : i32
        %get3A_388 = arith.index_cast %add3A_383 : i32 to index
        %get3A_389 = tpu.vector_load %arg6[%get3A_388] {strides = array<i32>} : memref<16384xi32, #tpu.memory_space<vmem>>, vector<16xi32>,
        %gather3A_390 = tpu.vector_load_idx %arg5[%get3A_389] : memref<100000xf32, #tpu.memory_space<vmem>>[vector<16xi32>], vector<16xf32>,
        %swap3A_391 = arith.index_cast %add3A_387 : i32 to index
        %swap3A_392 = tpu.vector_load %arg8[%swap3A_391] {strides = array<i32>} : memref<4096xf32, #tpu.memory_space<vmem>>, vector<16xf32>,
        tpu.vector_store %arg8[%swap3A_391], %gather3A_390 {strides = array<i32>} : memref<4096xf32, #tpu.memory_space<vmem>>, vector<16xf32>,
        %add3A_393 = arith.constant 400 : i32
        %add3A_394 = arith.addi %add3A_120, %add3A_393 : i32
        %mul3A_395 = arith.constant 512 : i32
        %mul3A_396 = arith.muli %scan3A_116, %mul3A_395 : i32
        %add3A_397 = arith.constant 400 : i32
        %add3A_398 = arith.addi %mul3A_396, %add3A_397 : i32
        %get3A_399 = arith.index_cast %add3A_394 : i32 to index
        %get3A_400 = tpu.vector_load %arg6[%get3A_399] {strides = array<i32>} : memref<16384xi32, #tpu.memory_space<vmem>>, vector<16xi32>,
        %gather3A_401 = tpu.vector_load_idx %arg5[%get3A_400] : memref<100000xf32, #tpu.memory_space<vmem>>[vector<16xi32>], vector<16xf32>,
        %swap3A_402 = arith.index_cast %add3A_398 : i32 to index
        %swap3A_403 = tpu.vector_load %arg8[%swap3A_402] {strides = array<i32>} : memref<4096xf32, #tpu.memory_space<vmem>>, vector<16xf32>,
        tpu.vector_store %arg8[%swap3A_402], %gather3A_401 {strides = array<i32>} : memref<4096xf32, #tpu.memory_space<vmem>>, vector<16xf32>,
        %add3A_404 = arith.constant 416 : i32
        %add3A_405 = arith.addi %add3A_120, %add3A_404 : i32
        %mul3A_406 = arith.constant 512 : i32
        %mul3A_407 = arith.muli %scan3A_116, %mul3A_406 : i32
        %add3A_408 = arith.constant 416 : i32
        %add3A_409 = arith.addi %mul3A_407, %add3A_408 : i32
        %get3A_410 = arith.index_cast %add3A_405 : i32 to index
        %get3A_411 = tpu.vector_load %arg6[%get3A_410] {strides = array<i32>} : memref<16384xi32, #tpu.memory_space<vmem>>, vector<16xi32>,
        %gather3A_412 = tpu.vector_load_idx %arg5[%get3A_411] : memref<100000xf32, #tpu.memory_space<vmem>>[vector<16xi32>], vector<16xf32>,
        %swap3A_413 = arith.index_cast %add3A_409 : i32 to index
        %swap3A_414 = tpu.vector_load %arg8[%swap3A_413] {strides = array<i32>} : memref<4096xf32, #tpu.memory_space<vmem>>, vector<16xf32>,
        tpu.vector_store %arg8[%swap3A_413], %gather3A_412 {strides = array<i32>} : memref<4096xf32, #tpu.memory_space<vmem>>, vector<16xf32>,
        %add3A_415 = arith.constant 432 : i32
        %add3A_416 = arith.addi %add3A_120, %add3A_415 : i32
        %mul3A_417 = arith.constant 512 : i32
        %mul3A_418 = arith.muli %scan3A_116, %mul3A_417 : i32
        %add3A_419 = arith.constant 432 : i32
        %add3A_420 = arith.addi %mul3A_418, %add3A_419 : i32
        %get3A_421 = arith.index_cast %add3A_416 : i32 to index
        %get3A_422 = tpu.vector_load %arg6[%get3A_421] {strides = array<i32>} : memref<16384xi32, #tpu.memory_space<vmem>>, vector<16xi32>,
        %gather3A_423 = tpu.vector_load_idx %arg5[%get3A_422] : memref<100000xf32, #tpu.memory_space<vmem>>[vector<16xi32>], vector<16xf32>,
        %swap3A_424 = arith.index_cast %add3A_420 : i32 to index
        %swap3A_425 = tpu.vector_load %arg8[%swap3A_424] {strides = array<i32>} : memref<4096xf32, #tpu.memory_space<vmem>>, vector<16xf32>,
        tpu.vector_store %arg8[%swap3A_424], %gather3A_423 {strides = array<i32>} : memref<4096xf32, #tpu.memory_space<vmem>>, vector<16xf32>,
        %add3A_426 = arith.constant 448 : i32
        %add3A_427 = arith.addi %add3A_120, %add3A_426 : i32
        %mul3A_428 = arith.constant 512 : i32
        %mul3A_429 = arith.muli %scan3A_116, %mul3A_428 : i32
        %add3A_430 = arith.constant 448 : i32
        %add3A_431 = arith.addi %mul3A_429, %add3A_430 : i32
        %get3A_432 = arith.index_cast %add3A_427 : i32 to index
        %get3A_433 = tpu.vector_load %arg6[%get3A_432] {strides = array<i32>} : memref<16384xi32, #tpu.memory_space<vmem>>, vector<16xi32>,
        %gather3A_434 = tpu.vector_load_idx %arg5[%get3A_433] : memref<100000xf32, #tpu.memory_space<vmem>>[vector<16xi32>], vector<16xf32>,
        %swap3A_435 = arith.index_cast %add3A_431 : i32 to index
        %swap3A_436 = tpu.vector_load %arg8[%swap3A_435] {strides = array<i32>} : memref<4096xf32, #tpu.memory_space<vmem>>, vector<16xf32>,
        tpu.vector_store %arg8[%swap3A_435], %gather3A_434 {strides = array<i32>} : memref<4096xf32, #tpu.memory_space<vmem>>, vector<16xf32>,
        %add3A_437 = arith.constant 464 : i32
        %add3A_438 = arith.addi %add3A_120, %add3A_437 : i32
        %mul3A_439 = arith.constant 512 : i32
        %mul3A_440 = arith.muli %scan3A_116, %mul3A_439 : i32
        %add3A_441 = arith.constant 464 : i32
        %add3A_442 = arith.addi %mul3A_440, %add3A_441 : i32
        %get3A_443 = arith.index_cast %add3A_438 : i32 to index
        %get3A_444 = tpu.vector_load %arg6[%get3A_443] {strides = array<i32>} : memref<16384xi32, #tpu.memory_space<vmem>>, vector<16xi32>,
        %gather3A_445 = tpu.vector_load_idx %arg5[%get3A_444] : memref<100000xf32, #tpu.memory_space<vmem>>[vector<16xi32>], vector<16xf32>,
        %swap3A_446 = arith.index_cast %add3A_442 : i32 to index
        %swap3A_447 = tpu.vector_load %arg8[%swap3A_446] {strides = array<i32>} : memref<4096xf32, #tpu.memory_space<vmem>>, vector<16xf32>,
        tpu.vector_store %arg8[%swap3A_446], %gather3A_445 {strides = array<i32>} : memref<4096xf32, #tpu.memory_space<vmem>>, vector<16xf32>,
        %add3A_448 = arith.constant 480 : i32
        %add3A_449 = arith.addi %add3A_120, %add3A_448 : i32
        %mul3A_450 = arith.constant 512 : i32
        %mul3A_451 = arith.muli %scan3A_116, %mul3A_450 : i32
        %add3A_452 = arith.constant 480 : i32
        %add3A_453 = arith.addi %mul3A_451, %add3A_452 : i32
        %get3A_454 = arith.index_cast %add3A_449 : i32 to index
        %get3A_455 = tpu.vector_load %arg6[%get3A_454] {strides = array<i32>} : memref<16384xi32, #tpu.memory_space<vmem>>, vector<16xi32>,
        %gather3A_456 = tpu.vector_load_idx %arg5[%get3A_455] : memref<100000xf32, #tpu.memory_space<vmem>>[vector<16xi32>], vector<16xf32>,
        %swap3A_457 = arith.index_cast %add3A_453 : i32 to index
        %swap3A_458 = tpu.vector_load %arg8[%swap3A_457] {strides = array<i32>} : memref<4096xf32, #tpu.memory_space<vmem>>, vector<16xf32>,
        tpu.vector_store %arg8[%swap3A_457], %gather3A_456 {strides = array<i32>} : memref<4096xf32, #tpu.memory_space<vmem>>, vector<16xf32>,
        %add3A_459 = arith.constant 496 : i32
        %add3A_460 = arith.addi %add3A_120, %add3A_459 : i32
        %mul3A_461 = arith.constant 512 : i32
        %mul3A_462 = arith.muli %scan3A_116, %mul3A_461 : i32
        %add3A_463 = arith.constant 496 : i32
        %add3A_464 = arith.addi %mul3A_462, %add3A_463 : i32
        %get3A_465 = arith.index_cast %add3A_460 : i32 to index
        %get3A_466 = tpu.vector_load %arg6[%get3A_465] {strides = array<i32>} : memref<16384xi32, #tpu.memory_space<vmem>>, vector<16xi32>,
        %gather3A_467 = tpu.vector_load_idx %arg5[%get3A_466] : memref<100000xf32, #tpu.memory_space<vmem>>[vector<16xi32>], vector<16xf32>,
        %swap3A_468 = arith.index_cast %add3A_464 : i32 to index
        %swap3A_469 = tpu.vector_load %arg8[%swap3A_468] {strides = array<i32>} : memref<4096xf32, #tpu.memory_space<vmem>>, vector<16xf32>,
        tpu.vector_store %arg8[%swap3A_468], %gather3A_467 {strides = array<i32>} : memref<4096xf32, #tpu.memory_space<vmem>>, vector<16xf32>,
      }
      %scan3A_109 = arith.constant 8 : i32
      %dma_start3A_110 = arith.constant 12288 : i32
      %dma_start3A_111 = tpu.memref_slice %arg4[%add3A_37, %dma_start3A_110] : memref<832x16384xf32, #tpu.memory_space<hbm>> -> memref<1x4096xf32, #tpu.memory_space<hbm>>
      %dma_start3A_112 = tpu.memref_squeeze %dma_start3A_111 : memref<1x4096xf32, #tpu.memory_space<hbm>> -> memref<4096xf32, #tpu.memory_space<hbm>>
      %dma_start3A_113 = arith.constant 12288 : i32
      %dma_start3A_114 = tpu.memref_slice %arg4[%add3A_37, %dma_start3A_113] : memref<832x16384xf32, #tpu.memory_space<hbm>> -> memref<1x4096xf32, #tpu.memory_space<hbm>>
      %dma_start3A_115 = tpu.memref_squeeze %dma_start3A_114 : memref<1x4096xf32, #tpu.memory_space<hbm>> -> memref<4096xf32, #tpu.memory_space<hbm>>
      tpu.enqueue_dma source(%arg8 : memref<4096xf32, #tpu.memory_space<vmem>>) target(%dma_start3A_115 : memref<4096xf32, #tpu.memory_space<hbm>>) target_semaphore(%arg12 : memref<!tpu.dma_semaphore, #tpu.memory_space<semaphore_mem>>)
    }
    %scan3A_5 = arith.constant 26 : i32
    %dma_wait3A = arith.constant 0 : i32
    %dma_wait3A_6 = arith.constant 0 : i32
    %dma_wait3A_7 = arith.constant 0 : i32
    %dma_wait3A_8 = tpu.memref_slice %arg2[%dma_wait3A, %dma_wait3A_6, %dma_wait3A_7] : memref<26x32x100000xf32, #tpu.memory_space<hbm>> -> memref<1x1x4096xf32, #tpu.memory_space<hbm>>
    %dma_wait3A_9 = tpu.memref_squeeze %dma_wait3A_8 : memref<1x1x4096xf32, #tpu.memory_space<hbm>> -> memref<4096xf32, #tpu.memory_space<hbm>>
    %dma_wait3A_10 = arith.constant 0 : i32
    %dma_wait3A_11 = tpu.memref_slice %arg2[%dma_wait3A, %dma_wait3A_6, %dma_wait3A_10] : memref<26x32x100000xf32, #tpu.memory_space<hbm>> -> memref<1x1x4096xf32, #tpu.memory_space<hbm>>
    %dma_wait3A_12 = tpu.memref_squeeze %dma_wait3A_11 : memref<1x1x4096xf32, #tpu.memory_space<hbm>> -> memref<4096xf32, #tpu.memory_space<hbm>>
    tpu.wait_dma2 semaphore(%arg11 : memref<!tpu.dma_semaphore, #tpu.memory_space<semaphore_mem>>) src(%dma_wait3A_12 : memref<4096xf32, #tpu.memory_space<hbm>>) dst(%arg7 : memref<4096xf32, #tpu.memory_space<vmem>>)
    %dma_wait3A_13 = arith.constant 0 : i32
    %dma_wait3A_14 = arith.constant 0 : i32
    %dma_wait3A_15 = arith.constant 0 : i32
    %dma_wait3A_16 = tpu.memref_slice %arg2[%dma_wait3A_13, %dma_wait3A_14, %dma_wait3A_15] : memref<26x32x100000xf32, #tpu.memory_space<hbm>> -> memref<1x1x4096xf32, #tpu.memory_space<hbm>>
    %dma_wait3A_17 = tpu.memref_squeeze %dma_wait3A_16 : memref<1x1x4096xf32, #tpu.memory_space<hbm>> -> memref<4096xf32, #tpu.memory_space<hbm>>
    %dma_wait3A_18 = arith.constant 0 : i32
    %dma_wait3A_19 = tpu.memref_slice %arg2[%dma_wait3A_13, %dma_wait3A_14, %dma_wait3A_18] : memref<26x32x100000xf32, #tpu.memory_space<hbm>> -> memref<1x1x4096xf32, #tpu.memory_space<hbm>>
    %dma_wait3A_20 = tpu.memref_squeeze %dma_wait3A_19 : memref<1x1x4096xf32, #tpu.memory_space<hbm>> -> memref<4096xf32, #tpu.memory_space<hbm>>
    tpu.wait_dma2 semaphore(%arg12 : memref<!tpu.dma_semaphore, #tpu.memory_space<semaphore_mem>>) src(%dma_wait3A_20 : memref<4096xf32, #tpu.memory_space<hbm>>) dst(%arg8 : memref<4096xf32, #tpu.memory_space<vmem>>)
    return
  }
}

</mosaic_0001>

<sc_bundles>
// kernel: kernel.3.cloned.1.call-start
scs
__scs_entry_jumppad:
0x0: {  	(pc) =	sbr.rel $0x88, $3  }
0x1: {  	(tag) =	ssettag $0x0;
	lr =	simm.s32 $0x1  }
0x2: {  	[smem:$0x3F9E] =	sst lr;
	_ =	strace $0xD0000000  }
0x3: {  	_ = 	snop  }
0x4: {  	_ = 	snop  }
0x5: {  	_ = 	snop  }
0x6: {  	_ = 	snop  }
0x7: {  	_ = 	snop  }
__scs_overlays_trampoline_lowered:
0x8: {  	[smem:$0x3FAD] =	sst s0  }
0x9: {  	[smem:$0x3FAE] =	sst s1  }
0xa: {  	[smem:$0x3FAF] =	sst s2  }
0xb: {  	[smem:$0x3FB0] =	sst s3  }
0xc: {  	[smem:$0x3FB1] =	sst s4  }
0xd: {  	[smem:$0x3FB2] =	sst s5  }
0xe: {  	[smem:$0x3FB3] =	sst s6  }
0xf: {  	[smem:$0x3FB4] =	sst s7  }
0x10: {  	[smem:$0x3FB5] =	sst s8  }
0x11: {  	[smem:$0x3FB6] =	sst s9;
	s0 =	simm.s32 @!p0 $0x0  }
0x12: {  	s1 =	sld [smem:$0x3F9C];
	s0 =	simm.s32 @p0 $0x1  }
0x13: {  	[smem:$0x3FB7] =	sst s0;
	s0 =	simm.s32 @!p1 $0x0  }
0x14: {  	s2 =	sld [smem:$0x3F9B];
	s0 =	simm.s32 @p1 $0x1  }
0x15: {  	[smem:$0x3FB8] =	sst s0;
	s0 =	simm.s32 @!p2 $0x0  }
0x16: {  	s3 =	sld [smem:$0x3FDB];
	s0 =	simm.s32 @p2 $0x1  }
0x17: {  	s4 =	simm.s32 $0x1BF5;
	[smem:$0x3FBA] =	sst s0  }
0x18: {  	s0 =	sld [smem:$0x3F9D];
	_ =	swait.ge [sflag:s4], $0x0  }
0x19: {  	s7 =	sld [smem:$0x3F9E]  }
0x1a: {  	s8 =	sadd.s32 $0xFFFFE003, lr  }
0x1b: {  	s9 =	sadd.s32 $0xFFFFFEF7, lr;
	s5 =	simm.s32 $0xFFFFFFFF;
	p2 =	slt.u32 s8, $0xFFFFF086  }
0x1c: {  	p1 =	slt.u32 s9, $0xF7A;
	s5 =	simm.s32 @!p2 $0x0  }
0x1d: {  	s5 =	simm.s32 @p1 $0x1;
	p0 =	seq.s32 s7, s2  }
0x1e: {  	s7 =	smul.u32 @!p0 $0xF7A, s2;
	p2 =	seq.s32 @!p0 s5, $0x0  }
0x1f: {  	s9 =	smul.u32 $0xF7A, s1;
	s8 =	simm.s32 @!p0 $0x1BF5;
	p2 =	por !p2, p0  }
0x20: {  	[sflag:s8] =	ssyncset.s32 @!p0 $0xFFFFF086;
	s6 =	sadd.s32 @!p0 s3, s7;
	s7 =	simm.s32 @!p0 $0x108  }
0x21: {  	s3 =	sadd.s32 s3, s9;
	s6 =	sadd.s32 @!p0 $0x88, s6;
	s7 =	simm.s32 @p2 $0x1082  }
0x22: {  	[simem:s7], [sflag:s8] =	dma.local @!p0 [hbm:s6], $0xF7A  }
0x23: {  	s9 =	sor.u32 $0xD0000000, s2;
	s6 =	simm.s32 $0x108;
	_ =	swait.ge @!p0 [sflag:s8], $0x0  }
0x24: {  	s3 =	sadd.s32 $0x88, s3;
	s6 =	simm.s32 @!p1 $0x1082;
	[sflag:s4] =	ssyncset.s32 $0xFFFFF086  }
0x25: {  	[simem:s6], [sflag:s4] =	dma.local [hbm:s3], $0xF7A  }
0x26: {  	[smem:$0x3F9E] =	sst s1;
	(tag) =	ssettag s2;
	_ =	strace s9  }
0x27: {  	s1 =	sld [smem:$0x3FAE]  }
0x28: {  	s2 =	sld [smem:$0x3FAF]  }
0x29: {  	s4 =	sld [smem:$0x3FB1]  }
0x2a: {  	p0 =	seq.s32 s5, $0x0;
	s5 =	sld [smem:$0x3FB2]  }
0x2b: {  	s6 =	sld [smem:$0x3FB3]  }
0x2c: {  	s7 =	sld [smem:$0x3FB4]  }
0x2d: {  	s3 =	simm.s32 $0x108;
	s8 =	sld [smem:$0x3FB5]  }
0x2e: {  	s3 =	simm.s32 @!p0 $0x1082;
	s9 =	sld [smem:$0x3FB6]  }
0x2f: {  	lr =	sadd.s32 s0, s3;
	s0 =	sld [smem:$0x3FAD]  }
0x30: {  	s3 =	sld [smem:$0x3FB0]  }
0x31: {  	[smem:$0x3FB9] =	sst s10  }
0x32: {  	s10 =	sld [smem:$0x3FB7];
	_ =	sdelay $0x3  }
0x33: {  	p0 =	seq.s32 s10, $0x1;
	s10 =	sld [smem:$0x3FB9];
	_ =	sdelay $0x3  }
0x34: {  	[smem:$0x3FB9] =	sst s10  }
0x35: {  	s10 =	sld [smem:$0x3FB8];
	_ =	sdelay $0x3  }
0x36: {  	p1 =	seq.s32 s10, $0x1;
	s10 =	sld [smem:$0x3FB9];
	_ =	sdelay $0x3  }
0x37: {  	[smem:$0x3FB9] =	sst s10  }
0x38: {  	s10 =	sld [smem:$0x3FBA]  }
0x39: {  	_ = 	snop;
	(pc) =	sbr.ind lr, $3  }
0x3a: {  	_ = 	snop  }
0x3b: {  	_ = 	snop  }
0x3c: {  	p2 =	seq.s32 s10, $0x1;
	s10 =	sld [smem:$0x3FB9]  }
0x3d: {  	_ =	shalt  }
0x3e: {  	_ =	shalt  }
0x3f: {  	_ =	shalt  }
0x40: {  	_ =	shalt  }
0x41: {  	_ =	shalt  }
0x42: {  	_ =	shalt  }
0x43: {  	_ =	shalt  }
0x44: {  	_ =	shalt  }
0x45: {  	_ =	shalt  }
0x46: {  	_ =	shalt  }
0x47: {  	_ =	shalt  }
0x48: {  	_ =	shalt  }
0x49: {  	_ =	shalt  }
0x4a: {  	_ =	shalt  }
0x4b: {  	_ =	shalt  }
0x4c: {  	_ =	shalt  }
0x4d: {  	_ =	shalt  }
0x4e: {  	_ =	shalt  }
0x4f: {  	_ =	shalt  }
0x50: {  	_ =	shalt  }
0x51: {  	_ =	shalt  }
0x52: {  	_ =	shalt  }
0x53: {  	_ =	shalt  }
0x54: {  	_ =	shalt  }
0x55: {  	_ =	shalt  }
0x56: {  	_ =	shalt  }
0x57: {  	_ =	shalt  }
0x58: {  	_ =	shalt  }
0x59: {  	_ =	shalt  }
0x5a: {  	_ =	shalt  }
0x5b: {  	_ =	shalt  }
0x5c: {  	_ =	shalt  }
0x5d: {  	_ =	shalt  }
0x5e: {  	_ =	shalt  }
0x5f: {  	_ =	shalt  }
0x60: {  	_ =	shalt  }
0x61: {  	_ =	shalt  }
0x62: {  	_ =	shalt  }
0x63: {  	_ =	shalt  }
0x64: {  	_ =	shalt  }
0x65: {  	_ =	shalt  }
0x66: {  	_ =	shalt  }
0x67: {  	_ =	shalt  }
0x68: {  	_ =	shalt  }
0x69: {  	_ =	shalt  }
0x6a: {  	_ =	shalt  }
0x6b: {  	_ =	shalt  }
0x6c: {  	_ =	shalt  }
0x6d: {  	_ =	shalt  }
0x6e: {  	_ =	shalt  }
0x6f: {  	_ =	shalt  }
0x70: {  	_ =	shalt  }
0x71: {  	_ =	shalt  }
0x72: {  	_ =	shalt  }
0x73: {  	_ =	shalt  }
0x74: {  	_ =	shalt  }
0x75: {  	_ =	shalt  }
0x76: {  	_ =	shalt  }
0x77: {  	_ =	shalt  }
0x78: {  	_ =	shalt  }
0x79: {  	_ =	shalt  }
0x7a: {  	_ =	shalt  }
0x7b: {  	_ =	shalt  }
0x7c: {  	_ =	shalt  }
0x7d: {  	_ =	shalt  }
0x7e: {  	_ =	shalt  }
0x7f: {  	_ =	shalt  }
0x80: {  	_ =	shalt  }
0x81: {  	_ =	shalt  }
0x82: {  	_ =	shalt  }
0x83: {  	_ =	shalt  }
0x84: {  	_ =	shalt  }
0x85: {  	_ =	shalt  }
0x86: {  	_ =	shalt  }
0x87: {  	_ =	shalt  }
.Lfunc_end0:
.L_simem_size_0:
called_computation_lowered:
.L_overlay_start_0:
0x88: {  	s2 =	sld [smem:$0x3FD9]  }
0x89: {  	s3 =	sld [smem:$0x3FFE];
	_ =	sdelay $0x1  }
0x8a: {  	s1 =	srdreg.scid  }
0x8b: {  	s0 =	sand.u32 $0x1, s1  }
0x8c: {  	s15 =	sshll.u32 s0, $0xA;
	s2 =	sadd.s32 s3, s2  }
0x8d: {  	s2 =	sadd.s32 s2, s15  }
0x8e: {  	[smem:$0x3FC5] =	sst s2  }
0x8f: {  	_ = 	snop  }
0x90: {  	s2 =	sld [smem:$0x3FD0];
	_ =	sdelay $0x1  }
0x91: {  	s16 =	sld [smem:$0x3FC8]  }
0x92: {  	s5 =	simm.s32 $0xA;
	s6 =	simm.s32 $0x10;
	s4 =	sld [smem:$0x3FC7]  }
0x93: {  	[smem:s6], [sflag:s5] =	dma.local [hbm:s2], $0x1  }
0x94: {  	_ =	swait.eq [sflag:s5], $0x1  }
0x95: {  	[sflag:s5] =	ssyncset.done $0x0  }
0x96: {  	[sflag:s5] =	ssyncadd.s32 $0xFFFFFFFF  }
0x97: {  	s17 =	sld [smem:$0x11];
	(tm) =	ssettm $0x1  }
0x98: {  	s18 =	sld [smem:$0x3FFB];
	_ =	sdelay $0x3  }
0x99: {  	_ =	strace s18  }
0x9a: {  	s5 =	sld [smem:$0x3FFC];
	_ =	sdelay $0x3  }
0x9b: {  	_ =	strace s5  }
0x9c: {  	s5 =	sld [smem:$0x3FFD];
	_ =	sdelay $0x3  }
0x9d: {  	_ =	strace s5  }
0x9e: {  	_ =	strace $0x8FFFFFFF  }
0x9f: {  	s19 =	sld [smem:$0x3FDB];
	_ =	sdelay $0x1  }
0xa0: {  	s20 =	simm.s32 $_scs_section_size  }
0xa1: {  	s7 =	simm.s32 $_size__tile_overlayer_lowered;
	s8 =	simm.s32 $_tile_overlayer_lowered  }
0xa2: {  	s23 =	simm.s32 $0x1BFF;
	s22 =	sshll.u32 s8, $0x1;
	s5 =	sadd.s32 s20, s19  }
0xa3: {  	s9 =	simm.s32 $0x0;
	s21 =	sshll.u32 s7, $0x1;
	s7 =	sadd.s32 s22, s5  }
0xa4: {  	[timem:s9], [sflag:s23] =	dma.local [hbm:s7], s21  }
0xa5: {  	_ =	swait.ge [sflag:s23], s21  }
0xa6: {  	s6 =	ssub.s32 $0x0, s21;
	[sflag:s23] =	ssyncset.done $0x0  }
0xa7: {  	[sflag:s23] =	ssyncadd.s32 s6;
	_ =	sdelay $0x1  }
0xa8: {  	s24 =	simm.s32 $0x1B8B  }
0xa9: {  	_ =	swait.ge [sflag:s24], $0x1  }
0xaa: {  	[sflag:s24] =	ssyncset.done $0x0  }
0xab: {  	s25 =	simm.s32 $0x1B8E;
	[sflag:s24] =	ssyncadd.s32 $0xFFFFFFFF  }
0xac: {  	s26 =	simm.s32 $execute0_lowered;
	[smem:$0x3FD2] =	sst s25  }
0xad: {  	s6 =	sshll.u32 s26, $0x1;
	_ =	strace $0x80000046;
	[dreg:$0x1] =	wrdreg $0xFFFFFFFF  }
0xae: {  	s28 =	simm.s32 $_size_execute0_lowered;
	s5 =	sadd.s32 s5, s6;
	[dreg:$0x0] =	wrdreg $0x0  }
0xaf: {  	s6 =	sshll.u32 s28, $0x1;
	[dreg:$0x2] =	wrdreg s5  }
0xb0: {  	[dreg:$0x3] =	wrdreg s6  }
0xb1: {  	[dreg:$0x4] =	wrdreg $0xC0  }
0xb2: {  	_ =	task [dreg:s9], $0x5FFFF  }
0xb3: {  	[dreg:$0x1] =	wrdreg $0xFFFFFFFF  }
0xb4: {  	[dreg:$0x0] =	wrdreg $0x60  }
0xb5: {  	[dreg:$0x2] =	wrdreg s4  }
0xb6: {  	[dreg:$0x3] =	wrdreg s16  }
0xb7: {  	[dreg:$0x4] =	wrdreg s17  }
0xb8: {  	[dreg:$0x5] =	wrdreg $0x9  }
0xb9: {  	_ =	task.clear_ibuf [dreg:s9], $0x6FFFF;
	_ =	strace $0x90000046  }
0xba: {  	s29 =	simm.s32 $0x9;
	_ =	strace $0x80000048  }
0xbb: {  	_ =	swait.ge [sflag:s29], $0x1  }
0xbc: {  	[sflag:s29] =	ssyncadd.s32 $0xFFFFFFFF  }
0xbd: {  	_ =	strace $0x90000048  }
0xbe: {  	_ =	sfence  }
0xbf: {  	s30 =	sld [smem:$0x0];
	_ =	sdelay $0x2  }
0xc0: {  	s31 =	sshll.u32 s1, $0xD;
	s1 =	sshrl.u32 s1, $0x2  }
0xc1: {  	s3 =	sand.u32 $0x4000, s31;
	s1 =	sadd.s32 s1, s30  }
0xc2: {  	s0 =	sor.u32 s3, s0;
	s1 =	sshll.u32 s1, $0x11  }
0xc3: {  	s0 =	sor.u32 s1, s0  }
0xc4: {  	s0 =	sadd.s32 $0x8F2B, s0  }
0xc5: {  	[sflag:s0] =	ssyncadd.remote.s32 $0x1  }
0xc6: {  	_ =	sfence.sel $0xFFFF  }
0xc7: {  	[dreg:$0x0] =	wrdreg $0xFFFFFFFF;
	(pc) =	sbr.abs _section_cstart, $3  }
0xc8: {  	[dreg:$0x1] =	wrdreg $0xFFFFFFFF  }
0xc9: {  	_ =	task.clear_ibuf [dreg:s9], $0x2FFFF;
	_ =	strace $0x9FFFFFFF  }
0xca: {  	(tm) =	ssettm $0x7FFFFFFF  }
0xcb: {  	_ =	shalt  }
tec
execute0_lowered:
.L_overlay_start_1:
0x0: {  	(tag) =	ssettag $0x1  }
0x1: {  	s1 =	rddreg [dreg:$0x0]  }
0x2: {  	s3 =	rddreg [dreg:$0x1]  }
0x3: {  	s4 =	rddreg [dreg:$0x2]  }
0x4: {  	s0 =	rddreg [dreg:$0x3]  }
0x5: {  	s6 =	srdreg.scid;
	s2 =	stileid.u32  }
0x6: {  	s5 =	simm.s32 $0x0;
	s14 =	simm.s32 $0x80;
	s15 =	simm.s32 $0x400  }
0x7: {  	s16 =	simm.s32 $0x18700;
	s17 =	simm.s32 $0x2;
	s18 =	simm.s32 $0x1  }
0x8: {  	s19 =	simm.s32 $0x1C700;
	s20 =	simm.s32 $0x1D700;
	s21 =	simm.s32 $0x3  }
0x9: {  	s22 =	simm.s32 $0x4;
	s23 =	simm.s32 $0x0;
	s7 =	sand.u32 $0x1, s6  }
0xa: {  	s29 =	sshll.u32 s2, $0x1;
	[smem:$0x7FF] =	sst s5;
	s8 =	sshrl.u32 s2, $0x2  }
0xb: {  	s31 =	sshll.u32 s2, $0xF;
	s11 =	sadd.s32 $0x2000, s4;
	s12 =	sadd.s32 $0x3000, s4  }
0xc: {  	s6 =	sor.u32 s7, s29;
	s9 =	ssub.s32 $0x2, s7;
	s8 =	smul.u32 $0xC3800, s8  }
0xd: {  	_ =	strace $0x80000047;
	s30 =	sshll.u32 s6, $0x7;
	s10 =	sshrl.u32 s9, $0x1  }
0xe: {  	s7 =	sand.u32 $0x380, s30;
	s13 =	ssub.s32 s9, s10;
	s9 =	sand.u32 $0x60000, s31  }
0xf: {  	s10 =	sadd.s32 $0x1000, s4;
	s8 =	sor.u32 s7, s8;
	s13 =	smax.u32 s13, $0x1  }
.LBB2_1:
0x10: {  	s24 =	simm.s32 $0x0  }
.LBB2_2:
0x11: {  	s25 =	sadd.s32 s6, s24  }
0x12: {  	s26 =	smulhi.u32 $0x4EC4EC4F, s25;
	_ =	sdelay $0x1  }
0x13: {  	s26 =	sshrl.u32 s26, $0x3  }
0x14: {  	s26 =	smul.u32 $0x1A, s26;
	_ =	sdelay $0x1  }
0x15: {  	s25 =	ssub.s32 s25, s26  }
0x16: {  	s26 =	smul.u32 $0x30E000, s25;
	_ =	sdelay $0x1  }
0x17: {  	s26 =	sadd.s32 s8, s26  }
0x18: {  	s26 =	sshrl.u32 s26, $0x3  }
0x19: {  	s31 =	sshll.u32 s25, $0x4;
	s26 =	sadd.s32 s1, s26  }
0x1a: {  	[tilespmem:s5], [sflag:$0x1] =	stream.strided.gather [hbm4b:s26+s14], $0x18700, s15, s14, $0x38;
	[tilespmem:$0x1E700] =	vst v63  }
0x1b: {  	s28 =	sshll.u32 s25, $0xB;
	s26 =	sand.u32 $0x70, s31  }
0x1c: {  	s28 =	sand.u32 $0xC000, s28;
	s26 =	sadd.s32 s3, s26  }
0x1d: {  	s26 =	sadd.s32 s28, s26  }
0x1e: {  	[tilespmem:s16], [sflag:$0x2] =	stream.strided.gather [hbm4b:s26+s14], $0x4000, s15, s14, $0x38;
	[tilespmem:$0x1E700] =	vst v63  }
0x1f: {  	_ =	swait.ge [sflag:s17], $0x4000  }
0x20: {  	[sflag:s17] =	ssyncset.done $0x0  }
0x21: {  	[sflag:s17] =	ssyncadd.s32 $0xFFFFC000  }
0x22: {  	_ =	swait.ge [sflag:s18], $0x18700  }
0x23: {  	p0 =	seq.s32 s24, $0x0;
	[sflag:s18] =	ssyncset.done $0x0  }
0x24: {  	s26 =	simm.s32 @!p0 $0x3;
	[sflag:s18] =	ssyncadd.s32 $0xFFFE7900  }
0x25: {  	_ =	swait.ge @!p0 [sflag:s26], $0x1000  }
0x26: {  	[sflag:s26] =	ssyncset.done @!p0 $0x0  }
0x27: {  	[sflag:s26] =	ssyncadd.s32 @!p0 $0xFFFFF000;
	s26 =	simm.s32 @!p0 $0x4  }
0x28: {  	_ =	swait.ge @!p0 [sflag:s26], $0x1000  }
0x29: {  	[sflag:s26] =	ssyncset.done @!p0 $0x0  }
0x2a: {  	[sflag:s26] =	ssyncadd.s32 @!p0 $0xFFFFF000;
	s26 =	simm.s32 $0x0  }
0x2b: {  	v0 =	vld [tilespmem:s26+$0x18700];
	_ =	sdelay $0x5  }
0x2c: {  	v1 =	vld [tilespmem:s26+$0x18710];
	_ =	sdelay $0x1  }
0x2d: {  	v0 =	vld.idx.msk [tilespmem:v0+s5+$0x0], $0xffff;
	_ =	sdelay $0x4  }
0x2e: {  	[tilespmem:s26+$0x1C700] =	vst v0;
	v0 =	vld [tilespmem:s26+$0x18720]  }
0x2f: {  	v1 =	vld.idx.msk [tilespmem:v1+s5+$0x0], $0xffff;
	_ =	sdelay $0x4  }
0x30: {  	[tilespmem:s26+$0x1C710] =	vst v1;
	v1 =	vld [tilespmem:s26+$0x18730];
	_ =	sdelay $0x1  }
0x31: {  	v0 =	vld.idx.msk [tilespmem:v0+s5+$0x0], $0xffff;
	_ =	sdelay $0x4  }
0x32: {  	[tilespmem:s26+$0x1C720] =	vst v0;
	v0 =	vld [tilespmem:s26+$0x18740]  }
0x33: {  	v1 =	vld.idx.msk [tilespmem:v1+s5+$0x0], $0xffff;
	_ =	sdelay $0x4  }
0x34: {  	[tilespmem:s26+$0x1C730] =	vst v1;
	v1 =	vld [tilespmem:s26+$0x18750];
	_ =	sdelay $0x1  }
0x35: {  	v0 =	vld.idx.msk [tilespmem:v0+s5+$0x0], $0xffff;
	_ =	sdelay $0x4  }
0x36: {  	[tilespmem:s26+$0x1C740] =	vst v0;
	v0 =	vld [tilespmem:s26+$0x18760]  }
0x37: {  	v1 =	vld.idx.msk [tilespmem:v1+s5+$0x0], $0xffff;
	_ =	sdelay $0x4  }
0x38: {  	[tilespmem:s26+$0x1C750] =	vst v1;
	v1 =	vld [tilespmem:s26+$0x18770];
	_ =	sdelay $0x1  }
0x39: {  	v0 =	vld.idx.msk [tilespmem:v0+s5+$0x0], $0xffff;
	_ =	sdelay $0x4  }
0x3a: {  	[tilespmem:s26+$0x1C760] =	vst v0;
	v0 =	vld [tilespmem:s26+$0x18780]  }
0x3b: {  	v1 =	vld.idx.msk [tilespmem:v1+s5+$0x0], $0xffff;
	_ =	sdelay $0x4  }
0x3c: {  	[tilespmem:s26+$0x1C770] =	vst v1;
	v1 =	vld [tilespmem:s26+$0x18790];
	_ =	sdelay $0x1  }
0x3d: {  	v0 =	vld.idx.msk [tilespmem:v0+s5+$0x0], $0xffff;
	_ =	sdelay $0x4  }
0x3e: {  	[tilespmem:s26+$0x1C780] =	vst v0;
	v0 =	vld [tilespmem:s26+$0x187A0]  }
0x3f: {  	v1 =	vld.idx.msk [tilespmem:v1+s5+$0x0], $0xffff;
	_ =	sdelay $0x4  }
0x40: {  	[tilespmem:s26+$0x1C790] =	vst v1;
	v1 =	vld [tilespmem:s26+$0x187B0];
	_ =	sdelay $0x1  }
0x41: {  	v0 =	vld.idx.msk [tilespmem:v0+s5+$0x0], $0xffff;
	_ =	sdelay $0x4  }
0x42: {  	[tilespmem:s26+$0x1C7A0] =	vst v0;
	v0 =	vld [tilespmem:s26+$0x187C0]  }
0x43: {  	v1 =	vld.idx.msk [tilespmem:v1+s5+$0x0], $0xffff;
	_ =	sdelay $0x4  }
0x44: {  	[tilespmem:s26+$0x1C7B0] =	vst v1;
	v1 =	vld [tilespmem:s26+$0x187D0];
	_ =	sdelay $0x1  }
0x45: {  	v0 =	vld.idx.msk [tilespmem:v0+s5+$0x0], $0xffff;
	_ =	sdelay $0x4  }
0x46: {  	[tilespmem:s26+$0x1C7C0] =	vst v0;
	v0 =	vld [tilespmem:s26+$0x187E0]  }
0x47: {  	v1 =	vld.idx.msk [tilespmem:v1+s5+$0x0], $0xffff;
	_ =	sdelay $0x4  }
0x48: {  	[tilespmem:s26+$0x1C7D0] =	vst v1;
	v1 =	vld [tilespmem:s26+$0x187F0];
	_ =	sdelay $0x1  }
0x49: {  	v0 =	vld.idx.msk [tilespmem:v0+s5+$0x0], $0xffff;
	_ =	sdelay $0x4  }
0x4a: {  	[tilespmem:s26+$0x1C7E0] =	vst v0;
	v0 =	vld [tilespmem:s26+$0x18800]  }
0x4b: {  	v1 =	vld.idx.msk [tilespmem:v1+s5+$0x0], $0xffff;
	_ =	sdelay $0x4  }
0x4c: {  	[tilespmem:s26+$0x1C7F0] =	vst v1;
	v1 =	vld [tilespmem:s26+$0x18810];
	_ =	sdelay $0x1  }
0x4d: {  	v0 =	vld.idx.msk [tilespmem:v0+s5+$0x0], $0xffff;
	_ =	sdelay $0x4  }
0x4e: {  	[tilespmem:s26+$0x1C800] =	vst v0;
	v0 =	vld [tilespmem:s26+$0x18820]  }
0x4f: {  	v1 =	vld.idx.msk [tilespmem:v1+s5+$0x0], $0xffff;
	_ =	sdelay $0x4  }
0x50: {  	[tilespmem:s26+$0x1C810] =	vst v1;
	v1 =	vld [tilespmem:s26+$0x18830];
	_ =	sdelay $0x1  }
0x51: {  	v0 =	vld.idx.msk [tilespmem:v0+s5+$0x0], $0xffff;
	_ =	sdelay $0x4  }
0x52: {  	[tilespmem:s26+$0x1C820] =	vst v0;
	v0 =	vld [tilespmem:s26+$0x18840]  }
0x53: {  	v1 =	vld.idx.msk [tilespmem:v1+s5+$0x0], $0xffff;
	_ =	sdelay $0x4  }
0x54: {  	[tilespmem:s26+$0x1C830] =	vst v1;
	v1 =	vld [tilespmem:s26+$0x18850];
	_ =	sdelay $0x1  }
0x55: {  	v0 =	vld.idx.msk [tilespmem:v0+s5+$0x0], $0xffff;
	_ =	sdelay $0x4  }
0x56: {  	[tilespmem:s26+$0x1C840] =	vst v0;
	v0 =	vld [tilespmem:s26+$0x18860]  }
0x57: {  	v1 =	vld.idx.msk [tilespmem:v1+s5+$0x0], $0xffff;
	_ =	sdelay $0x4  }
0x58: {  	[tilespmem:s26+$0x1C850] =	vst v1;
	v1 =	vld [tilespmem:s26+$0x18870];
	_ =	sdelay $0x1  }
0x59: {  	v0 =	vld.idx.msk [tilespmem:v0+s5+$0x0], $0xffff;
	_ =	sdelay $0x4  }
0x5a: {  	[tilespmem:s26+$0x1C860] =	vst v0;
	v0 =	vld [tilespmem:s26+$0x18880]  }
0x5b: {  	v1 =	vld.idx.msk [tilespmem:v1+s5+$0x0], $0xffff;
	_ =	sdelay $0x4  }
0x5c: {  	[tilespmem:s26+$0x1C870] =	vst v1;
	v1 =	vld [tilespmem:s26+$0x18890];
	_ =	sdelay $0x1  }
0x5d: {  	v0 =	vld.idx.msk [tilespmem:v0+s5+$0x0], $0xffff;
	_ =	sdelay $0x4  }
0x5e: {  	[tilespmem:s26+$0x1C880] =	vst v0;
	v0 =	vld [tilespmem:s26+$0x188A0]  }
0x5f: {  	v1 =	vld.idx.msk [tilespmem:v1+s5+$0x0], $0xffff;
	_ =	sdelay $0x4  }
0x60: {  	[tilespmem:s26+$0x1C890] =	vst v1;
	v1 =	vld [tilespmem:s26+$0x188B0];
	_ =	sdelay $0x1  }
0x61: {  	v0 =	vld.idx.msk [tilespmem:v0+s5+$0x0], $0xffff;
	_ =	sdelay $0x4  }
0x62: {  	[tilespmem:s26+$0x1C8A0] =	vst v0;
	v0 =	vld [tilespmem:s26+$0x188C0]  }
0x63: {  	v1 =	vld.idx.msk [tilespmem:v1+s5+$0x0], $0xffff;
	_ =	sdelay $0x4  }
0x64: {  	[tilespmem:s26+$0x1C8B0] =	vst v1;
	v1 =	vld [tilespmem:s26+$0x188D0];
	_ =	sdelay $0x1  }
0x65: {  	v0 =	vld.idx.msk [tilespmem:v0+s5+$0x0], $0xffff;
	_ =	sdelay $0x4  }
0x66: {  	v2 =	vld [tilespmem:s26+$0x188E0];
	[tilespmem:s26+$0x1C8C0] =	vst v0  }
0x67: {  	v0 =	vld.idx.msk [tilespmem:v1+s5+$0x0], $0xffff;
	_ =	sdelay $0x4  }
0x68: {  	[tilespmem:s26+$0x1C8D0] =	vst v0;
	v0 =	vld [tilespmem:s26+$0x188F0];
	_ =	sdelay $0x1  }
0x69: {  	v1 =	vld.idx.msk [tilespmem:v2+s5+$0x0], $0xffff;
	_ =	sdelay $0x3  }
0x6a: {  	s29 =	simm.s32 $0x200;
	s28 =	simm.s32 $0x1000  }
.LBB2_3:
0x6b: {  	p0 =	sne.s32 s28, $0x3800;
	v2 =	vld [tilespmem:s29+$0x18700];
	[tilespmem:s26+$0x1C8E0] =	vst v1  }
0x6c: {  	v0 =	vld.idx.msk [tilespmem:v0+s5+$0x0], $0xffff;
	_ =	sdelay $0x5  }
0x6d: {  	v1 =	vld [tilespmem:s29+$0x18710];
	[tilespmem:s26+$0x1C8F0] =	vst v0;
	s26 =	smov.u32 s29  }
0x6e: {  	v0 =	vld.idx.msk [tilespmem:v2+s5+$0x0], $0xffff;
	_ =	sdelay $0x5  }
0x6f: {  	[tilespmem:s26+$0x1C700] =	vst v0;
	v0 =	vld [tilespmem:s26+$0x18720]  }
0x70: {  	v1 =	vld.idx.msk [tilespmem:v1+s5+$0x0], $0xffff;
	_ =	sdelay $0x5  }
0x71: {  	[tilespmem:s26+$0x1C710] =	vst v1;
	v1 =	vld [tilespmem:s26+$0x18730]  }
0x72: {  	v0 =	vld.idx.msk [tilespmem:v0+s5+$0x0], $0xffff;
	_ =	sdelay $0x5  }
0x73: {  	[tilespmem:s26+$0x1C720] =	vst v0;
	v0 =	vld [tilespmem:s26+$0x18740]  }
0x74: {  	v1 =	vld.idx.msk [tilespmem:v1+s5+$0x0], $0xffff;
	_ =	sdelay $0x5  }
0x75: {  	[tilespmem:s26+$0x1C730] =	vst v1;
	v1 =	vld [tilespmem:s26+$0x18750]  }
0x76: {  	v0 =	vld.idx.msk [tilespmem:v0+s5+$0x0], $0xffff;
	_ =	sdelay $0x5  }
0x77: {  	[tilespmem:s26+$0x1C740] =	vst v0;
	v0 =	vld [tilespmem:s26+$0x18760]  }
0x78: {  	v1 =	vld.idx.msk [tilespmem:v1+s5+$0x0], $0xffff;
	_ =	sdelay $0x5  }
0x79: {  	[tilespmem:s26+$0x1C750] =	vst v1;
	v1 =	vld [tilespmem:s26+$0x18770]  }
0x7a: {  	v0 =	vld.idx.msk [tilespmem:v0+s5+$0x0], $0xffff;
	_ =	sdelay $0x5  }
0x7b: {  	[tilespmem:s26+$0x1C760] =	vst v0;
	v0 =	vld [tilespmem:s26+$0x18780]  }
0x7c: {  	v1 =	vld.idx.msk [tilespmem:v1+s5+$0x0], $0xffff;
	_ =	sdelay $0x5  }
0x7d: {  	[tilespmem:s26+$0x1C770] =	vst v1;
	v1 =	vld [tilespmem:s26+$0x18790]  }
0x7e: {  	v0 =	vld.idx.msk [tilespmem:v0+s5+$0x0], $0xffff;
	_ =	sdelay $0x5  }
0x7f: {  	[tilespmem:s26+$0x1C780] =	vst v0;
	v0 =	vld [tilespmem:s26+$0x187A0]  }
0x80: {  	v1 =	vld.idx.msk [tilespmem:v1+s5+$0x0], $0xffff;
	_ =	sdelay $0x5  }
0x81: {  	[tilespmem:s26+$0x1C790] =	vst v1;
	v1 =	vld [tilespmem:s26+$0x187B0]  }
0x82: {  	v0 =	vld.idx.msk [tilespmem:v0+s5+$0x0], $0xffff;
	_ =	sdelay $0x5  }
0x83: {  	[tilespmem:s26+$0x1C7A0] =	vst v0;
	v0 =	vld [tilespmem:s26+$0x187C0]  }
0x84: {  	v1 =	vld.idx.msk [tilespmem:v1+s5+$0x0], $0xffff;
	_ =	sdelay $0x5  }
0x85: {  	[tilespmem:s26+$0x1C7B0] =	vst v1;
	v1 =	vld [tilespmem:s26+$0x187D0]  }
0x86: {  	v0 =	vld.idx.msk [tilespmem:v0+s5+$0x0], $0xffff;
	_ =	sdelay $0x5  }
0x87: {  	[tilespmem:s26+$0x1C7C0] =	vst v0;
	v0 =	vld [tilespmem:s26+$0x187E0]  }
0x88: {  	v1 =	vld.idx.msk [tilespmem:v1+s5+$0x0], $0xffff;
	_ =	sdelay $0x5  }
0x89: {  	[tilespmem:s26+$0x1C7D0] =	vst v1;
	v1 =	vld [tilespmem:s26+$0x187F0]  }
0x8a: {  	v0 =	vld.idx.msk [tilespmem:v0+s5+$0x0], $0xffff;
	_ =	sdelay $0x5  }
0x8b: {  	[tilespmem:s26+$0x1C7E0] =	vst v0;
	v0 =	vld [tilespmem:s26+$0x18800]  }
0x8c: {  	v1 =	vld.idx.msk [tilespmem:v1+s5+$0x0], $0xffff;
	_ =	sdelay $0x5  }
0x8d: {  	[tilespmem:s26+$0x1C7F0] =	vst v1;
	v1 =	vld [tilespmem:s26+$0x18810]  }
0x8e: {  	v0 =	vld.idx.msk [tilespmem:v0+s5+$0x0], $0xffff;
	_ =	sdelay $0x5  }
0x8f: {  	[tilespmem:s26+$0x1C800] =	vst v0;
	v0 =	vld [tilespmem:s26+$0x18820]  }
0x90: {  	v1 =	vld.idx.msk [tilespmem:v1+s5+$0x0], $0xffff;
	_ =	sdelay $0x5  }
0x91: {  	[tilespmem:s26+$0x1C810] =	vst v1;
	v1 =	vld [tilespmem:s26+$0x18830]  }
0x92: {  	v0 =	vld.idx.msk [tilespmem:v0+s5+$0x0], $0xffff;
	_ =	sdelay $0x5  }
0x93: {  	[tilespmem:s26+$0x1C820] =	vst v0;
	v0 =	vld [tilespmem:s26+$0x18840]  }
0x94: {  	v1 =	vld.idx.msk [tilespmem:v1+s5+$0x0], $0xffff;
	_ =	sdelay $0x5  }
0x95: {  	[tilespmem:s26+$0x1C830] =	vst v1;
	v1 =	vld [tilespmem:s26+$0x18850]  }
0x96: {  	v0 =	vld.idx.msk [tilespmem:v0+s5+$0x0], $0xffff;
	_ =	sdelay $0x5  }
0x97: {  	[tilespmem:s26+$0x1C840] =	vst v0;
	v0 =	vld [tilespmem:s26+$0x18860]  }
0x98: {  	v1 =	vld.idx.msk [tilespmem:v1+s5+$0x0], $0xffff;
	_ =	sdelay $0x5  }
0x99: {  	[tilespmem:s26+$0x1C850] =	vst v1;
	v1 =	vld [tilespmem:s26+$0x18870]  }
0x9a: {  	v0 =	vld.idx.msk [tilespmem:v0+s5+$0x0], $0xffff;
	_ =	sdelay $0x5  }
0x9b: {  	[tilespmem:s26+$0x1C860] =	vst v0;
	v0 =	vld [tilespmem:s26+$0x18880]  }
0x9c: {  	v1 =	vld.idx.msk [tilespmem:v1+s5+$0x0], $0xffff;
	_ =	sdelay $0x5  }
0x9d: {  	[tilespmem:s26+$0x1C870] =	vst v1;
	v1 =	vld [tilespmem:s26+$0x18890]  }
0x9e: {  	v0 =	vld.idx.msk [tilespmem:v0+s5+$0x0], $0xffff;
	_ =	sdelay $0x5  }
0x9f: {  	[tilespmem:s26+$0x1C880] =	vst v0;
	v0 =	vld [tilespmem:s26+$0x188A0]  }
0xa0: {  	v1 =	vld.idx.msk [tilespmem:v1+s5+$0x0], $0xffff;
	_ =	sdelay $0x5  }
0xa1: {  	[tilespmem:s26+$0x1C890] =	vst v1;
	v1 =	vld [tilespmem:s26+$0x188B0]  }
0xa2: {  	v0 =	vld.idx.msk [tilespmem:v0+s5+$0x0], $0xffff;
	_ =	sdelay $0x5  }
0xa3: {  	[tilespmem:s26+$0x1C8A0] =	vst v0;
	v0 =	vld [tilespmem:s26+$0x188C0]  }
0xa4: {  	v1 =	vld.idx.msk [tilespmem:v1+s5+$0x0], $0xffff;
	_ =	sdelay $0x5  }
0xa5: {  	[tilespmem:s26+$0x1C8B0] =	vst v1;
	v1 =	vld [tilespmem:s26+$0x188D0]  }
0xa6: {  	v0 =	vld.idx.msk [tilespmem:v0+s5+$0x0], $0xffff;
	_ =	sdelay $0x5  }
0xa7: {  	[tilespmem:s26+$0x1C8C0] =	vst v0;
	v2 =	vld [tilespmem:s26+$0x188E0]  }
0xa8: {  	v0 =	vld.idx.msk [tilespmem:v1+s5+$0x0], $0xffff;
	_ =	sdelay $0x5  }
0xa9: {  	[tilespmem:s26+$0x1C8D0] =	vst v0;
	v0 =	vld [tilespmem:s26+$0x188F0]  }
0xaa: {  	v1 =	vld.idx.msk [tilespmem:v2+s5+$0x0], $0xffff  }
.Ltmp0:
0xab: {  	(pc) =	sbr.rel @p0 .LBB2_3-.Ltmp0, $2  }
0xac: {  	_ =	sdelay $0x2  }
0xad: {  	s29 =	sshra.s32 s28, $0x2;
	s28 =	sadd.s32 $0x800, s28  }
0xae: {  	_ =	sdelay $0x1  }
0xaf: {  	v2 =	vld [tilespmem:s29+$0x18700]  }
0xb0: {  	[tilespmem:s26+$0x1C8E0] =	vst v1  }
0xb1: {  	v0 =	vld.idx.msk [tilespmem:v0+s5+$0x0], $0xffff;
	_ =	sdelay $0x3  }
0xb2: {  	v1 =	vld [tilespmem:s29+$0x18710]  }
0xb3: {  	[tilespmem:s26+$0x1C8F0] =	vst v0  }
0xb4: {  	v0 =	vld.idx.msk [tilespmem:v2+s5+$0x0], $0xffff;
	_ =	sdelay $0x4  }
0xb5: {  	[tilespmem:s29+$0x1C700] =	vst v0;
	v0 =	vld [tilespmem:s29+$0x18720]  }
0xb6: {  	v1 =	vld.idx.msk [tilespmem:v1+s5+$0x0], $0xffff;
	_ =	sdelay $0x4  }
0xb7: {  	[tilespmem:s29+$0x1C710] =	vst v1;
	v1 =	vld [tilespmem:s29+$0x18730];
	_ =	sdelay $0x1  }
0xb8: {  	v0 =	vld.idx.msk [tilespmem:v0+s5+$0x0], $0xffff;
	_ =	sdelay $0x4  }
0xb9: {  	[tilespmem:s29+$0x1C720] =	vst v0;
	v0 =	vld [tilespmem:s29+$0x18740]  }
0xba: {  	v1 =	vld.idx.msk [tilespmem:v1+s5+$0x0], $0xffff;
	_ =	sdelay $0x4  }
0xbb: {  	[tilespmem:s29+$0x1C730] =	vst v1;
	v1 =	vld [tilespmem:s29+$0x18750];
	_ =	sdelay $0x1  }
0xbc: {  	v0 =	vld.idx.msk [tilespmem:v0+s5+$0x0], $0xffff;
	_ =	sdelay $0x4  }
0xbd: {  	[tilespmem:s29+$0x1C740] =	vst v0;
	v0 =	vld [tilespmem:s29+$0x18760]  }
0xbe: {  	v1 =	vld.idx.msk [tilespmem:v1+s5+$0x0], $0xffff;
	_ =	sdelay $0x4  }
0xbf: {  	[tilespmem:s29+$0x1C750] =	vst v1;
	v1 =	vld [tilespmem:s29+$0x18770];
	_ =	sdelay $0x1  }
0xc0: {  	v0 =	vld.idx.msk [tilespmem:v0+s5+$0x0], $0xffff;
	_ =	sdelay $0x4  }
0xc1: {  	[tilespmem:s29+$0x1C760] =	vst v0;
	v0 =	vld [tilespmem:s29+$0x18780]  }
0xc2: {  	v1 =	vld.idx.msk [tilespmem:v1+s5+$0x0], $0xffff;
	_ =	sdelay $0x4  }
0xc3: {  	[tilespmem:s29+$0x1C770] =	vst v1;
	v1 =	vld [tilespmem:s29+$0x18790];
	_ =	sdelay $0x1  }
0xc4: {  	v0 =	vld.idx.msk [tilespmem:v0+s5+$0x0], $0xffff;
	_ =	sdelay $0x4  }
0xc5: {  	[tilespmem:s29+$0x1C780] =	vst v0;
	v0 =	vld [tilespmem:s29+$0x187A0]  }
0xc6: {  	v1 =	vld.idx.msk [tilespmem:v1+s5+$0x0], $0xffff;
	_ =	sdelay $0x4  }
0xc7: {  	[tilespmem:s29+$0x1C790] =	vst v1;
	v1 =	vld [tilespmem:s29+$0x187B0];
	_ =	sdelay $0x1  }
0xc8: {  	v0 =	vld.idx.msk [tilespmem:v0+s5+$0x0], $0xffff;
	_ =	sdelay $0x4  }
0xc9: {  	[tilespmem:s29+$0x1C7A0] =	vst v0;
	v0 =	vld [tilespmem:s29+$0x187C0]  }
0xca: {  	v1 =	vld.idx.msk [tilespmem:v1+s5+$0x0], $0xffff;
	_ =	sdelay $0x4  }
0xcb: {  	[tilespmem:s29+$0x1C7B0] =	vst v1;
	v1 =	vld [tilespmem:s29+$0x187D0];
	_ =	sdelay $0x1  }
0xcc: {  	v0 =	vld.idx.msk [tilespmem:v0+s5+$0x0], $0xffff;
	_ =	sdelay $0x4  }
0xcd: {  	[tilespmem:s29+$0x1C7C0] =	vst v0;
	v0 =	vld [tilespmem:s29+$0x187E0]  }
0xce: {  	v1 =	vld.idx.msk [tilespmem:v1+s5+$0x0], $0xffff;
	_ =	sdelay $0x4  }
0xcf: {  	[tilespmem:s29+$0x1C7D0] =	vst v1;
	v1 =	vld [tilespmem:s29+$0x187F0];
	_ =	sdelay $0x1  }
0xd0: {  	v0 =	vld.idx.msk [tilespmem:v0+s5+$0x0], $0xffff;
	_ =	sdelay $0x4  }
0xd1: {  	[tilespmem:s29+$0x1C7E0] =	vst v0;
	v0 =	vld [tilespmem:s29+$0x18800]  }
0xd2: {  	v1 =	vld.idx.msk [tilespmem:v1+s5+$0x0], $0xffff;
	_ =	sdelay $0x4  }
0xd3: {  	[tilespmem:s29+$0x1C7F0] =	vst v1;
	v1 =	vld [tilespmem:s29+$0x18810];
	_ =	sdelay $0x1  }
0xd4: {  	v0 =	vld.idx.msk [tilespmem:v0+s5+$0x0], $0xffff;
	_ =	sdelay $0x4  }
0xd5: {  	[tilespmem:s29+$0x1C800] =	vst v0;
	v0 =	vld [tilespmem:s29+$0x18820]  }
0xd6: {  	v1 =	vld.idx.msk [tilespmem:v1+s5+$0x0], $0xffff;
	_ =	sdelay $0x4  }
0xd7: {  	[tilespmem:s29+$0x1C810] =	vst v1;
	v1 =	vld [tilespmem:s29+$0x18830];
	_ =	sdelay $0x1  }
0xd8: {  	v0 =	vld.idx.msk [tilespmem:v0+s5+$0x0], $0xffff;
	_ =	sdelay $0x4  }
0xd9: {  	[tilespmem:s29+$0x1C820] =	vst v0;
	v0 =	vld [tilespmem:s29+$0x18840]  }
0xda: {  	v1 =	vld.idx.msk [tilespmem:v1+s5+$0x0], $0xffff;
	_ =	sdelay $0x4  }
0xdb: {  	[tilespmem:s29+$0x1C830] =	vst v1;
	v1 =	vld [tilespmem:s29+$0x18850];
	_ =	sdelay $0x1  }
0xdc: {  	v0 =	vld.idx.msk [tilespmem:v0+s5+$0x0], $0xffff;
	_ =	sdelay $0x4  }
0xdd: {  	[tilespmem:s29+$0x1C840] =	vst v0;
	v0 =	vld [tilespmem:s29+$0x18860]  }
0xde: {  	v1 =	vld.idx.msk [tilespmem:v1+s5+$0x0], $0xffff;
	_ =	sdelay $0x4  }
0xdf: {  	[tilespmem:s29+$0x1C850] =	vst v1;
	v1 =	vld [tilespmem:s29+$0x18870];
	_ =	sdelay $0x1  }
0xe0: {  	v0 =	vld.idx.msk [tilespmem:v0+s5+$0x0], $0xffff;
	_ =	sdelay $0x4  }
0xe1: {  	[tilespmem:s29+$0x1C860] =	vst v0;
	v0 =	vld [tilespmem:s29+$0x18880]  }
0xe2: {  	v1 =	vld.idx.msk [tilespmem:v1+s5+$0x0], $0xffff;
	_ =	sdelay $0x4  }
0xe3: {  	[tilespmem:s29+$0x1C870] =	vst v1;
	v1 =	vld [tilespmem:s29+$0x18890];
	_ =	sdelay $0x1  }
0xe4: {  	v0 =	vld.idx.msk [tilespmem:v0+s5+$0x0], $0xffff;
	_ =	sdelay $0x4  }
0xe5: {  	[tilespmem:s29+$0x1C880] =	vst v0;
	v0 =	vld [tilespmem:s29+$0x188A0]  }
0xe6: {  	v1 =	vld.idx.msk [tilespmem:v1+s5+$0x0], $0xffff;
	_ =	sdelay $0x4  }
0xe7: {  	[tilespmem:s29+$0x1C890] =	vst v1;
	v1 =	vld [tilespmem:s29+$0x188B0];
	_ =	sdelay $0x1  }
0xe8: {  	v0 =	vld.idx.msk [tilespmem:v0+s5+$0x0], $0xffff;
	_ =	sdelay $0x4  }
0xe9: {  	[tilespmem:s29+$0x1C8A0] =	vst v0;
	v0 =	vld [tilespmem:s29+$0x188C0]  }
0xea: {  	v1 =	vld.idx.msk [tilespmem:v1+s5+$0x0], $0xffff;
	_ =	sdelay $0x4  }
0xeb: {  	[tilespmem:s29+$0x1C8B0] =	vst v1;
	v1 =	vld [tilespmem:s29+$0x188D0];
	_ =	sdelay $0x1  }
0xec: {  	v0 =	vld.idx.msk [tilespmem:v0+s5+$0x0], $0xffff;
	_ =	sdelay $0x4  }
0xed: {  	[tilespmem:s29+$0x1C8C0] =	vst v0;
	v0 =	vld [tilespmem:s29+$0x188E0]  }
0xee: {  	v1 =	vld.idx.msk [tilespmem:v1+s5+$0x0], $0xffff;
	_ =	sdelay $0x4  }
0xef: {  	[tilespmem:s29+$0x1C8D0] =	vst v1;
	v1 =	vld [tilespmem:s29+$0x188F0];
	_ =	sdelay $0x1  }
0xf0: {  	v0 =	vld.idx.msk [tilespmem:v0+s5+$0x0], $0xffff;
	_ =	sdelay $0x4  }
0xf1: {  	[tilespmem:s29+$0x1C8E0] =	vst v0  }
0xf2: {  	v0 =	vld.idx.msk [tilespmem:v1+s5+$0x0], $0xffff  }
0xf3: {  	s25 =	sshll.u32 s25, $0x13  }
0xf4: {  	s25 =	sor.u32 s25, s9  }
0xf5: {  	s25 =	sor.u32 s7, s25  }
0xf6: {  	s25 =	sshrl.u32 s25, $0x3  }
0xf7: {  	s31 =	sadd.s32 s4, s25;
	s26 =	simm.s32 $0x0;
	[tilespmem:s29+$0x1C8F0] =	vst v0  }
0xf8: {  	[hbm4b:s31+s14] =	stream.strided.scatter [tilespmem:s19], [sflag:$0x3], $0x1000, s15, s14, $0x38;
	[tilespmem:$0x1E700] =	vst v63  }
0xf9: {  	v0 =	vld [tilespmem:s26+$0x19700];
	_ =	sdelay $0x5  }
0xfa: {  	v1 =	vld [tilespmem:s26+$0x19710];
	_ =	sdelay $0x1  }
0xfb: {  	v0 =	vld.idx.msk [tilespmem:v0+s5+$0x0], $0xffff;
	_ =	sdelay $0x4  }
0xfc: {  	[tilespmem:s26+$0x1D700] =	vst v0;
	v0 =	vld [tilespmem:s26+$0x19720]  }
0xfd: {  	v1 =	vld.idx.msk [tilespmem:v1+s5+$0x0], $0xffff;
	_ =	sdelay $0x4  }
0xfe: {  	[tilespmem:s26+$0x1D710] =	vst v1;
	v1 =	vld [tilespmem:s26+$0x19730];
	_ =	sdelay $0x1  }
0xff: {  	v0 =	vld.idx.msk [tilespmem:v0+s5+$0x0], $0xffff;
	_ =	sdelay $0x4  }
0x100: {  	[tilespmem:s26+$0x1D720] =	vst v0;
	v0 =	vld [tilespmem:s26+$0x19740]  }
0x101: {  	v1 =	vld.idx.msk [tilespmem:v1+s5+$0x0], $0xffff;
	_ =	sdelay $0x4  }
0x102: {  	[tilespmem:s26+$0x1D730] =	vst v1;
	v1 =	vld [tilespmem:s26+$0x19750];
	_ =	sdelay $0x1  }
0x103: {  	v0 =	vld.idx.msk [tilespmem:v0+s5+$0x0], $0xffff;
	_ =	sdelay $0x4  }
0x104: {  	[tilespmem:s26+$0x1D740] =	vst v0;
	v0 =	vld [tilespmem:s26+$0x19760]  }
0x105: {  	v1 =	vld.idx.msk [tilespmem:v1+s5+$0x0], $0xffff;
	_ =	sdelay $0x4  }
0x106: {  	[tilespmem:s26+$0x1D750] =	vst v1;
	v1 =	vld [tilespmem:s26+$0x19770];
	_ =	sdelay $0x1  }
0x107: {  	v0 =	vld.idx.msk [tilespmem:v0+s5+$0x0], $0xffff;
	_ =	sdelay $0x4  }
0x108: {  	[tilespmem:s26+$0x1D760] =	vst v0;
	v0 =	vld [tilespmem:s26+$0x19780]  }
0x109: {  	v1 =	vld.idx.msk [tilespmem:v1+s5+$0x0], $0xffff;
	_ =	sdelay $0x4  }
0x10a: {  	[tilespmem:s26+$0x1D770] =	vst v1;
	v1 =	vld [tilespmem:s26+$0x19790];
	_ =	sdelay $0x1  }
0x10b: {  	v0 =	vld.idx.msk [tilespmem:v0+s5+$0x0], $0xffff;
	_ =	sdelay $0x4  }
0x10c: {  	[tilespmem:s26+$0x1D780] =	vst v0;
	v0 =	vld [tilespmem:s26+$0x197A0]  }
0x10d: {  	v1 =	vld.idx.msk [tilespmem:v1+s5+$0x0], $0xffff;
	_ =	sdelay $0x4  }
0x10e: {  	[tilespmem:s26+$0x1D790] =	vst v1;
	v1 =	vld [tilespmem:s26+$0x197B0];
	_ =	sdelay $0x1  }
0x10f: {  	v0 =	vld.idx.msk [tilespmem:v0+s5+$0x0], $0xffff;
	_ =	sdelay $0x4  }
0x110: {  	[tilespmem:s26+$0x1D7A0] =	vst v0;
	v0 =	vld [tilespmem:s26+$0x197C0]  }
0x111: {  	v1 =	vld.idx.msk [tilespmem:v1+s5+$0x0], $0xffff;
	_ =	sdelay $0x4  }
0x112: {  	[tilespmem:s26+$0x1D7B0] =	vst v1;
	v1 =	vld [tilespmem:s26+$0x197D0];
	_ =	sdelay $0x1  }
0x113: {  	v0 =	vld.idx.msk [tilespmem:v0+s5+$0x0], $0xffff;
	_ =	sdelay $0x4  }
0x114: {  	[tilespmem:s26+$0x1D7C0] =	vst v0;
	v0 =	vld [tilespmem:s26+$0x197E0]  }
0x115: {  	v1 =	vld.idx.msk [tilespmem:v1+s5+$0x0], $0xffff;
	_ =	sdelay $0x4  }
0x116: {  	[tilespmem:s26+$0x1D7D0] =	vst v1;
	v1 =	vld [tilespmem:s26+$0x197F0];
	_ =	sdelay $0x1  }
0x117: {  	v0 =	vld.idx.msk [tilespmem:v0+s5+$0x0], $0xffff;
	_ =	sdelay $0x4  }
0x118: {  	[tilespmem:s26+$0x1D7E0] =	vst v0;
	v0 =	vld [tilespmem:s26+$0x19800]  }
0x119: {  	v1 =	vld.idx.msk [tilespmem:v1+s5+$0x0], $0xffff;
	_ =	sdelay $0x4  }
0x11a: {  	[tilespmem:s26+$0x1D7F0] =	vst v1;
	v1 =	vld [tilespmem:s26+$0x19810];
	_ =	sdelay $0x1  }
0x11b: {  	v0 =	vld.idx.msk [tilespmem:v0+s5+$0x0], $0xffff;
	_ =	sdelay $0x4  }
0x11c: {  	[tilespmem:s26+$0x1D800] =	vst v0;
	v0 =	vld [tilespmem:s26+$0x19820]  }
0x11d: {  	v1 =	vld.idx.msk [tilespmem:v1+s5+$0x0], $0xffff;
	_ =	sdelay $0x4  }
0x11e: {  	[tilespmem:s26+$0x1D810] =	vst v1;
	v1 =	vld [tilespmem:s26+$0x19830];
	_ =	sdelay $0x1  }
0x11f: {  	v0 =	vld.idx.msk [tilespmem:v0+s5+$0x0], $0xffff;
	_ =	sdelay $0x4  }
0x120: {  	[tilespmem:s26+$0x1D820] =	vst v0;
	v0 =	vld [tilespmem:s26+$0x19840]  }
0x121: {  	v1 =	vld.idx.msk [tilespmem:v1+s5+$0x0], $0xffff;
	_ =	sdelay $0x4  }
0x122: {  	[tilespmem:s26+$0x1D830] =	vst v1;
	v1 =	vld [tilespmem:s26+$0x19850];
	_ =	sdelay $0x1  }
0x123: {  	v0 =	vld.idx.msk [tilespmem:v0+s5+$0x0], $0xffff;
	_ =	sdelay $0x4  }
0x124: {  	[tilespmem:s26+$0x1D840] =	vst v0;
	v0 =	vld [tilespmem:s26+$0x19860]  }
0x125: {  	v1 =	vld.idx.msk [tilespmem:v1+s5+$0x0], $0xffff;
	_ =	sdelay $0x4  }
0x126: {  	[tilespmem:s26+$0x1D850] =	vst v1;
	v1 =	vld [tilespmem:s26+$0x19870];
	_ =	sdelay $0x1  }
0x127: {  	v0 =	vld.idx.msk [tilespmem:v0+s5+$0x0], $0xffff;
	_ =	sdelay $0x4  }
0x128: {  	[tilespmem:s26+$0x1D860] =	vst v0;
	v0 =	vld [tilespmem:s26+$0x19880]  }
0x129: {  	v1 =	vld.idx.msk [tilespmem:v1+s5+$0x0], $0xffff;
	_ =	sdelay $0x4  }
0x12a: {  	[tilespmem:s26+$0x1D870] =	vst v1;
	v1 =	vld [tilespmem:s26+$0x19890];
	_ =	sdelay $0x1  }
0x12b: {  	v0 =	vld.idx.msk [tilespmem:v0+s5+$0x0], $0xffff;
	_ =	sdelay $0x4  }
0x12c: {  	[tilespmem:s26+$0x1D880] =	vst v0;
	v0 =	vld [tilespmem:s26+$0x198A0]  }
0x12d: {  	v1 =	vld.idx.msk [tilespmem:v1+s5+$0x0], $0xffff;
	_ =	sdelay $0x4  }
0x12e: {  	[tilespmem:s26+$0x1D890] =	vst v1;
	v1 =	vld [tilespmem:s26+$0x198B0];
	_ =	sdelay $0x1  }
0x12f: {  	v0 =	vld.idx.msk [tilespmem:v0+s5+$0x0], $0xffff;
	_ =	sdelay $0x4  }
0x130: {  	[tilespmem:s26+$0x1D8A0] =	vst v0;
	v0 =	vld [tilespmem:s26+$0x198C0]  }
0x131: {  	v1 =	vld.idx.msk [tilespmem:v1+s5+$0x0], $0xffff;
	_ =	sdelay $0x4  }
0x132: {  	[tilespmem:s26+$0x1D8B0] =	vst v1;
	v1 =	vld [tilespmem:s26+$0x198D0];
	_ =	sdelay $0x1  }
0x133: {  	v0 =	vld.idx.msk [tilespmem:v0+s5+$0x0], $0xffff;
	_ =	sdelay $0x4  }
0x134: {  	v2 =	vld [tilespmem:s26+$0x198E0];
	[tilespmem:s26+$0x1D8C0] =	vst v0  }
0x135: {  	v0 =	vld.idx.msk [tilespmem:v1+s5+$0x0], $0xffff;
	_ =	sdelay $0x4  }
0x136: {  	[tilespmem:s26+$0x1D8D0] =	vst v0;
	v0 =	vld [tilespmem:s26+$0x198F0];
	_ =	sdelay $0x1  }
0x137: {  	v1 =	vld.idx.msk [tilespmem:v2+s5+$0x0], $0xffff;
	_ =	sdelay $0x3  }
0x138: {  	s28 =	simm.s32 $0x1000;
	s29 =	simm.s32 $0x200  }
.LBB2_5:
0x139: {  	p0 =	sne.s32 s28, $0x3800;
	v2 =	vld [tilespmem:s29+$0x19700];
	[tilespmem:s26+$0x1D8E0] =	vst v1  }
0x13a: {  	v0 =	vld.idx.msk [tilespmem:v0+s5+$0x0], $0xffff;
	_ =	sdelay $0x5  }
0x13b: {  	v1 =	vld [tilespmem:s29+$0x19710];
	[tilespmem:s26+$0x1D8F0] =	vst v0;
	s26 =	smov.u32 s29  }
0x13c: {  	v0 =	vld.idx.msk [tilespmem:v2+s5+$0x0], $0xffff;
	_ =	sdelay $0x5  }
0x13d: {  	[tilespmem:s26+$0x1D700] =	vst v0;
	v0 =	vld [tilespmem:s26+$0x19720]  }
0x13e: {  	v1 =	vld.idx.msk [tilespmem:v1+s5+$0x0], $0xffff;
	_ =	sdelay $0x5  }
0x13f: {  	[tilespmem:s26+$0x1D710] =	vst v1;
	v1 =	vld [tilespmem:s26+$0x19730]  }
0x140: {  	v0 =	vld.idx.msk [tilespmem:v0+s5+$0x0], $0xffff;
	_ =	sdelay $0x5  }
0x141: {  	[tilespmem:s26+$0x1D720] =	vst v0;
	v0 =	vld [tilespmem:s26+$0x19740]  }
0x142: {  	v1 =	vld.idx.msk [tilespmem:v1+s5+$0x0], $0xffff;
	_ =	sdelay $0x5  }
0x143: {  	[tilespmem:s26+$0x1D730] =	vst v1;
	v1 =	vld [tilespmem:s26+$0x19750]  }
0x144: {  	v0 =	vld.idx.msk [tilespmem:v0+s5+$0x0], $0xffff;
	_ =	sdelay $0x5  }
0x145: {  	[tilespmem:s26+$0x1D740] =	vst v0;
	v0 =	vld [tilespmem:s26+$0x19760]  }
0x146: {  	v1 =	vld.idx.msk [tilespmem:v1+s5+$0x0], $0xffff;
	_ =	sdelay $0x5  }
0x147: {  	[tilespmem:s26+$0x1D750] =	vst v1;
	v1 =	vld [tilespmem:s26+$0x19770]  }
0x148: {  	v0 =	vld.idx.msk [tilespmem:v0+s5+$0x0], $0xffff;
	_ =	sdelay $0x5  }
0x149: {  	[tilespmem:s26+$0x1D760] =	vst v0;
	v0 =	vld [tilespmem:s26+$0x19780]  }
0x14a: {  	v1 =	vld.idx.msk [tilespmem:v1+s5+$0x0], $0xffff;
	_ =	sdelay $0x5  }
0x14b: {  	[tilespmem:s26+$0x1D770] =	vst v1;
	v1 =	vld [tilespmem:s26+$0x19790]  }
0x14c: {  	v0 =	vld.idx.msk [tilespmem:v0+s5+$0x0], $0xffff;
	_ =	sdelay $0x5  }
0x14d: {  	[tilespmem:s26+$0x1D780] =	vst v0;
	v0 =	vld [tilespmem:s26+$0x197A0]  }
0x14e: {  	v1 =	vld.idx.msk [tilespmem:v1+s5+$0x0], $0xffff;
	_ =	sdelay $0x5  }
0x14f: {  	[tilespmem:s26+$0x1D790] =	vst v1;
	v1 =	vld [tilespmem:s26+$0x197B0]  }
0x150: {  	v0 =	vld.idx.msk [tilespmem:v0+s5+$0x0], $0xffff;
	_ =	sdelay $0x5  }
0x151: {  	[tilespmem:s26+$0x1D7A0] =	vst v0;
	v0 =	vld [tilespmem:s26+$0x197C0]  }
0x152: {  	v1 =	vld.idx.msk [tilespmem:v1+s5+$0x0], $0xffff;
	_ =	sdelay $0x5  }
0x153: {  	[tilespmem:s26+$0x1D7B0] =	vst v1;
	v1 =	vld [tilespmem:s26+$0x197D0]  }
0x154: {  	v0 =	vld.idx.msk [tilespmem:v0+s5+$0x0], $0xffff;
	_ =	sdelay $0x5  }
0x155: {  	[tilespmem:s26+$0x1D7C0] =	vst v0;
	v0 =	vld [tilespmem:s26+$0x197E0]  }
0x156: {  	v1 =	vld.idx.msk [tilespmem:v1+s5+$0x0], $0xffff;
	_ =	sdelay $0x5  }
0x157: {  	[tilespmem:s26+$0x1D7D0] =	vst v1;
	v1 =	vld [tilespmem:s26+$0x197F0]  }
0x158: {  	v0 =	vld.idx.msk [tilespmem:v0+s5+$0x0], $0xffff;
	_ =	sdelay $0x5  }
0x159: {  	[tilespmem:s26+$0x1D7E0] =	vst v0;
	v0 =	vld [tilespmem:s26+$0x19800]  }
0x15a: {  	v1 =	vld.idx.msk [tilespmem:v1+s5+$0x0], $0xffff;
	_ =	sdelay $0x5  }
0x15b: {  	[tilespmem:s26+$0x1D7F0] =	vst v1;
	v1 =	vld [tilespmem:s26+$0x19810]  }
0x15c: {  	v0 =	vld.idx.msk [tilespmem:v0+s5+$0x0], $0xffff;
	_ =	sdelay $0x5  }
0x15d: {  	[tilespmem:s26+$0x1D800] =	vst v0;
	v0 =	vld [tilespmem:s26+$0x19820]  }
0x15e: {  	v1 =	vld.idx.msk [tilespmem:v1+s5+$0x0], $0xffff;
	_ =	sdelay $0x5  }
0x15f: {  	[tilespmem:s26+$0x1D810] =	vst v1;
	v1 =	vld [tilespmem:s26+$0x19830]  }
0x160: {  	v0 =	vld.idx.msk [tilespmem:v0+s5+$0x0], $0xffff;
	_ =	sdelay $0x5  }
0x161: {  	[tilespmem:s26+$0x1D820] =	vst v0;
	v0 =	vld [tilespmem:s26+$0x19840]  }
0x162: {  	v1 =	vld.idx.msk [tilespmem:v1+s5+$0x0], $0xffff;
	_ =	sdelay $0x5  }
0x163: {  	[tilespmem:s26+$0x1D830] =	vst v1;
	v1 =	vld [tilespmem:s26+$0x19850]  }
0x164: {  	v0 =	vld.idx.msk [tilespmem:v0+s5+$0x0], $0xffff;
	_ =	sdelay $0x5  }
0x165: {  	[tilespmem:s26+$0x1D840] =	vst v0;
	v0 =	vld [tilespmem:s26+$0x19860]  }
0x166: {  	v1 =	vld.idx.msk [tilespmem:v1+s5+$0x0], $0xffff;
	_ =	sdelay $0x5  }
0x167: {  	[tilespmem:s26+$0x1D850] =	vst v1;
	v1 =	vld [tilespmem:s26+$0x19870]  }
0x168: {  	v0 =	vld.idx.msk [tilespmem:v0+s5+$0x0], $0xffff;
	_ =	sdelay $0x5  }
0x169: {  	[tilespmem:s26+$0x1D860] =	vst v0;
	v0 =	vld [tilespmem:s26+$0x19880]  }
0x16a: {  	v1 =	vld.idx.msk [tilespmem:v1+s5+$0x0], $0xffff;
	_ =	sdelay $0x5  }
0x16b: {  	[tilespmem:s26+$0x1D870] =	vst v1;
	v1 =	vld [tilespmem:s26+$0x19890]  }
0x16c: {  	v0 =	vld.idx.msk [tilespmem:v0+s5+$0x0], $0xffff;
	_ =	sdelay $0x5  }
0x16d: {  	[tilespmem:s26+$0x1D880] =	vst v0;
	v0 =	vld [tilespmem:s26+$0x198A0]  }
0x16e: {  	v1 =	vld.idx.msk [tilespmem:v1+s5+$0x0], $0xffff;
	_ =	sdelay $0x5  }
0x16f: {  	[tilespmem:s26+$0x1D890] =	vst v1;
	v1 =	vld [tilespmem:s26+$0x198B0]  }
0x170: {  	v0 =	vld.idx.msk [tilespmem:v0+s5+$0x0], $0xffff;
	_ =	sdelay $0x5  }
0x171: {  	[tilespmem:s26+$0x1D8A0] =	vst v0;
	v0 =	vld [tilespmem:s26+$0x198C0]  }
0x172: {  	v1 =	vld.idx.msk [tilespmem:v1+s5+$0x0], $0xffff;
	_ =	sdelay $0x5  }
0x173: {  	[tilespmem:s26+$0x1D8B0] =	vst v1;
	v1 =	vld [tilespmem:s26+$0x198D0]  }
0x174: {  	v0 =	vld.idx.msk [tilespmem:v0+s5+$0x0], $0xffff;
	_ =	sdelay $0x5  }
0x175: {  	[tilespmem:s26+$0x1D8C0] =	vst v0;
	v2 =	vld [tilespmem:s26+$0x198E0]  }
0x176: {  	v0 =	vld.idx.msk [tilespmem:v1+s5+$0x0], $0xffff;
	_ =	sdelay $0x5  }
0x177: {  	[tilespmem:s26+$0x1D8D0] =	vst v0;
	v0 =	vld [tilespmem:s26+$0x198F0]  }
0x178: {  	v1 =	vld.idx.msk [tilespmem:v2+s5+$0x0], $0xffff  }
.Ltmp1:
0x179: {  	(pc) =	sbr.rel @p0 .LBB2_5-.Ltmp1, $2  }
0x17a: {  	_ =	sdelay $0x2  }
0x17b: {  	s29 =	sshra.s32 s28, $0x2;
	s28 =	sadd.s32 $0x800, s28  }
0x17c: {  	_ =	sdelay $0x1  }
0x17d: {  	v2 =	vld [tilespmem:s29+$0x19700]  }
0x17e: {  	[tilespmem:s26+$0x1D8E0] =	vst v1  }
0x17f: {  	v0 =	vld.idx.msk [tilespmem:v0+s5+$0x0], $0xffff;
	_ =	sdelay $0x3  }
0x180: {  	v1 =	vld [tilespmem:s29+$0x19710]  }
0x181: {  	[tilespmem:s26+$0x1D8F0] =	vst v0  }
0x182: {  	v0 =	vld.idx.msk [tilespmem:v2+s5+$0x0], $0xffff;
	_ =	sdelay $0x4  }
0x183: {  	[tilespmem:s29+$0x1D700] =	vst v0;
	v0 =	vld [tilespmem:s29+$0x19720]  }
0x184: {  	v1 =	vld.idx.msk [tilespmem:v1+s5+$0x0], $0xffff;
	_ =	sdelay $0x4  }
0x185: {  	[tilespmem:s29+$0x1D710] =	vst v1;
	v1 =	vld [tilespmem:s29+$0x19730];
	_ =	sdelay $0x1  }
0x186: {  	v0 =	vld.idx.msk [tilespmem:v0+s5+$0x0], $0xffff;
	_ =	sdelay $0x4  }
0x187: {  	[tilespmem:s29+$0x1D720] =	vst v0;
	v0 =	vld [tilespmem:s29+$0x19740]  }
0x188: {  	v1 =	vld.idx.msk [tilespmem:v1+s5+$0x0], $0xffff;
	_ =	sdelay $0x4  }
0x189: {  	[tilespmem:s29+$0x1D730] =	vst v1;
	v1 =	vld [tilespmem:s29+$0x19750];
	_ =	sdelay $0x1  }
0x18a: {  	v0 =	vld.idx.msk [tilespmem:v0+s5+$0x0], $0xffff;
	_ =	sdelay $0x4  }
0x18b: {  	[tilespmem:s29+$0x1D740] =	vst v0;
	v0 =	vld [tilespmem:s29+$0x19760]  }
0x18c: {  	v1 =	vld.idx.msk [tilespmem:v1+s5+$0x0], $0xffff;
	_ =	sdelay $0x4  }
0x18d: {  	[tilespmem:s29+$0x1D750] =	vst v1;
	v1 =	vld [tilespmem:s29+$0x19770];
	_ =	sdelay $0x1  }
0x18e: {  	v0 =	vld.idx.msk [tilespmem:v0+s5+$0x0], $0xffff;
	_ =	sdelay $0x4  }
0x18f: {  	[tilespmem:s29+$0x1D760] =	vst v0;
	v0 =	vld [tilespmem:s29+$0x19780]  }
0x190: {  	v1 =	vld.idx.msk [tilespmem:v1+s5+$0x0], $0xffff;
	_ =	sdelay $0x4  }
0x191: {  	[tilespmem:s29+$0x1D770] =	vst v1;
	v1 =	vld [tilespmem:s29+$0x19790];
	_ =	sdelay $0x1  }
0x192: {  	v0 =	vld.idx.msk [tilespmem:v0+s5+$0x0], $0xffff;
	_ =	sdelay $0x4  }
0x193: {  	[tilespmem:s29+$0x1D780] =	vst v0;
	v0 =	vld [tilespmem:s29+$0x197A0]  }
0x194: {  	v1 =	vld.idx.msk [tilespmem:v1+s5+$0x0], $0xffff;
	_ =	sdelay $0x4  }
0x195: {  	[tilespmem:s29+$0x1D790] =	vst v1;
	v1 =	vld [tilespmem:s29+$0x197B0];
	_ =	sdelay $0x1  }
0x196: {  	v0 =	vld.idx.msk [tilespmem:v0+s5+$0x0], $0xffff;
	_ =	sdelay $0x4  }
0x197: {  	[tilespmem:s29+$0x1D7A0] =	vst v0;
	v0 =	vld [tilespmem:s29+$0x197C0]  }
0x198: {  	v1 =	vld.idx.msk [tilespmem:v1+s5+$0x0], $0xffff;
	_ =	sdelay $0x4  }
0x199: {  	[tilespmem:s29+$0x1D7B0] =	vst v1;
	v1 =	vld [tilespmem:s29+$0x197D0];
	_ =	sdelay $0x1  }
0x19a: {  	v0 =	vld.idx.msk [tilespmem:v0+s5+$0x0], $0xffff;
	_ =	sdelay $0x4  }
0x19b: {  	[tilespmem:s29+$0x1D7C0] =	vst v0;
	v0 =	vld [tilespmem:s29+$0x197E0]  }
0x19c: {  	v1 =	vld.idx.msk [tilespmem:v1+s5+$0x0], $0xffff;
	_ =	sdelay $0x4  }
0x19d: {  	[tilespmem:s29+$0x1D7D0] =	vst v1;
	v1 =	vld [tilespmem:s29+$0x197F0];
	_ =	sdelay $0x1  }
0x19e: {  	v0 =	vld.idx.msk [tilespmem:v0+s5+$0x0], $0xffff;
	_ =	sdelay $0x4  }
0x19f: {  	[tilespmem:s29+$0x1D7E0] =	vst v0;
	v0 =	vld [tilespmem:s29+$0x19800]  }
0x1a0: {  	v1 =	vld.idx.msk [tilespmem:v1+s5+$0x0], $0xffff;
	_ =	sdelay $0x4  }
0x1a1: {  	[tilespmem:s29+$0x1D7F0] =	vst v1;
	v1 =	vld [tilespmem:s29+$0x19810];
	_ =	sdelay $0x1  }
0x1a2: {  	v0 =	vld.idx.msk [tilespmem:v0+s5+$0x0], $0xffff;
	_ =	sdelay $0x4  }
0x1a3: {  	[tilespmem:s29+$0x1D800] =	vst v0;
	v0 =	vld [tilespmem:s29+$0x19820]  }
0x1a4: {  	v1 =	vld.idx.msk [tilespmem:v1+s5+$0x0], $0xffff;
	_ =	sdelay $0x4  }
0x1a5: {  	[tilespmem:s29+$0x1D810] =	vst v1;
	v1 =	vld [tilespmem:s29+$0x19830];
	_ =	sdelay $0x1  }
0x1a6: {  	v0 =	vld.idx.msk [tilespmem:v0+s5+$0x0], $0xffff;
	_ =	sdelay $0x4  }
0x1a7: {  	[tilespmem:s29+$0x1D820] =	vst v0;
	v0 =	vld [tilespmem:s29+$0x19840]  }
0x1a8: {  	v1 =	vld.idx.msk [tilespmem:v1+s5+$0x0], $0xffff;
	_ =	sdelay $0x4  }
0x1a9: {  	[tilespmem:s29+$0x1D830] =	vst v1;
	v1 =	vld [tilespmem:s29+$0x19850];
	_ =	sdelay $0x1  }
0x1aa: {  	v0 =	vld.idx.msk [tilespmem:v0+s5+$0x0], $0xffff;
	_ =	sdelay $0x4  }
0x1ab: {  	[tilespmem:s29+$0x1D840] =	vst v0;
	v0 =	vld [tilespmem:s29+$0x19860]  }
0x1ac: {  	v1 =	vld.idx.msk [tilespmem:v1+s5+$0x0], $0xffff;
	_ =	sdelay $0x4  }
0x1ad: {  	[tilespmem:s29+$0x1D850] =	vst v1;
	v1 =	vld [tilespmem:s29+$0x19870];
	_ =	sdelay $0x1  }
0x1ae: {  	v0 =	vld.idx.msk [tilespmem:v0+s5+$0x0], $0xffff;
	_ =	sdelay $0x4  }
0x1af: {  	[tilespmem:s29+$0x1D860] =	vst v0;
	v0 =	vld [tilespmem:s29+$0x19880]  }
0x1b0: {  	v1 =	vld.idx.msk [tilespmem:v1+s5+$0x0], $0xffff;
	_ =	sdelay $0x4  }
0x1b1: {  	[tilespmem:s29+$0x1D870] =	vst v1;
	v1 =	vld [tilespmem:s29+$0x19890];
	_ =	sdelay $0x1  }
0x1b2: {  	v0 =	vld.idx.msk [tilespmem:v0+s5+$0x0], $0xffff;
	_ =	sdelay $0x4  }
0x1b3: {  	[tilespmem:s29+$0x1D880] =	vst v0;
	v0 =	vld [tilespmem:s29+$0x198A0]  }
0x1b4: {  	v1 =	vld.idx.msk [tilespmem:v1+s5+$0x0], $0xffff;
	_ =	sdelay $0x4  }
0x1b5: {  	[tilespmem:s29+$0x1D890] =	vst v1;
	v1 =	vld [tilespmem:s29+$0x198B0];
	_ =	sdelay $0x1  }
0x1b6: {  	v0 =	vld.idx.msk [tilespmem:v0+s5+$0x0], $0xffff;
	_ =	sdelay $0x4  }
0x1b7: {  	[tilespmem:s29+$0x1D8A0] =	vst v0;
	v0 =	vld [tilespmem:s29+$0x198C0]  }
0x1b8: {  	v1 =	vld.idx.msk [tilespmem:v1+s5+$0x0], $0xffff;
	_ =	sdelay $0x4  }
0x1b9: {  	[tilespmem:s29+$0x1D8B0] =	vst v1;
	v1 =	vld [tilespmem:s29+$0x198D0];
	_ =	sdelay $0x1  }
0x1ba: {  	v0 =	vld.idx.msk [tilespmem:v0+s5+$0x0], $0xffff;
	_ =	sdelay $0x4  }
0x1bb: {  	[tilespmem:s29+$0x1D8C0] =	vst v0;
	v0 =	vld [tilespmem:s29+$0x198E0]  }
0x1bc: {  	v1 =	vld.idx.msk [tilespmem:v1+s5+$0x0], $0xffff;
	_ =	sdelay $0x4  }
0x1bd: {  	[tilespmem:s29+$0x1D8D0] =	vst v1;
	v1 =	vld [tilespmem:s29+$0x198F0];
	_ =	sdelay $0x1  }
0x1be: {  	v0 =	vld.idx.msk [tilespmem:v0+s5+$0x0], $0xffff;
	_ =	sdelay $0x4  }
0x1bf: {  	[tilespmem:s29+$0x1D8E0] =	vst v0  }
0x1c0: {  	v0 =	vld.idx.msk [tilespmem:v1+s5+$0x0], $0xffff;
	_ =	sdelay $0x4  }
0x1c1: {  	s31 =	sadd.s32 s25, s10;
	[tilespmem:s29+$0x1D8F0] =	vst v0  }
0x1c2: {  	[hbm4b:s31+s14] =	stream.strided.scatter [tilespmem:s20], [sflag:$0x4], $0x1000, s15, s14, $0x38;
	[tilespmem:$0x1E700] =	vst v63  }
0x1c3: {  	_ =	swait.ge [sflag:s21], $0x1000  }
0x1c4: {  	[sflag:s21] =	ssyncset.done $0x0  }
0x1c5: {  	s26 =	simm.s32 $0x0;
	[sflag:s21] =	ssyncadd.s32 $0xFFFFF000  }
0x1c6: {  	v0 =	vld [tilespmem:s26+$0x1A700];
	_ =	sdelay $0x5  }
0x1c7: {  	v1 =	vld [tilespmem:s26+$0x1A710];
	_ =	sdelay $0x1  }
0x1c8: {  	v0 =	vld.idx.msk [tilespmem:v0+s5+$0x0], $0xffff;
	_ =	sdelay $0x4  }
0x1c9: {  	[tilespmem:s26+$0x1C700] =	vst v0;
	v0 =	vld [tilespmem:s26+$0x1A720]  }
0x1ca: {  	v1 =	vld.idx.msk [tilespmem:v1+s5+$0x0], $0xffff;
	_ =	sdelay $0x4  }
0x1cb: {  	[tilespmem:s26+$0x1C710] =	vst v1;
	v1 =	vld [tilespmem:s26+$0x1A730];
	_ =	sdelay $0x1  }
0x1cc: {  	v0 =	vld.idx.msk [tilespmem:v0+s5+$0x0], $0xffff;
	_ =	sdelay $0x4  }
0x1cd: {  	[tilespmem:s26+$0x1C720] =	vst v0;
	v0 =	vld [tilespmem:s26+$0x1A740]  }
0x1ce: {  	v1 =	vld.idx.msk [tilespmem:v1+s5+$0x0], $0xffff;
	_ =	sdelay $0x4  }
0x1cf: {  	[tilespmem:s26+$0x1C730] =	vst v1;
	v1 =	vld [tilespmem:s26+$0x1A750];
	_ =	sdelay $0x1  }
0x1d0: {  	v0 =	vld.idx.msk [tilespmem:v0+s5+$0x0], $0xffff;
	_ =	sdelay $0x4  }
0x1d1: {  	[tilespmem:s26+$0x1C740] =	vst v0;
	v0 =	vld [tilespmem:s26+$0x1A760]  }
0x1d2: {  	v1 =	vld.idx.msk [tilespmem:v1+s5+$0x0], $0xffff;
	_ =	sdelay $0x4  }
0x1d3: {  	[tilespmem:s26+$0x1C750] =	vst v1;
	v1 =	vld [tilespmem:s26+$0x1A770];
	_ =	sdelay $0x1  }
0x1d4: {  	v0 =	vld.idx.msk [tilespmem:v0+s5+$0x0], $0xffff;
	_ =	sdelay $0x4  }
0x1d5: {  	[tilespmem:s26+$0x1C760] =	vst v0;
	v0 =	vld [tilespmem:s26+$0x1A780]  }
0x1d6: {  	v1 =	vld.idx.msk [tilespmem:v1+s5+$0x0], $0xffff;
	_ =	sdelay $0x4  }
0x1d7: {  	[tilespmem:s26+$0x1C770] =	vst v1;
	v1 =	vld [tilespmem:s26+$0x1A790];
	_ =	sdelay $0x1  }
0x1d8: {  	v0 =	vld.idx.msk [tilespmem:v0+s5+$0x0], $0xffff;
	_ =	sdelay $0x4  }
0x1d9: {  	[tilespmem:s26+$0x1C780] =	vst v0;
	v0 =	vld [tilespmem:s26+$0x1A7A0]  }
0x1da: {  	v1 =	vld.idx.msk [tilespmem:v1+s5+$0x0], $0xffff;
	_ =	sdelay $0x4  }
0x1db: {  	[tilespmem:s26+$0x1C790] =	vst v1;
	v1 =	vld [tilespmem:s26+$0x1A7B0];
	_ =	sdelay $0x1  }
0x1dc: {  	v0 =	vld.idx.msk [tilespmem:v0+s5+$0x0], $0xffff;
	_ =	sdelay $0x4  }
0x1dd: {  	[tilespmem:s26+$0x1C7A0] =	vst v0;
	v0 =	vld [tilespmem:s26+$0x1A7C0]  }
0x1de: {  	v1 =	vld.idx.msk [tilespmem:v1+s5+$0x0], $0xffff;
	_ =	sdelay $0x4  }
0x1df: {  	[tilespmem:s26+$0x1C7B0] =	vst v1;
	v1 =	vld [tilespmem:s26+$0x1A7D0];
	_ =	sdelay $0x1  }
0x1e0: {  	v0 =	vld.idx.msk [tilespmem:v0+s5+$0x0], $0xffff;
	_ =	sdelay $0x4  }
0x1e1: {  	[tilespmem:s26+$0x1C7C0] =	vst v0;
	v0 =	vld [tilespmem:s26+$0x1A7E0]  }
0x1e2: {  	v1 =	vld.idx.msk [tilespmem:v1+s5+$0x0], $0xffff;
	_ =	sdelay $0x4  }
0x1e3: {  	[tilespmem:s26+$0x1C7D0] =	vst v1;
	v1 =	vld [tilespmem:s26+$0x1A7F0];
	_ =	sdelay $0x1  }
0x1e4: {  	v0 =	vld.idx.msk [tilespmem:v0+s5+$0x0], $0xffff;
	_ =	sdelay $0x4  }
0x1e5: {  	[tilespmem:s26+$0x1C7E0] =	vst v0;
	v0 =	vld [tilespmem:s26+$0x1A800]  }
0x1e6: {  	v1 =	vld.idx.msk [tilespmem:v1+s5+$0x0], $0xffff;
	_ =	sdelay $0x4  }
0x1e7: {  	[tilespmem:s26+$0x1C7F0] =	vst v1;
	v1 =	vld [tilespmem:s26+$0x1A810];
	_ =	sdelay $0x1  }
0x1e8: {  	v0 =	vld.idx.msk [tilespmem:v0+s5+$0x0], $0xffff;
	_ =	sdelay $0x4  }
0x1e9: {  	[tilespmem:s26+$0x1C800] =	vst v0;
	v0 =	vld [tilespmem:s26+$0x1A820]  }
0x1ea: {  	v1 =	vld.idx.msk [tilespmem:v1+s5+$0x0], $0xffff;
	_ =	sdelay $0x4  }
0x1eb: {  	[tilespmem:s26+$0x1C810] =	vst v1;
	v1 =	vld [tilespmem:s26+$0x1A830];
	_ =	sdelay $0x1  }
0x1ec: {  	v0 =	vld.idx.msk [tilespmem:v0+s5+$0x0], $0xffff;
	_ =	sdelay $0x4  }
0x1ed: {  	[tilespmem:s26+$0x1C820] =	vst v0;
	v0 =	vld [tilespmem:s26+$0x1A840]  }
0x1ee: {  	v1 =	vld.idx.msk [tilespmem:v1+s5+$0x0], $0xffff;
	_ =	sdelay $0x4  }
0x1ef: {  	[tilespmem:s26+$0x1C830] =	vst v1;
	v1 =	vld [tilespmem:s26+$0x1A850];
	_ =	sdelay $0x1  }
0x1f0: {  	v0 =	vld.idx.msk [tilespmem:v0+s5+$0x0], $0xffff;
	_ =	sdelay $0x4  }
0x1f1: {  	[tilespmem:s26+$0x1C840] =	vst v0;
	v0 =	vld [tilespmem:s26+$0x1A860]  }
0x1f2: {  	v1 =	vld.idx.msk [tilespmem:v1+s5+$0x0], $0xffff;
	_ =	sdelay $0x4  }
0x1f3: {  	[tilespmem:s26+$0x1C850] =	vst v1;
	v1 =	vld [tilespmem:s26+$0x1A870];
	_ =	sdelay $0x1  }
0x1f4: {  	v0 =	vld.idx.msk [tilespmem:v0+s5+$0x0], $0xffff;
	_ =	sdelay $0x4  }
0x1f5: {  	[tilespmem:s26+$0x1C860] =	vst v0;
	v0 =	vld [tilespmem:s26+$0x1A880]  }
0x1f6: {  	v1 =	vld.idx.msk [tilespmem:v1+s5+$0x0], $0xffff;
	_ =	sdelay $0x4  }
0x1f7: {  	[tilespmem:s26+$0x1C870] =	vst v1;
	v1 =	vld [tilespmem:s26+$0x1A890];
	_ =	sdelay $0x1  }
0x1f8: {  	v0 =	vld.idx.msk [tilespmem:v0+s5+$0x0], $0xffff;
	_ =	sdelay $0x4  }
0x1f9: {  	[tilespmem:s26+$0x1C880] =	vst v0;
	v0 =	vld [tilespmem:s26+$0x1A8A0]  }
0x1fa: {  	v1 =	vld.idx.msk [tilespmem:v1+s5+$0x0], $0xffff;
	_ =	sdelay $0x4  }
0x1fb: {  	[tilespmem:s26+$0x1C890] =	vst v1;
	v1 =	vld [tilespmem:s26+$0x1A8B0];
	_ =	sdelay $0x1  }
0x1fc: {  	v0 =	vld.idx.msk [tilespmem:v0+s5+$0x0], $0xffff;
	_ =	sdelay $0x4  }
0x1fd: {  	[tilespmem:s26+$0x1C8A0] =	vst v0;
	v0 =	vld [tilespmem:s26+$0x1A8C0]  }
0x1fe: {  	v1 =	vld.idx.msk [tilespmem:v1+s5+$0x0], $0xffff;
	_ =	sdelay $0x4  }
0x1ff: {  	[tilespmem:s26+$0x1C8B0] =	vst v1;
	v1 =	vld [tilespmem:s26+$0x1A8D0];
	_ =	sdelay $0x1  }
0x200: {  	v0 =	vld.idx.msk [tilespmem:v0+s5+$0x0], $0xffff;
	_ =	sdelay $0x4  }
0x201: {  	v2 =	vld [tilespmem:s26+$0x1A8E0];
	[tilespmem:s26+$0x1C8C0] =	vst v0  }
0x202: {  	v0 =	vld.idx.msk [tilespmem:v1+s5+$0x0], $0xffff;
	_ =	sdelay $0x4  }
0x203: {  	[tilespmem:s26+$0x1C8D0] =	vst v0;
	v0 =	vld [tilespmem:s26+$0x1A8F0];
	_ =	sdelay $0x1  }
0x204: {  	v1 =	vld.idx.msk [tilespmem:v2+s5+$0x0], $0xffff;
	_ =	sdelay $0x3  }
0x205: {  	s28 =	simm.s32 $0x1000;
	s29 =	simm.s32 $0x200  }
.LBB2_7:
0x206: {  	p0 =	sne.s32 s28, $0x3800;
	v2 =	vld [tilespmem:s29+$0x1A700];
	[tilespmem:s26+$0x1C8E0] =	vst v1  }
0x207: {  	v0 =	vld.idx.msk [tilespmem:v0+s5+$0x0], $0xffff;
	_ =	sdelay $0x5  }
0x208: {  	v1 =	vld [tilespmem:s29+$0x1A710];
	[tilespmem:s26+$0x1C8F0] =	vst v0;
	s26 =	smov.u32 s29  }
0x209: {  	v0 =	vld.idx.msk [tilespmem:v2+s5+$0x0], $0xffff;
	_ =	sdelay $0x5  }
0x20a: {  	[tilespmem:s26+$0x1C700] =	vst v0;
	v0 =	vld [tilespmem:s26+$0x1A720]  }
0x20b: {  	v1 =	vld.idx.msk [tilespmem:v1+s5+$0x0], $0xffff;
	_ =	sdelay $0x5  }
0x20c: {  	[tilespmem:s26+$0x1C710] =	vst v1;
	v1 =	vld [tilespmem:s26+$0x1A730]  }
0x20d: {  	v0 =	vld.idx.msk [tilespmem:v0+s5+$0x0], $0xffff;
	_ =	sdelay $0x5  }
0x20e: {  	[tilespmem:s26+$0x1C720] =	vst v0;
	v0 =	vld [tilespmem:s26+$0x1A740]  }
0x20f: {  	v1 =	vld.idx.msk [tilespmem:v1+s5+$0x0], $0xffff;
	_ =	sdelay $0x5  }
0x210: {  	[tilespmem:s26+$0x1C730] =	vst v1;
	v1 =	vld [tilespmem:s26+$0x1A750]  }
0x211: {  	v0 =	vld.idx.msk [tilespmem:v0+s5+$0x0], $0xffff;
	_ =	sdelay $0x5  }
0x212: {  	[tilespmem:s26+$0x1C740] =	vst v0;
	v0 =	vld [tilespmem:s26+$0x1A760]  }
0x213: {  	v1 =	vld.idx.msk [tilespmem:v1+s5+$0x0], $0xffff;
	_ =	sdelay $0x5  }
0x214: {  	[tilespmem:s26+$0x1C750] =	vst v1;
	v1 =	vld [tilespmem:s26+$0x1A770]  }
0x215: {  	v0 =	vld.idx.msk [tilespmem:v0+s5+$0x0], $0xffff;
	_ =	sdelay $0x5  }
0x216: {  	[tilespmem:s26+$0x1C760] =	vst v0;
	v0 =	vld [tilespmem:s26+$0x1A780]  }
0x217: {  	v1 =	vld.idx.msk [tilespmem:v1+s5+$0x0], $0xffff;
	_ =	sdelay $0x5  }
0x218: {  	[tilespmem:s26+$0x1C770] =	vst v1;
	v1 =	vld [tilespmem:s26+$0x1A790]  }
0x219: {  	v0 =	vld.idx.msk [tilespmem:v0+s5+$0x0], $0xffff;
	_ =	sdelay $0x5  }
0x21a: {  	[tilespmem:s26+$0x1C780] =	vst v0;
	v0 =	vld [tilespmem:s26+$0x1A7A0]  }
0x21b: {  	v1 =	vld.idx.msk [tilespmem:v1+s5+$0x0], $0xffff;
	_ =	sdelay $0x5  }
0x21c: {  	[tilespmem:s26+$0x1C790] =	vst v1;
	v1 =	vld [tilespmem:s26+$0x1A7B0]  }
0x21d: {  	v0 =	vld.idx.msk [tilespmem:v0+s5+$0x0], $0xffff;
	_ =	sdelay $0x5  }
0x21e: {  	[tilespmem:s26+$0x1C7A0] =	vst v0;
	v0 =	vld [tilespmem:s26+$0x1A7C0]  }
0x21f: {  	v1 =	vld.idx.msk [tilespmem:v1+s5+$0x0], $0xffff;
	_ =	sdelay $0x5  }
0x220: {  	[tilespmem:s26+$0x1C7B0] =	vst v1;
	v1 =	vld [tilespmem:s26+$0x1A7D0]  }
0x221: {  	v0 =	vld.idx.msk [tilespmem:v0+s5+$0x0], $0xffff;
	_ =	sdelay $0x5  }
0x222: {  	[tilespmem:s26+$0x1C7C0] =	vst v0;
	v0 =	vld [tilespmem:s26+$0x1A7E0]  }
0x223: {  	v1 =	vld.idx.msk [tilespmem:v1+s5+$0x0], $0xffff;
	_ =	sdelay $0x5  }
0x224: {  	[tilespmem:s26+$0x1C7D0] =	vst v1;
	v1 =	vld [tilespmem:s26+$0x1A7F0]  }
0x225: {  	v0 =	vld.idx.msk [tilespmem:v0+s5+$0x0], $0xffff;
	_ =	sdelay $0x5  }
0x226: {  	[tilespmem:s26+$0x1C7E0] =	vst v0;
	v0 =	vld [tilespmem:s26+$0x1A800]  }
0x227: {  	v1 =	vld.idx.msk [tilespmem:v1+s5+$0x0], $0xffff;
	_ =	sdelay $0x5  }
0x228: {  	[tilespmem:s26+$0x1C7F0] =	vst v1;
	v1 =	vld [tilespmem:s26+$0x1A810]  }
0x229: {  	v0 =	vld.idx.msk [tilespmem:v0+s5+$0x0], $0xffff;
	_ =	sdelay $0x5  }
0x22a: {  	[tilespmem:s26+$0x1C800] =	vst v0;
	v0 =	vld [tilespmem:s26+$0x1A820]  }
0x22b: {  	v1 =	vld.idx.msk [tilespmem:v1+s5+$0x0], $0xffff;
	_ =	sdelay $0x5  }
0x22c: {  	[tilespmem:s26+$0x1C810] =	vst v1;
	v1 =	vld [tilespmem:s26+$0x1A830]  }
0x22d: {  	v0 =	vld.idx.msk [tilespmem:v0+s5+$0x0], $0xffff;
	_ =	sdelay $0x5  }
0x22e: {  	[tilespmem:s26+$0x1C820] =	vst v0;
	v0 =	vld [tilespmem:s26+$0x1A840]  }
0x22f: {  	v1 =	vld.idx.msk [tilespmem:v1+s5+$0x0], $0xffff;
	_ =	sdelay $0x5  }
0x230: {  	[tilespmem:s26+$0x1C830] =	vst v1;
	v1 =	vld [tilespmem:s26+$0x1A850]  }
0x231: {  	v0 =	vld.idx.msk [tilespmem:v0+s5+$0x0], $0xffff;
	_ =	sdelay $0x5  }
0x232: {  	[tilespmem:s26+$0x1C840] =	vst v0;
	v0 =	vld [tilespmem:s26+$0x1A860]  }
0x233: {  	v1 =	vld.idx.msk [tilespmem:v1+s5+$0x0], $0xffff;
	_ =	sdelay $0x5  }
0x234: {  	[tilespmem:s26+$0x1C850] =	vst v1;
	v1 =	vld [tilespmem:s26+$0x1A870]  }
0x235: {  	v0 =	vld.idx.msk [tilespmem:v0+s5+$0x0], $0xffff;
	_ =	sdelay $0x5  }
0x236: {  	[tilespmem:s26+$0x1C860] =	vst v0;
	v0 =	vld [tilespmem:s26+$0x1A880]  }
0x237: {  	v1 =	vld.idx.msk [tilespmem:v1+s5+$0x0], $0xffff;
	_ =	sdelay $0x5  }
0x238: {  	[tilespmem:s26+$0x1C870] =	vst v1;
	v1 =	vld [tilespmem:s26+$0x1A890]  }
0x239: {  	v0 =	vld.idx.msk [tilespmem:v0+s5+$0x0], $0xffff;
	_ =	sdelay $0x5  }
0x23a: {  	[tilespmem:s26+$0x1C880] =	vst v0;
	v0 =	vld [tilespmem:s26+$0x1A8A0]  }
0x23b: {  	v1 =	vld.idx.msk [tilespmem:v1+s5+$0x0], $0xffff;
	_ =	sdelay $0x5  }
0x23c: {  	[tilespmem:s26+$0x1C890] =	vst v1;
	v1 =	vld [tilespmem:s26+$0x1A8B0]  }
0x23d: {  	v0 =	vld.idx.msk [tilespmem:v0+s5+$0x0], $0xffff;
	_ =	sdelay $0x5  }
0x23e: {  	[tilespmem:s26+$0x1C8A0] =	vst v0;
	v0 =	vld [tilespmem:s26+$0x1A8C0]  }
0x23f: {  	v1 =	vld.idx.msk [tilespmem:v1+s5+$0x0], $0xffff;
	_ =	sdelay $0x5  }
0x240: {  	[tilespmem:s26+$0x1C8B0] =	vst v1;
	v1 =	vld [tilespmem:s26+$0x1A8D0]  }
0x241: {  	v0 =	vld.idx.msk [tilespmem:v0+s5+$0x0], $0xffff;
	_ =	sdelay $0x5  }
0x242: {  	[tilespmem:s26+$0x1C8C0] =	vst v0;
	v2 =	vld [tilespmem:s26+$0x1A8E0]  }
0x243: {  	v0 =	vld.idx.msk [tilespmem:v1+s5+$0x0], $0xffff;
	_ =	sdelay $0x5  }
0x244: {  	[tilespmem:s26+$0x1C8D0] =	vst v0;
	v0 =	vld [tilespmem:s26+$0x1A8F0]  }
0x245: {  	v1 =	vld.idx.msk [tilespmem:v2+s5+$0x0], $0xffff  }
.Ltmp2:
0x246: {  	(pc) =	sbr.rel @p0 .LBB2_7-.Ltmp2, $2  }
0x247: {  	_ =	sdelay $0x2  }
0x248: {  	s29 =	sshra.s32 s28, $0x2;
	s28 =	sadd.s32 $0x800, s28  }
0x249: {  	_ =	sdelay $0x1  }
0x24a: {  	v2 =	vld [tilespmem:s29+$0x1A700]  }
0x24b: {  	[tilespmem:s26+$0x1C8E0] =	vst v1  }
0x24c: {  	v0 =	vld.idx.msk [tilespmem:v0+s5+$0x0], $0xffff;
	_ =	sdelay $0x3  }
0x24d: {  	v1 =	vld [tilespmem:s29+$0x1A710]  }
0x24e: {  	[tilespmem:s26+$0x1C8F0] =	vst v0  }
0x24f: {  	v0 =	vld.idx.msk [tilespmem:v2+s5+$0x0], $0xffff;
	_ =	sdelay $0x4  }
0x250: {  	[tilespmem:s29+$0x1C700] =	vst v0;
	v0 =	vld [tilespmem:s29+$0x1A720]  }
0x251: {  	v1 =	vld.idx.msk [tilespmem:v1+s5+$0x0], $0xffff;
	_ =	sdelay $0x4  }
0x252: {  	[tilespmem:s29+$0x1C710] =	vst v1;
	v1 =	vld [tilespmem:s29+$0x1A730];
	_ =	sdelay $0x1  }
0x253: {  	v0 =	vld.idx.msk [tilespmem:v0+s5+$0x0], $0xffff;
	_ =	sdelay $0x4  }
0x254: {  	[tilespmem:s29+$0x1C720] =	vst v0;
	v0 =	vld [tilespmem:s29+$0x1A740]  }
0x255: {  	v1 =	vld.idx.msk [tilespmem:v1+s5+$0x0], $0xffff;
	_ =	sdelay $0x4  }
0x256: {  	[tilespmem:s29+$0x1C730] =	vst v1;
	v1 =	vld [tilespmem:s29+$0x1A750];
	_ =	sdelay $0x1  }
0x257: {  	v0 =	vld.idx.msk [tilespmem:v0+s5+$0x0], $0xffff;
	_ =	sdelay $0x4  }
0x258: {  	[tilespmem:s29+$0x1C740] =	vst v0;
	v0 =	vld [tilespmem:s29+$0x1A760]  }
0x259: {  	v1 =	vld.idx.msk [tilespmem:v1+s5+$0x0], $0xffff;
	_ =	sdelay $0x4  }
0x25a: {  	[tilespmem:s29+$0x1C750] =	vst v1;
	v1 =	vld [tilespmem:s29+$0x1A770];
	_ =	sdelay $0x1  }
0x25b: {  	v0 =	vld.idx.msk [tilespmem:v0+s5+$0x0], $0xffff;
	_ =	sdelay $0x4  }
0x25c: {  	[tilespmem:s29+$0x1C760] =	vst v0;
	v0 =	vld [tilespmem:s29+$0x1A780]  }
0x25d: {  	v1 =	vld.idx.msk [tilespmem:v1+s5+$0x0], $0xffff;
	_ =	sdelay $0x4  }
0x25e: {  	[tilespmem:s29+$0x1C770] =	vst v1;
	v1 =	vld [tilespmem:s29+$0x1A790];
	_ =	sdelay $0x1  }
0x25f: {  	v0 =	vld.idx.msk [tilespmem:v0+s5+$0x0], $0xffff;
	_ =	sdelay $0x4  }
0x260: {  	[tilespmem:s29+$0x1C780] =	vst v0;
	v0 =	vld [tilespmem:s29+$0x1A7A0]  }
0x261: {  	v1 =	vld.idx.msk [tilespmem:v1+s5+$0x0], $0xffff;
	_ =	sdelay $0x4  }
0x262: {  	[tilespmem:s29+$0x1C790] =	vst v1;
	v1 =	vld [tilespmem:s29+$0x1A7B0];
	_ =	sdelay $0x1  }
0x263: {  	v0 =	vld.idx.msk [tilespmem:v0+s5+$0x0], $0xffff;
	_ =	sdelay $0x4  }
0x264: {  	[tilespmem:s29+$0x1C7A0] =	vst v0;
	v0 =	vld [tilespmem:s29+$0x1A7C0]  }
0x265: {  	v1 =	vld.idx.msk [tilespmem:v1+s5+$0x0], $0xffff;
	_ =	sdelay $0x4  }
0x266: {  	[tilespmem:s29+$0x1C7B0] =	vst v1;
	v1 =	vld [tilespmem:s29+$0x1A7D0];
	_ =	sdelay $0x1  }
0x267: {  	v0 =	vld.idx.msk [tilespmem:v0+s5+$0x0], $0xffff;
	_ =	sdelay $0x4  }
0x268: {  	[tilespmem:s29+$0x1C7C0] =	vst v0;
	v0 =	vld [tilespmem:s29+$0x1A7E0]  }
0x269: {  	v1 =	vld.idx.msk [tilespmem:v1+s5+$0x0], $0xffff;
	_ =	sdelay $0x4  }
0x26a: {  	[tilespmem:s29+$0x1C7D0] =	vst v1;
	v1 =	vld [tilespmem:s29+$0x1A7F0];
	_ =	sdelay $0x1  }
0x26b: {  	v0 =	vld.idx.msk [tilespmem:v0+s5+$0x0], $0xffff;
	_ =	sdelay $0x4  }
0x26c: {  	[tilespmem:s29+$0x1C7E0] =	vst v0;
	v0 =	vld [tilespmem:s29+$0x1A800]  }
0x26d: {  	v1 =	vld.idx.msk [tilespmem:v1+s5+$0x0], $0xffff;
	_ =	sdelay $0x4  }
0x26e: {  	[tilespmem:s29+$0x1C7F0] =	vst v1;
	v1 =	vld [tilespmem:s29+$0x1A810];
	_ =	sdelay $0x1  }
0x26f: {  	v0 =	vld.idx.msk [tilespmem:v0+s5+$0x0], $0xffff;
	_ =	sdelay $0x4  }
0x270: {  	[tilespmem:s29+$0x1C800] =	vst v0;
	v0 =	vld [tilespmem:s29+$0x1A820]  }
0x271: {  	v1 =	vld.idx.msk [tilespmem:v1+s5+$0x0], $0xffff;
	_ =	sdelay $0x4  }
0x272: {  	[tilespmem:s29+$0x1C810] =	vst v1;
	v1 =	vld [tilespmem:s29+$0x1A830];
	_ =	sdelay $0x1  }
0x273: {  	v0 =	vld.idx.msk [tilespmem:v0+s5+$0x0], $0xffff;
	_ =	sdelay $0x4  }
0x274: {  	[tilespmem:s29+$0x1C820] =	vst v0;
	v0 =	vld [tilespmem:s29+$0x1A840]  }
0x275: {  	v1 =	vld.idx.msk [tilespmem:v1+s5+$0x0], $0xffff;
	_ =	sdelay $0x4  }
0x276: {  	[tilespmem:s29+$0x1C830] =	vst v1;
	v1 =	vld [tilespmem:s29+$0x1A850];
	_ =	sdelay $0x1  }
0x277: {  	v0 =	vld.idx.msk [tilespmem:v0+s5+$0x0], $0xffff;
	_ =	sdelay $0x4  }
0x278: {  	[tilespmem:s29+$0x1C840] =	vst v0;
	v0 =	vld [tilespmem:s29+$0x1A860]  }
0x279: {  	v1 =	vld.idx.msk [tilespmem:v1+s5+$0x0], $0xffff;
	_ =	sdelay $0x4  }
0x27a: {  	[tilespmem:s29+$0x1C850] =	vst v1;
	v1 =	vld [tilespmem:s29+$0x1A870];
	_ =	sdelay $0x1  }
0x27b: {  	v0 =	vld.idx.msk [tilespmem:v0+s5+$0x0], $0xffff;
	_ =	sdelay $0x4  }
0x27c: {  	[tilespmem:s29+$0x1C860] =	vst v0;
	v0 =	vld [tilespmem:s29+$0x1A880]  }
0x27d: {  	v1 =	vld.idx.msk [tilespmem:v1+s5+$0x0], $0xffff;
	_ =	sdelay $0x4  }
0x27e: {  	[tilespmem:s29+$0x1C870] =	vst v1;
	v1 =	vld [tilespmem:s29+$0x1A890];
	_ =	sdelay $0x1  }
0x27f: {  	v0 =	vld.idx.msk [tilespmem:v0+s5+$0x0], $0xffff;
	_ =	sdelay $0x4  }
0x280: {  	[tilespmem:s29+$0x1C880] =	vst v0;
	v0 =	vld [tilespmem:s29+$0x1A8A0]  }
0x281: {  	v1 =	vld.idx.msk [tilespmem:v1+s5+$0x0], $0xffff;
	_ =	sdelay $0x4  }
0x282: {  	[tilespmem:s29+$0x1C890] =	vst v1;
	v1 =	vld [tilespmem:s29+$0x1A8B0];
	_ =	sdelay $0x1  }
0x283: {  	v0 =	vld.idx.msk [tilespmem:v0+s5+$0x0], $0xffff;
	_ =	sdelay $0x4  }
0x284: {  	[tilespmem:s29+$0x1C8A0] =	vst v0;
	v0 =	vld [tilespmem:s29+$0x1A8C0]  }
0x285: {  	v1 =	vld.idx.msk [tilespmem:v1+s5+$0x0], $0xffff;
	_ =	sdelay $0x4  }
0x286: {  	[tilespmem:s29+$0x1C8B0] =	vst v1;
	v1 =	vld [tilespmem:s29+$0x1A8D0];
	_ =	sdelay $0x1  }
0x287: {  	v0 =	vld.idx.msk [tilespmem:v0+s5+$0x0], $0xffff;
	_ =	sdelay $0x4  }
0x288: {  	[tilespmem:s29+$0x1C8C0] =	vst v0;
	v0 =	vld [tilespmem:s29+$0x1A8E0]  }
0x289: {  	v1 =	vld.idx.msk [tilespmem:v1+s5+$0x0], $0xffff;
	_ =	sdelay $0x4  }
0x28a: {  	[tilespmem:s29+$0x1C8D0] =	vst v1;
	v1 =	vld [tilespmem:s29+$0x1A8F0];
	_ =	sdelay $0x1  }
0x28b: {  	v0 =	vld.idx.msk [tilespmem:v0+s5+$0x0], $0xffff;
	_ =	sdelay $0x4  }
0x28c: {  	[tilespmem:s29+$0x1C8E0] =	vst v0  }
0x28d: {  	v0 =	vld.idx.msk [tilespmem:v1+s5+$0x0], $0xffff;
	_ =	sdelay $0x4  }
0x28e: {  	s31 =	sadd.s32 s25, s11;
	[tilespmem:s29+$0x1C8F0] =	vst v0  }
0x28f: {  	[hbm4b:s31+s14] =	stream.strided.scatter [tilespmem:s19], [sflag:$0x3], $0x1000, s15, s14, $0x38;
	[tilespmem:$0x1E700] =	vst v63  }
0x290: {  	_ =	swait.ge [sflag:s22], $0x1000  }
0x291: {  	[sflag:s22] =	ssyncset.done $0x0  }
0x292: {  	s26 =	simm.s32 $0x0;
	[sflag:s22] =	ssyncadd.s32 $0xFFFFF000  }
0x293: {  	v0 =	vld [tilespmem:s26+$0x1B700];
	_ =	sdelay $0x5  }
0x294: {  	v1 =	vld [tilespmem:s26+$0x1B710];
	_ =	sdelay $0x1  }
0x295: {  	v0 =	vld.idx.msk [tilespmem:v0+s5+$0x0], $0xffff;
	_ =	sdelay $0x4  }
0x296: {  	[tilespmem:s26+$0x1D700] =	vst v0;
	v0 =	vld [tilespmem:s26+$0x1B720]  }
0x297: {  	v1 =	vld.idx.msk [tilespmem:v1+s5+$0x0], $0xffff;
	_ =	sdelay $0x4  }
0x298: {  	[tilespmem:s26+$0x1D710] =	vst v1;
	v1 =	vld [tilespmem:s26+$0x1B730];
	_ =	sdelay $0x1  }
0x299: {  	v0 =	vld.idx.msk [tilespmem:v0+s5+$0x0], $0xffff;
	_ =	sdelay $0x4  }
0x29a: {  	[tilespmem:s26+$0x1D720] =	vst v0;
	v0 =	vld [tilespmem:s26+$0x1B740]  }
0x29b: {  	v1 =	vld.idx.msk [tilespmem:v1+s5+$0x0], $0xffff;
	_ =	sdelay $0x4  }
0x29c: {  	[tilespmem:s26+$0x1D730] =	vst v1;
	v1 =	vld [tilespmem:s26+$0x1B750];
	_ =	sdelay $0x1  }
0x29d: {  	v0 =	vld.idx.msk [tilespmem:v0+s5+$0x0], $0xffff;
	_ =	sdelay $0x4  }
0x29e: {  	[tilespmem:s26+$0x1D740] =	vst v0;
	v0 =	vld [tilespmem:s26+$0x1B760]  }
0x29f: {  	v1 =	vld.idx.msk [tilespmem:v1+s5+$0x0], $0xffff;
	_ =	sdelay $0x4  }
0x2a0: {  	[tilespmem:s26+$0x1D750] =	vst v1;
	v1 =	vld [tilespmem:s26+$0x1B770];
	_ =	sdelay $0x1  }
0x2a1: {  	v0 =	vld.idx.msk [tilespmem:v0+s5+$0x0], $0xffff;
	_ =	sdelay $0x4  }
0x2a2: {  	[tilespmem:s26+$0x1D760] =	vst v0;
	v0 =	vld [tilespmem:s26+$0x1B780]  }
0x2a3: {  	v1 =	vld.idx.msk [tilespmem:v1+s5+$0x0], $0xffff;
	_ =	sdelay $0x4  }
0x2a4: {  	[tilespmem:s26+$0x1D770] =	vst v1;
	v1 =	vld [tilespmem:s26+$0x1B790];
	_ =	sdelay $0x1  }
0x2a5: {  	v0 =	vld.idx.msk [tilespmem:v0+s5+$0x0], $0xffff;
	_ =	sdelay $0x4  }
0x2a6: {  	[tilespmem:s26+$0x1D780] =	vst v0;
	v0 =	vld [tilespmem:s26+$0x1B7A0]  }
0x2a7: {  	v1 =	vld.idx.msk [tilespmem:v1+s5+$0x0], $0xffff;
	_ =	sdelay $0x4  }
0x2a8: {  	[tilespmem:s26+$0x1D790] =	vst v1;
	v1 =	vld [tilespmem:s26+$0x1B7B0];
	_ =	sdelay $0x1  }
0x2a9: {  	v0 =	vld.idx.msk [tilespmem:v0+s5+$0x0], $0xffff;
	_ =	sdelay $0x4  }
0x2aa: {  	[tilespmem:s26+$0x1D7A0] =	vst v0;
	v0 =	vld [tilespmem:s26+$0x1B7C0]  }
0x2ab: {  	v1 =	vld.idx.msk [tilespmem:v1+s5+$0x0], $0xffff;
	_ =	sdelay $0x4  }
0x2ac: {  	[tilespmem:s26+$0x1D7B0] =	vst v1;
	v1 =	vld [tilespmem:s26+$0x1B7D0];
	_ =	sdelay $0x1  }
0x2ad: {  	v0 =	vld.idx.msk [tilespmem:v0+s5+$0x0], $0xffff;
	_ =	sdelay $0x4  }
0x2ae: {  	[tilespmem:s26+$0x1D7C0] =	vst v0;
	v0 =	vld [tilespmem:s26+$0x1B7E0]  }
0x2af: {  	v1 =	vld.idx.msk [tilespmem:v1+s5+$0x0], $0xffff;
	_ =	sdelay $0x4  }
0x2b0: {  	[tilespmem:s26+$0x1D7D0] =	vst v1;
	v1 =	vld [tilespmem:s26+$0x1B7F0];
	_ =	sdelay $0x1  }
0x2b1: {  	v0 =	vld.idx.msk [tilespmem:v0+s5+$0x0], $0xffff;
	_ =	sdelay $0x4  }
0x2b2: {  	[tilespmem:s26+$0x1D7E0] =	vst v0;
	v0 =	vld [tilespmem:s26+$0x1B800]  }
0x2b3: {  	v1 =	vld.idx.msk [tilespmem:v1+s5+$0x0], $0xffff;
	_ =	sdelay $0x4  }
0x2b4: {  	[tilespmem:s26+$0x1D7F0] =	vst v1;
	v1 =	vld [tilespmem:s26+$0x1B810];
	_ =	sdelay $0x1  }
0x2b5: {  	v0 =	vld.idx.msk [tilespmem:v0+s5+$0x0], $0xffff;
	_ =	sdelay $0x4  }
0x2b6: {  	[tilespmem:s26+$0x1D800] =	vst v0;
	v0 =	vld [tilespmem:s26+$0x1B820]  }
0x2b7: {  	v1 =	vld.idx.msk [tilespmem:v1+s5+$0x0], $0xffff;
	_ =	sdelay $0x4  }
0x2b8: {  	[tilespmem:s26+$0x1D810] =	vst v1;
	v1 =	vld [tilespmem:s26+$0x1B830];
	_ =	sdelay $0x1  }
0x2b9: {  	v0 =	vld.idx.msk [tilespmem:v0+s5+$0x0], $0xffff;
	_ =	sdelay $0x4  }
0x2ba: {  	[tilespmem:s26+$0x1D820] =	vst v0;
	v0 =	vld [tilespmem:s26+$0x1B840]  }
0x2bb: {  	v1 =	vld.idx.msk [tilespmem:v1+s5+$0x0], $0xffff;
	_ =	sdelay $0x4  }
0x2bc: {  	[tilespmem:s26+$0x1D830] =	vst v1;
	v1 =	vld [tilespmem:s26+$0x1B850];
	_ =	sdelay $0x1  }
0x2bd: {  	v0 =	vld.idx.msk [tilespmem:v0+s5+$0x0], $0xffff;
	_ =	sdelay $0x4  }
0x2be: {  	[tilespmem:s26+$0x1D840] =	vst v0;
	v0 =	vld [tilespmem:s26+$0x1B860]  }
0x2bf: {  	v1 =	vld.idx.msk [tilespmem:v1+s5+$0x0], $0xffff;
	_ =	sdelay $0x4  }
0x2c0: {  	[tilespmem:s26+$0x1D850] =	vst v1;
	v1 =	vld [tilespmem:s26+$0x1B870];
	_ =	sdelay $0x1  }
0x2c1: {  	v0 =	vld.idx.msk [tilespmem:v0+s5+$0x0], $0xffff;
	_ =	sdelay $0x4  }
0x2c2: {  	[tilespmem:s26+$0x1D860] =	vst v0;
	v0 =	vld [tilespmem:s26+$0x1B880]  }
0x2c3: {  	v1 =	vld.idx.msk [tilespmem:v1+s5+$0x0], $0xffff;
	_ =	sdelay $0x4  }
0x2c4: {  	[tilespmem:s26+$0x1D870] =	vst v1;
	v1 =	vld [tilespmem:s26+$0x1B890];
	_ =	sdelay $0x1  }
0x2c5: {  	v0 =	vld.idx.msk [tilespmem:v0+s5+$0x0], $0xffff;
	_ =	sdelay $0x4  }
0x2c6: {  	[tilespmem:s26+$0x1D880] =	vst v0;
	v0 =	vld [tilespmem:s26+$0x1B8A0]  }
0x2c7: {  	v1 =	vld.idx.msk [tilespmem:v1+s5+$0x0], $0xffff;
	_ =	sdelay $0x4  }
0x2c8: {  	[tilespmem:s26+$0x1D890] =	vst v1;
	v1 =	vld [tilespmem:s26+$0x1B8B0];
	_ =	sdelay $0x1  }
0x2c9: {  	v0 =	vld.idx.msk [tilespmem:v0+s5+$0x0], $0xffff;
	_ =	sdelay $0x4  }
0x2ca: {  	[tilespmem:s26+$0x1D8A0] =	vst v0;
	v0 =	vld [tilespmem:s26+$0x1B8C0]  }
0x2cb: {  	v1 =	vld.idx.msk [tilespmem:v1+s5+$0x0], $0xffff;
	_ =	sdelay $0x4  }
0x2cc: {  	[tilespmem:s26+$0x1D8B0] =	vst v1;
	v1 =	vld [tilespmem:s26+$0x1B8D0];
	_ =	sdelay $0x1  }
0x2cd: {  	v0 =	vld.idx.msk [tilespmem:v0+s5+$0x0], $0xffff;
	_ =	sdelay $0x4  }
0x2ce: {  	v2 =	vld [tilespmem:s26+$0x1B8E0];
	[tilespmem:s26+$0x1D8C0] =	vst v0  }
0x2cf: {  	v0 =	vld.idx.msk [tilespmem:v1+s5+$0x0], $0xffff;
	_ =	sdelay $0x4  }
0x2d0: {  	[tilespmem:s26+$0x1D8D0] =	vst v0;
	v0 =	vld [tilespmem:s26+$0x1B8F0];
	_ =	sdelay $0x1  }
0x2d1: {  	v1 =	vld.idx.msk [tilespmem:v2+s5+$0x0], $0xffff;
	_ =	sdelay $0x3  }
0x2d2: {  	s28 =	simm.s32 $0x1000;
	s29 =	simm.s32 $0x200  }
.LBB2_9:
0x2d3: {  	p0 =	sne.s32 s28, $0x3800;
	v2 =	vld [tilespmem:s29+$0x1B700];
	[tilespmem:s26+$0x1D8E0] =	vst v1  }
0x2d4: {  	v0 =	vld.idx.msk [tilespmem:v0+s5+$0x0], $0xffff;
	_ =	sdelay $0x5  }
0x2d5: {  	v1 =	vld [tilespmem:s29+$0x1B710];
	[tilespmem:s26+$0x1D8F0] =	vst v0;
	s26 =	smov.u32 s29  }
0x2d6: {  	v0 =	vld.idx.msk [tilespmem:v2+s5+$0x0], $0xffff;
	_ =	sdelay $0x5  }
0x2d7: {  	[tilespmem:s26+$0x1D700] =	vst v0;
	v0 =	vld [tilespmem:s26+$0x1B720]  }
0x2d8: {  	v1 =	vld.idx.msk [tilespmem:v1+s5+$0x0], $0xffff;
	_ =	sdelay $0x5  }
0x2d9: {  	[tilespmem:s26+$0x1D710] =	vst v1;
	v1 =	vld [tilespmem:s26+$0x1B730]  }
0x2da: {  	v0 =	vld.idx.msk [tilespmem:v0+s5+$0x0], $0xffff;
	_ =	sdelay $0x5  }
0x2db: {  	[tilespmem:s26+$0x1D720] =	vst v0;
	v0 =	vld [tilespmem:s26+$0x1B740]  }
0x2dc: {  	v1 =	vld.idx.msk [tilespmem:v1+s5+$0x0], $0xffff;
	_ =	sdelay $0x5  }
0x2dd: {  	[tilespmem:s26+$0x1D730] =	vst v1;
	v1 =	vld [tilespmem:s26+$0x1B750]  }
0x2de: {  	v0 =	vld.idx.msk [tilespmem:v0+s5+$0x0], $0xffff;
	_ =	sdelay $0x5  }
0x2df: {  	[tilespmem:s26+$0x1D740] =	vst v0;
	v0 =	vld [tilespmem:s26+$0x1B760]  }
0x2e0: {  	v1 =	vld.idx.msk [tilespmem:v1+s5+$0x0], $0xffff;
	_ =	sdelay $0x5  }
0x2e1: {  	[tilespmem:s26+$0x1D750] =	vst v1;
	v1 =	vld [tilespmem:s26+$0x1B770]  }
0x2e2: {  	v0 =	vld.idx.msk [tilespmem:v0+s5+$0x0], $0xffff;
	_ =	sdelay $0x5  }
0x2e3: {  	[tilespmem:s26+$0x1D760] =	vst v0;
	v0 =	vld [tilespmem:s26+$0x1B780]  }
0x2e4: {  	v1 =	vld.idx.msk [tilespmem:v1+s5+$0x0], $0xffff;
	_ =	sdelay $0x5  }
0x2e5: {  	[tilespmem:s26+$0x1D770] =	vst v1;
	v1 =	vld [tilespmem:s26+$0x1B790]  }
0x2e6: {  	v0 =	vld.idx.msk [tilespmem:v0+s5+$0x0], $0xffff;
	_ =	sdelay $0x5  }
0x2e7: {  	[tilespmem:s26+$0x1D780] =	vst v0;
	v0 =	vld [tilespmem:s26+$0x1B7A0]  }
0x2e8: {  	v1 =	vld.idx.msk [tilespmem:v1+s5+$0x0], $0xffff;
	_ =	sdelay $0x5  }
0x2e9: {  	[tilespmem:s26+$0x1D790] =	vst v1;
	v1 =	vld [tilespmem:s26+$0x1B7B0]  }
0x2ea: {  	v0 =	vld.idx.msk [tilespmem:v0+s5+$0x0], $0xffff;
	_ =	sdelay $0x5  }
0x2eb: {  	[tilespmem:s26+$0x1D7A0] =	vst v0;
	v0 =	vld [tilespmem:s26+$0x1B7C0]  }
0x2ec: {  	v1 =	vld.idx.msk [tilespmem:v1+s5+$0x0], $0xffff;
	_ =	sdelay $0x5  }
0x2ed: {  	[tilespmem:s26+$0x1D7B0] =	vst v1;
	v1 =	vld [tilespmem:s26+$0x1B7D0]  }
0x2ee: {  	v0 =	vld.idx.msk [tilespmem:v0+s5+$0x0], $0xffff;
	_ =	sdelay $0x5  }
0x2ef: {  	[tilespmem:s26+$0x1D7C0] =	vst v0;
	v0 =	vld [tilespmem:s26+$0x1B7E0]  }
0x2f0: {  	v1 =	vld.idx.msk [tilespmem:v1+s5+$0x0], $0xffff;
	_ =	sdelay $0x5  }
0x2f1: {  	[tilespmem:s26+$0x1D7D0] =	vst v1;
	v1 =	vld [tilespmem:s26+$0x1B7F0]  }
0x2f2: {  	v0 =	vld.idx.msk [tilespmem:v0+s5+$0x0], $0xffff;
	_ =	sdelay $0x5  }
0x2f3: {  	[tilespmem:s26+$0x1D7E0] =	vst v0;
	v0 =	vld [tilespmem:s26+$0x1B800]  }
0x2f4: {  	v1 =	vld.idx.msk [tilespmem:v1+s5+$0x0], $0xffff;
	_ =	sdelay $0x5  }
0x2f5: {  	[tilespmem:s26+$0x1D7F0] =	vst v1;
	v1 =	vld [tilespmem:s26+$0x1B810]  }
0x2f6: {  	v0 =	vld.idx.msk [tilespmem:v0+s5+$0x0], $0xffff;
	_ =	sdelay $0x5  }
0x2f7: {  	[tilespmem:s26+$0x1D800] =	vst v0;
	v0 =	vld [tilespmem:s26+$0x1B820]  }
0x2f8: {  	v1 =	vld.idx.msk [tilespmem:v1+s5+$0x0], $0xffff;
	_ =	sdelay $0x5  }
0x2f9: {  	[tilespmem:s26+$0x1D810] =	vst v1;
	v1 =	vld [tilespmem:s26+$0x1B830]  }
0x2fa: {  	v0 =	vld.idx.msk [tilespmem:v0+s5+$0x0], $0xffff;
	_ =	sdelay $0x5  }
0x2fb: {  	[tilespmem:s26+$0x1D820] =	vst v0;
	v0 =	vld [tilespmem:s26+$0x1B840]  }
0x2fc: {  	v1 =	vld.idx.msk [tilespmem:v1+s5+$0x0], $0xffff;
	_ =	sdelay $0x5  }
0x2fd: {  	[tilespmem:s26+$0x1D830] =	vst v1;
	v1 =	vld [tilespmem:s26+$0x1B850]  }
0x2fe: {  	v0 =	vld.idx.msk [tilespmem:v0+s5+$0x0], $0xffff;
	_ =	sdelay $0x5  }
0x2ff: {  	[tilespmem:s26+$0x1D840] =	vst v0;
	v0 =	vld [tilespmem:s26+$0x1B860]  }
0x300: {  	v1 =	vld.idx.msk [tilespmem:v1+s5+$0x0], $0xffff;
	_ =	sdelay $0x5  }
0x301: {  	[tilespmem:s26+$0x1D850] =	vst v1;
	v1 =	vld [tilespmem:s26+$0x1B870]  }
0x302: {  	v0 =	vld.idx.msk [tilespmem:v0+s5+$0x0], $0xffff;
	_ =	sdelay $0x5  }
0x303: {  	[tilespmem:s26+$0x1D860] =	vst v0;
	v0 =	vld [tilespmem:s26+$0x1B880]  }
0x304: {  	v1 =	vld.idx.msk [tilespmem:v1+s5+$0x0], $0xffff;
	_ =	sdelay $0x5  }
0x305: {  	[tilespmem:s26+$0x1D870] =	vst v1;
	v1 =	vld [tilespmem:s26+$0x1B890]  }
0x306: {  	v0 =	vld.idx.msk [tilespmem:v0+s5+$0x0], $0xffff;
	_ =	sdelay $0x5  }
0x307: {  	[tilespmem:s26+$0x1D880] =	vst v0;
	v0 =	vld [tilespmem:s26+$0x1B8A0]  }
0x308: {  	v1 =	vld.idx.msk [tilespmem:v1+s5+$0x0], $0xffff;
	_ =	sdelay $0x5  }
0x309: {  	[tilespmem:s26+$0x1D890] =	vst v1;
	v1 =	vld [tilespmem:s26+$0x1B8B0]  }
0x30a: {  	v0 =	vld.idx.msk [tilespmem:v0+s5+$0x0], $0xffff;
	_ =	sdelay $0x5  }
0x30b: {  	[tilespmem:s26+$0x1D8A0] =	vst v0;
	v0 =	vld [tilespmem:s26+$0x1B8C0]  }
0x30c: {  	v1 =	vld.idx.msk [tilespmem:v1+s5+$0x0], $0xffff;
	_ =	sdelay $0x5  }
0x30d: {  	[tilespmem:s26+$0x1D8B0] =	vst v1;
	v1 =	vld [tilespmem:s26+$0x1B8D0]  }
0x30e: {  	v0 =	vld.idx.msk [tilespmem:v0+s5+$0x0], $0xffff;
	_ =	sdelay $0x5  }
0x30f: {  	[tilespmem:s26+$0x1D8C0] =	vst v0;
	v2 =	vld [tilespmem:s26+$0x1B8E0]  }
0x310: {  	v0 =	vld.idx.msk [tilespmem:v1+s5+$0x0], $0xffff;
	_ =	sdelay $0x5  }
0x311: {  	[tilespmem:s26+$0x1D8D0] =	vst v0;
	v0 =	vld [tilespmem:s26+$0x1B8F0]  }
0x312: {  	v1 =	vld.idx.msk [tilespmem:v2+s5+$0x0], $0xffff  }
.Ltmp3:
0x313: {  	(pc) =	sbr.rel @p0 .LBB2_9-.Ltmp3, $2  }
0x314: {  	_ =	sdelay $0x2  }
0x315: {  	s29 =	sshra.s32 s28, $0x2;
	s28 =	sadd.s32 $0x800, s28  }
0x316: {  	_ =	sdelay $0x1  }
0x317: {  	v2 =	vld [tilespmem:s29+$0x1B700]  }
0x318: {  	[tilespmem:s26+$0x1D8E0] =	vst v1  }
0x319: {  	v0 =	vld.idx.msk [tilespmem:v0+s5+$0x0], $0xffff;
	_ =	sdelay $0x3  }
0x31a: {  	v1 =	vld [tilespmem:s29+$0x1B710]  }
0x31b: {  	[tilespmem:s26+$0x1D8F0] =	vst v0  }
0x31c: {  	v0 =	vld.idx.msk [tilespmem:v2+s5+$0x0], $0xffff;
	_ =	sdelay $0x3  }
0x31d: {  	v34 =	vld [tilespmem:s29+$0x1B720]  }
0x31e: {  	[tilespmem:s29+$0x1D700] =	vst v0  }
0x31f: {  	v1 =	vld.idx.msk [tilespmem:v1+s5+$0x0], $0xffff;
	_ =	sdelay $0x3  }
0x320: {  	v35 =	vld [tilespmem:s29+$0x1B730]  }
0x321: {  	[tilespmem:s29+$0x1D710] =	vst v1  }
0x322: {  	v0 =	vld.idx.msk [tilespmem:v34+s5+$0x0], $0xffff;
	_ =	sdelay $0x3  }
0x323: {  	v36 =	vld [tilespmem:s29+$0x1B740]  }
0x324: {  	[tilespmem:s29+$0x1D720] =	vst v0  }
0x325: {  	v1 =	vld.idx.msk [tilespmem:v35+s5+$0x0], $0xffff;
	_ =	sdelay $0x3  }
0x326: {  	v37 =	vld [tilespmem:s29+$0x1B750]  }
0x327: {  	[tilespmem:s29+$0x1D730] =	vst v1  }
0x328: {  	v0 =	vld.idx.msk [tilespmem:v36+s5+$0x0], $0xffff;
	_ =	sdelay $0x3  }
0x329: {  	v38 =	vld [tilespmem:s29+$0x1B760]  }
0x32a: {  	[tilespmem:s29+$0x1D740] =	vst v0  }
0x32b: {  	v1 =	vld.idx.msk [tilespmem:v37+s5+$0x0], $0xffff;
	_ =	sdelay $0x3  }
0x32c: {  	v39 =	vld [tilespmem:s29+$0x1B770]  }
0x32d: {  	[tilespmem:s29+$0x1D750] =	vst v1  }
0x32e: {  	v0 =	vld.idx.msk [tilespmem:v38+s5+$0x0], $0xffff;
	_ =	sdelay $0x3  }
0x32f: {  	v40 =	vld [tilespmem:s29+$0x1B780]  }
0x330: {  	[tilespmem:s29+$0x1D760] =	vst v0  }
0x331: {  	v1 =	vld.idx.msk [tilespmem:v39+s5+$0x0], $0xffff;
	_ =	sdelay $0x3  }
0x332: {  	v41 =	vld [tilespmem:s29+$0x1B790]  }
0x333: {  	[tilespmem:s29+$0x1D770] =	vst v1  }
0x334: {  	v0 =	vld.idx.msk [tilespmem:v40+s5+$0x0], $0xffff;
	_ =	sdelay $0x3  }
0x335: {  	v42 =	vld [tilespmem:s29+$0x1B7A0]  }
0x336: {  	[tilespmem:s29+$0x1D780] =	vst v0  }
0x337: {  	v1 =	vld.idx.msk [tilespmem:v41+s5+$0x0], $0xffff;
	_ =	sdelay $0x3  }
0x338: {  	v43 =	vld [tilespmem:s29+$0x1B7B0]  }
0x339: {  	[tilespmem:s29+$0x1D790] =	vst v1  }
0x33a: {  	v0 =	vld.idx.msk [tilespmem:v42+s5+$0x0], $0xffff;
	_ =	sdelay $0x3  }
0x33b: {  	v44 =	vld [tilespmem:s29+$0x1B7C0]  }
0x33c: {  	[tilespmem:s29+$0x1D7A0] =	vst v0  }
0x33d: {  	v1 =	vld.idx.msk [tilespmem:v43+s5+$0x0], $0xffff;
	_ =	sdelay $0x3  }
0x33e: {  	v45 =	vld [tilespmem:s29+$0x1B7D0]  }
0x33f: {  	[tilespmem:s29+$0x1D7B0] =	vst v1  }
0x340: {  	v0 =	vld.idx.msk [tilespmem:v44+s5+$0x0], $0xffff;
	_ =	sdelay $0x3  }
0x341: {  	v46 =	vld [tilespmem:s29+$0x1B7E0]  }
0x342: {  	[tilespmem:s29+$0x1D7C0] =	vst v0  }
0x343: {  	v1 =	vld.idx.msk [tilespmem:v45+s5+$0x0], $0xffff;
	_ =	sdelay $0x3  }
0x344: {  	v47 =	vld [tilespmem:s29+$0x1B7F0]  }
0x345: {  	[tilespmem:s29+$0x1D7D0] =	vst v1  }
0x346: {  	v0 =	vld.idx.msk [tilespmem:v46+s5+$0x0], $0xffff;
	_ =	sdelay $0x3  }
0x347: {  	v48 =	vld [tilespmem:s29+$0x1B800]  }
0x348: {  	[tilespmem:s29+$0x1D7E0] =	vst v0  }
0x349: {  	v1 =	vld.idx.msk [tilespmem:v47+s5+$0x0], $0xffff;
	_ =	sdelay $0x3  }
0x34a: {  	v49 =	vld [tilespmem:s29+$0x1B810]  }
0x34b: {  	[tilespmem:s29+$0x1D7F0] =	vst v1  }
0x34c: {  	v0 =	vld.idx.msk [tilespmem:v48+s5+$0x0], $0xffff;
	_ =	sdelay $0x3  }
0x34d: {  	v50 =	vld [tilespmem:s29+$0x1B820]  }
0x34e: {  	[tilespmem:s29+$0x1D800] =	vst v0  }
0x34f: {  	v1 =	vld.idx.msk [tilespmem:v49+s5+$0x0], $0xffff;
	_ =	sdelay $0x3  }
0x350: {  	v51 =	vld [tilespmem:s29+$0x1B830]  }
0x351: {  	[tilespmem:s29+$0x1D810] =	vst v1  }
0x352: {  	v0 =	vld.idx.msk [tilespmem:v50+s5+$0x0], $0xffff;
	_ =	sdelay $0x3  }
0x353: {  	v52 =	vld [tilespmem:s29+$0x1B840]  }
0x354: {  	[tilespmem:s29+$0x1D820] =	vst v0  }
0x355: {  	v1 =	vld.idx.msk [tilespmem:v51+s5+$0x0], $0xffff;
	_ =	sdelay $0x3  }
0x356: {  	v53 =	vld [tilespmem:s29+$0x1B850]  }
0x357: {  	[tilespmem:s29+$0x1D830] =	vst v1  }
0x358: {  	v0 =	vld.idx.msk [tilespmem:v52+s5+$0x0], $0xffff;
	_ =	sdelay $0x3  }
0x359: {  	v54 =	vld [tilespmem:s29+$0x1B860]  }
0x35a: {  	[tilespmem:s29+$0x1D840] =	vst v0  }
0x35b: {  	v1 =	vld.idx.msk [tilespmem:v53+s5+$0x0], $0xffff;
	_ =	sdelay $0x3  }
0x35c: {  	v55 =	vld [tilespmem:s29+$0x1B870]  }
0x35d: {  	[tilespmem:s29+$0x1D850] =	vst v1  }
0x35e: {  	v0 =	vld.idx.msk [tilespmem:v54+s5+$0x0], $0xffff;
	_ =	sdelay $0x3  }
0x35f: {  	v56 =	vld [tilespmem:s29+$0x1B880]  }
0x360: {  	[tilespmem:s29+$0x1D860] =	vst v0  }
0x361: {  	v1 =	vld.idx.msk [tilespmem:v55+s5+$0x0], $0xffff;
	_ =	sdelay $0x3  }
0x362: {  	v57 =	vld [tilespmem:s29+$0x1B890]  }
0x363: {  	[tilespmem:s29+$0x1D870] =	vst v1  }
0x364: {  	v0 =	vld.idx.msk [tilespmem:v56+s5+$0x0], $0xffff;
	_ =	sdelay $0x3  }
0x365: {  	v58 =	vld [tilespmem:s29+$0x1B8A0]  }
0x366: {  	[tilespmem:s29+$0x1D880] =	vst v0  }
0x367: {  	v1 =	vld.idx.msk [tilespmem:v57+s5+$0x0], $0xffff;
	_ =	sdelay $0x3  }
0x368: {  	v59 =	vld [tilespmem:s29+$0x1B8B0]  }
0x369: {  	[tilespmem:s29+$0x1D890] =	vst v1  }
0x36a: {  	v0 =	vld.idx.msk [tilespmem:v58+s5+$0x0], $0xffff;
	_ =	sdelay $0x3  }
0x36b: {  	v60 =	vld [tilespmem:s29+$0x1B8C0]  }
0x36c: {  	[tilespmem:s29+$0x1D8A0] =	vst v0  }
0x36d: {  	v1 =	vld.idx.msk [tilespmem:v59+s5+$0x0], $0xffff;
	_ =	sdelay $0x3  }
0x36e: {  	v61 =	vld [tilespmem:s29+$0x1B8D0]  }
0x36f: {  	[tilespmem:s29+$0x1D8B0] =	vst v1  }
0x370: {  	v0 =	vld.idx.msk [tilespmem:v60+s5+$0x0], $0xffff;
	_ =	sdelay $0x3  }
0x371: {  	v62 =	vld [tilespmem:s29+$0x1B8E0]  }
0x372: {  	[tilespmem:s29+$0x1D8C0] =	vst v0  }
0x373: {  	v1 =	vld.idx.msk [tilespmem:v61+s5+$0x0], $0xffff;
	_ =	sdelay $0x3  }
0x374: {  	v63 =	vld [tilespmem:s29+$0x1B8F0]  }
0x375: {  	[tilespmem:s29+$0x1D8D0] =	vst v1  }
0x376: {  	v0 =	vld.idx.msk [tilespmem:v62+s5+$0x0], $0xffff;
	_ =	sdelay $0x4  }
0x377: {  	[tilespmem:s29+$0x1D8E0] =	vst v0  }
0x378: {  	s24 =	sadd.s32 $0x1, s24;
	v0 =	vld.idx.msk [tilespmem:v63+s5+$0x0], $0xffff  }
0x379: {  	p0 =	sne.s32 s24, $0x1A  }
.Ltmp4:
0x37a: {  	_ = 	snop;
	(pc) =	sbr.rel @p0 .LBB2_2-.Ltmp4, $3  }
0x37b: {  	_ =	sdelay $0x1  }
0x37c: {  	s25 =	sadd.s32 s25, s12;
	[tilespmem:s29+$0x1D8F0] =	vst v0  }
0x37d: {  	[hbm4b:s25+s14] =	stream.strided.scatter [tilespmem:s20], [sflag:$0x4], $0x1000, s15, s14, $0x38;
	[tilespmem:$0x1E700] =	vst v63  }
0x37e: {  	s23 =	sadd.s32 $0x1, s23  }
0x37f: {  	_ =	swait.ge [sflag:s21], $0x1000;
	p0 =	sne.s32 s23, s13  }
.Ltmp5:
0x380: {  	[sflag:s21] =	ssyncset.done $0x0;
	(pc) =	sbr.rel @p0 .LBB2_1-.Ltmp5, $4  }
0x381: {  	[sflag:s21] =	ssyncadd.s32 $0xFFFFF000  }
0x382: {  	_ =	swait.ge [sflag:s22], $0x1000  }
0x383: {  	[sflag:s22] =	ssyncset.done $0x0  }
0x384: {  	[sflag:s22] =	ssyncadd.s32 $0xFFFFF000  }
0x385: {  	_ =	sfence.sel $0x180000  }
0x386: {  	[bflag:$0x0] =	sbarrier.arrive $0xFFFF  }
0x387: {  	p0 =	sne.s32 s2, $0x0;
	_ =	strace $0x90000047  }
0x388: {  	s0 =	sadd.s32 @!p0 $0x100000, s0;
	[bflag:$0x2] =	sbarrier.arrive $0xFFFF  }
0x389: {  	[sflag:s0] =	ssyncadd.tile.s32 @!p0 $0x1;
	_ =	shalt  }
.Lfunc_end2:
_tile_overlayer_lowered:
.L_overlay_start_2:
0x38a: {  	(tag) =	ssettag $0x2  }
0x38b: {  	s0 =	rddreg [dreg:$0x0];
	s2 =	stileid.u32  }
0x38c: {  	s1 =	rddreg [dreg:$0x1];
	p0 =	sne.s32 s2, $0x0  }
0x38d: {  	s3 =	rddreg [dreg:$0x2];
	[bflag:$0x3] =	sbarrier.arrive $0xFFFF;
	s2 =	simm.s32 @!p0 $0x1C05  }
0x38e: {  	[timem:s3], [sflag:s2] =	dma.local @!p0 [hbm:s0], s1  }
0x38f: {  	s0 =	simm.s32 @!p0 $0x5  }
0x390: {  	_ =	swait.ge @!p0 [sflag:s0], s1  }
0x391: {  	s1 =	ssub.s32 @!p0 $0x0, s1;
	[sflag:s0] =	ssyncset.done @!p0 $0x0  }
0x392: {  	[sflag:s0] =	ssyncadd.s32 @!p0 s1  }
0x393: {  	[bflag:$0x3] =	sbarrier.arrive $0xFFFF  }
0x394: {  	_ =	shalt  }

</sc_bundles>
